<compile_context>
chip_gen: v7x
topology: tpu7x:2x2x1
jax: 0.10.2.dev20260603
libtpu: 0.0.44.dev20260713+nightly
codegen_flags: <defaults>
</compile_context>

<pallas_src>
import jax
import jax.numpy as jnp
from jax import lax
from jax.experimental import pallas as pl
from jax.experimental.pallas import tpu as pltpu
from jax.experimental.pallas import tpu_sc as plsc

N = 10000
D = 128
H = 128
E = 320000

NC = 2
NS = 16
L = 16
NW = NC * NS
CE = 72
CH = 141
EPW = CE * CH
E_PAD = NW * EPW
N_PAD = 10016
RPS = N_PAD // NS
DUMMY = N
NBUF = 3
BLK = 1000


def _vec_mesh():
    return plsc.VectorSubcoreMesh(core_axis_name="c", subcore_axis_name="s",
                                  num_cores=NC, num_subcores=NS)


_SC_PARAMS = pltpu.CompilerParams(use_tc_tiling_on_sc=False)



def _sc_deg(dst_w):

    @pl.kernel(
        out_type=jax.ShapeDtypeStruct((NC, N_PAD, L), jnp.float32),
        mesh=_vec_mesh(),
        scratch_types=[
            pltpu.VMEM((CH, CE), jnp.int32),
            pltpu.VMEM((CE, L), jnp.float32),
            pltpu.VMEM((RPS, L), jnp.float32),
            pltpu.VMEM_SHARED((N_PAD, L), jnp.float32),
            pltpu.SemaphoreType.DMA,
        ],
        compiler_params=_SC_PARAMS,
    )
    def k(dst_hbm, out_hbm, dstv, onesv, zv, acc, sem):
        cid = lax.axis_index("c")
        sid = lax.axis_index("s")
        wid = cid * NS + sid
        pltpu.async_copy(dst_hbm.at[wid], dstv, sem).wait()

        @pl.loop(0, CE)
        def _(r):
            onesv[r, :] = jnp.ones((L,), jnp.float32)

        @pl.loop(0, RPS)
        def _(r):
            zv[r, :] = jnp.zeros((L,), jnp.float32)

        pltpu.sync_copy(zv, acc.at[pl.ds(sid * RPS, RPS)])
        plsc.subcore_barrier()

        @pl.loop(0, CH)
        def _(j):
            pltpu.sync_copy(onesv, acc.at[dstv.at[j]], add=True)

        plsc.subcore_barrier()
        pltpu.sync_copy(acc.at[pl.ds(sid * RPS, RPS)],
                        out_hbm.at[cid, pl.ds(sid * RPS, RPS)])

    return k(dst_w)


def _sc_agg(data, src_w, dst_w):

    @pl.kernel(
        out_type=jax.ShapeDtypeStruct((NC, N_PAD, D), jnp.float32),
        mesh=_vec_mesh(),
        scratch_types=[
            pltpu.VMEM((EPW,), jnp.int32),
            pltpu.VMEM((CH, CE), jnp.int32),
            pltpu.VMEM((NBUF, CE, D), jnp.float32),
            pltpu.VMEM_SHARED((N_PAD, D), jnp.float32),
            pltpu.SemaphoreType.DMA,
            pltpu.SemaphoreType.DMA,
        ] + [pltpu.SemaphoreType.DMA] * (2 * NBUF),
        compiler_params=_SC_PARAMS,
    )
    def k(data_hbm, src_hbm, dst_hbm, out_hbm,
          srcv, dstv, rbufs, acc, is0, is1, *sems):
        gsems = sems[:NBUF]
        ssems = sems[NBUF:]
        cid = lax.axis_index("c")
        sid = lax.axis_index("s")
        wid = cid * NS + sid
        pltpu.async_copy(src_hbm.at[wid], srcv, is0).wait()
        pltpu.async_copy(dst_hbm.at[wid], dstv, is1).wait()

        @pl.loop(0, CE)
        def _(r):
            @pl.loop(0, D, step=L)
            def _(cc):
                rbufs[0, r, pl.ds(cc, L)] = jnp.zeros((L,), jnp.float32)

        for kk in range(RPS // CE):
            pltpu.sync_copy(rbufs.at[0],
                            acc.at[pl.ds(sid * RPS + kk * CE, CE)])
        pltpu.sync_copy(rbufs.at[0].at[pl.ds(0, RPS - (RPS // CE) * CE)],
                        acc.at[pl.ds(sid * RPS + (RPS // CE) * CE,
                                     RPS - (RPS // CE) * CE)])
        plsc.subcore_barrier()

        for b in range(NBUF):
            pltpu.async_copy(data_hbm.at[srcv.at[pl.ds(b * CE, CE)]],
                             rbufs.at[b], gsems[b])

        @pl.loop(0, CH, step=NBUF)
        def _(j):
            for b in range(NBUF):
                pltpu.make_async_copy(
                    data_hbm.at[srcv.at[pl.ds(0, CE)]],
                    rbufs.at[b], gsems[b]).wait()
                pltpu.async_copy(rbufs.at[b], acc.at[dstv.at[j + b]],
                                 ssems[b], add=True)
            for b in range(NBUF):
                pltpu.make_async_copy(
                    rbufs.at[b], acc.at[dstv.at[0]], ssems[b]).wait()
                nxt = jnp.minimum(j + NBUF + b, CH - 1) * CE
                pltpu.async_copy(data_hbm.at[srcv.at[pl.ds(nxt, CE)]],
                                 rbufs.at[b], gsems[b])

        for b in range(NBUF):
            pltpu.make_async_copy(
                data_hbm.at[srcv.at[pl.ds(0, CE)]],
                rbufs.at[b], gsems[b]).wait()

        plsc.subcore_barrier()
        pltpu.sync_copy(acc.at[pl.ds(sid * RPS, RPS)],
                        out_hbm.at[cid, pl.ds(sid * RPS, RPS)])

    return k(data, src_w, dst_w)



def _tc_scale_matmul(x, W1, degp):

    def body(x_ref, w_ref, degp_ref, xw_ref, dis_ref):
        deg = degp_ref[0, :, 0:1] + degp_ref[1, :, 0:1]
        dis = jnp.where(deg > 0.0,
                        lax.rsqrt(jnp.maximum(deg, 1e-12)), 0.0)
        disb = jnp.broadcast_to(dis, (BLK, D))
        xw = jnp.dot(x_ref[...], w_ref[...],
                     preferred_element_type=jnp.float32)
        xw_ref[...] = xw * disb
        dis_ref[...] = disb

    return pl.pallas_call(
        body,
        grid=(N // BLK,),
        in_specs=[
            pl.BlockSpec((BLK, D), lambda i: (i, 0)),
            pl.BlockSpec((D, H), lambda i: (0, 0)),
            pl.BlockSpec((NC, BLK, L), lambda i: (0, i, 0)),
        ],
        out_specs=[
            pl.BlockSpec((BLK, H), lambda i: (i, 0)),
            pl.BlockSpec((BLK, D), lambda i: (i, 0)),
        ],
        out_shape=[
            jax.ShapeDtypeStruct((N, H), jnp.float32),
            jax.ShapeDtypeStruct((N, D), jnp.float32),
        ],
    )(x, W1, degp)


def _tc_layer2_in(parts, dis, b1, W2):

    def body(p_ref, dis_ref, b1_ref, w2_ref, y_ref):
        agg = (p_ref[0] + p_ref[1]) * dis_ref[...] + b1_ref[...]
        h = jnp.maximum(agg, 0.0)
        y_ref[...] = jnp.dot(h, w2_ref[...],
                             preferred_element_type=jnp.float32) * dis_ref[...]

    return pl.pallas_call(
        body,
        grid=(N // BLK,),
        in_specs=[
            pl.BlockSpec((NC, BLK, D), lambda i: (0, i, 0)),
            pl.BlockSpec((BLK, D), lambda i: (i, 0)),
            pl.BlockSpec((1, D), lambda i: (0, 0)),
            pl.BlockSpec((H, H), lambda i: (0, 0)),
        ],
        out_specs=pl.BlockSpec((BLK, H), lambda i: (i, 0)),
        out_shape=jax.ShapeDtypeStruct((N, H), jnp.float32),
    )(parts, dis, b1, W2)


def _tc_head(parts, dis, b2, wa, bia, bha, wb, bib, bhb, wo, bo):

    def body(p_ref, dis_ref, b2_ref, wa_ref, bia_ref, bha_ref,
             wb_ref, bib_ref, bhb_ref, wo_ref, bo_ref,
             out_ref, h1_ref, c1_ref, h2_ref, c2_ref):
        q = (p_ref[0] + p_ref[1]) * dis_ref[...] + b2_ref[...]
        h = jnp.maximum(q, 0.0)
        g1 = jnp.dot(h, wa_ref[...], preferred_element_type=jnp.float32)
        g1 = g1 + bia_ref[...] + bha_ref[...]
        i1 = jax.nn.sigmoid(g1[:, 0:H])
        gg1 = jnp.tanh(g1[:, H:2 * H])
        o1 = jax.nn.sigmoid(g1[:, 2 * H:3 * H])
        c1 = i1 * gg1
        h1 = o1 * jnp.tanh(c1)
        g2 = jnp.dot(h1, wb_ref[...], preferred_element_type=jnp.float32)
        g2 = g2 + bib_ref[...] + bhb_ref[...]
        i2 = jax.nn.sigmoid(g2[:, 0:H])
        gg2 = jnp.tanh(g2[:, H:2 * H])
        o2 = jax.nn.sigmoid(g2[:, 2 * H:3 * H])
        c2 = i2 * gg2
        h2 = o2 * jnp.tanh(c2)
        out_ref[...] = jnp.dot(h2, wo_ref[...],
                               preferred_element_type=jnp.float32) + bo_ref[...]
        h1_ref[...] = h1
        c1_ref[...] = c1
        h2_ref[...] = h2
        c2_ref[...] = c2

    blk = lambda i: (i, 0)
    full = lambda shape: pl.BlockSpec(shape, lambda i: (0, 0))
    return pl.pallas_call(
        body,
        grid=(N // BLK,),
        in_specs=[
            pl.BlockSpec((NC, BLK, D), lambda i: (0, i, 0)),
            pl.BlockSpec((BLK, D), blk),
            full((1, D)),
            full((H, 3 * H)),
            full((1, 3 * H)),
            full((1, 3 * H)),
            full((H, 3 * H)),
            full((1, 3 * H)),
            full((1, 3 * H)),
            full((H, D)),
            full((1, D)),
        ],
        out_specs=[pl.BlockSpec((BLK, D), blk)] * 5,
        out_shape=[jax.ShapeDtypeStruct((N, D), jnp.float32)] * 5,
    )(parts, dis, b2, wa, bia, bha, wb, bib, bhb, wo, bo)



def _prune_gates(WihT, bvec):
    w = jnp.concatenate(
        [WihT[:, 0:H], WihT[:, 2 * H:3 * H], WihT[:, 3 * H:4 * H]], axis=1)
    b = jnp.concatenate(
        [bvec[0:H], bvec[2 * H:3 * H], bvec[3 * H:4 * H]]).reshape(1, 3 * H)
    return w, b


def kernel(x, edge_index, W1, b1, W2, b2, Wih1, Whh1, bih1, bhh1,
           Wih2, Whh2, bih2, bhh2, Wout, bout):
    ei = edge_index.astype(jnp.int32)
    pad = E_PAD - E
    src_w = jnp.concatenate(
        [ei[0], jnp.zeros((pad,), jnp.int32)]).reshape(NW, EPW)
    dst_w = jnp.concatenate(
        [ei[1], jnp.full((pad,), DUMMY, jnp.int32)]).reshape(NW, CH, CE)

    degp = _sc_deg(dst_w)
    xw, dis = _tc_scale_matmul(x, W1, degp)
    p1 = _sc_agg(xw, src_w, dst_w)
    y = _tc_layer2_in(p1, dis, b1.reshape(1, H), W2)
    p2 = _sc_agg(y, src_w, dst_w)

    wa, bia = _prune_gates(Wih1.T, bih1)
    _, bha = _prune_gates(Wih1.T, bhh1)
    wb, bib = _prune_gates(Wih2.T, bih2)
    _, bhb = _prune_gates(Wih2.T, bhh2)
    wo = jnp.zeros((H, D), jnp.float32).at[:, 0:1].set(Wout.T)
    bo = jnp.zeros((1, D), jnp.float32).at[0, 0].set(bout[0])

    out_full, h1, c1, h2, c2 = _tc_head(
        p2, dis, b2.reshape(1, H), wa, bia, bha, wb, bib, bhb, wo, bo)
    return (out_full[:, 0:1], h1, c1, h2, c2)

# --- scband reference (transcript-rebuilt; emitter-appended) ---
"""Pipeline reference for scband-flare-mpnnlstm-61607010894576 (READ-ONLY COPY).

The authoritative reference and input builder live on the scoring server;
editing this copy changes nothing except your own understanding.
"""

import jax, jax.numpy as jnp
import numpy as np

N = 10000
E = 320000
D = 128
H = 128
O = 1


def setup_inputs(seed: int = 0) -> dict:
    key = jax.random.key(seed)
    ks = jax.random.split(key, 20)
    x = jax.random.normal(ks[0], (N, D), dtype=jnp.float32)
    edge_index = jax.random.randint(ks[1], (2, E), 0, N)
    # GCN stack params (2 layers)
    W1 = jax.random.normal(ks[2], (D, H), dtype=jnp.float32) * 0.05
    b1 = jnp.zeros((H,), dtype=jnp.float32)
    W2 = jax.random.normal(ks[3], (H, H), dtype=jnp.float32) * 0.05
    b2 = jnp.zeros((H,), dtype=jnp.float32)
    # LSTM cell 1 params
    Wih1 = jax.random.normal(ks[4], (4 * H, H), dtype=jnp.float32) * 0.05
    Whh1 = jax.random.normal(ks[5], (4 * H, H), dtype=jnp.float32) * 0.05
    bih1 = jnp.zeros((4 * H,), dtype=jnp.float32)
    bhh1 = jnp.zeros((4 * H,), dtype=jnp.float32)
    # LSTM cell 2 params
    Wih2 = jax.random.normal(ks[6], (4 * H, H), dtype=jnp.float32) * 0.05
    Whh2 = jax.random.normal(ks[7], (4 * H, H), dtype=jnp.float32) * 0.05
    bih2 = jnp.zeros((4 * H,), dtype=jnp.float32)
    bhh2 = jnp.zeros((4 * H,), dtype=jnp.float32)
    # output head
    Wout = jax.random.normal(ks[8], (O, H), dtype=jnp.float32) * 0.05
    bout = jnp.zeros((O,), dtype=jnp.float32)
    return {"x": x, "edge_index": edge_index, "W1": W1, "b1": b1, "W2": W2, "b2": b2,
            "Wih1": Wih1, "Whh1": Whh1, "bih1": bih1, "bhh1": bhh1,
            "Wih2": Wih2, "Whh2": Whh2, "bih2": bih2, "bhh2": bhh2,
            "Wout": Wout, "bout": bout}


def _lstm_cell(xin, Wih, Whh, bih, bhh):
    # state=None -> zero initial (h, c), as in nn.LSTMCell
    h0 = jnp.zeros((xin.shape[0], H), dtype=xin.dtype)
    c0 = jnp.zeros((xin.shape[0], H), dtype=xin.dtype)
    g = xin @ Wih.T + bih + h0 @ Whh.T + bhh
    i, f, gg, o = jnp.split(g, 4, axis=-1)
    i = jax.nn.sigmoid(i)
    f = jax.nn.sigmoid(f)
    gg = jnp.tanh(gg)
    o = jax.nn.sigmoid(o)
    c = f * c0 + i * gg
    hh = o * jnp.tanh(c)
    return hh, c


def reference(x, edge_index, W1, b1, W2, b2, Wih1, Whh1, bih1, bhh1,
              Wih2, Whh2, bih2, bhh2, Wout, bout):
    src = edge_index[0]
    dst = edge_index[1]
    # symmetric GCN normalization coefficients
    deg = jnp.zeros((N,), dtype=x.dtype).at[dst].add(1.0)
    dis = jnp.where(deg > 0, jax.lax.rsqrt(jnp.maximum(deg, 1e-12)), 0.0)
    coef = (dis[src] * dis[dst])[:, None]

    def gcn(h, W, b):
        h = h @ W
        msg = h[src] * coef
        agg = jnp.zeros((N, W.shape[1]), dtype=h.dtype).at[dst].add(msg)
        return agg + b

    # GCNStack: 2 layers with ReLU
    h = jax.nn.relu(gcn(x, W1, b1))
    h = jax.nn.relu(gcn(h, W2, b2))

    # two stacked LSTM cells (single snapshot, zero initial state)
    h1, c1 = _lstm_cell(h, Wih1, Whh1, bih1, bhh1)
    h2, c2 = _lstm_cell(h1, Wih2, Whh2, bih2, bhh2)

    out = h2 @ Wout.T + bout
    # model returns (outputs[-1], h) with h = (h1, c1, h2, c2)
    return (out, h1, c1, h2, c2)

if __name__ == "__main__":
    import jax
    _d = setup_inputs()
    print(jax.jit(kernel)(*tuple(_d.values())))

</pallas_src>

<mosaic_0001>
#map = affine_map<(d0, d1) -> (0, 0, 0)>
module attributes {stable_mosaic.version = 14 : i64} {
  func.func @k(%arg0: i32, %arg1: i32, %arg2: memref<32x141x72xi32, #tpu.memory_space<hbm>>, %arg3: memref<2x10016x16xf32, #tpu.memory_space<hbm>>, %arg4: memref<141x72xi32, #tpu.memory_space<vmem>>, %arg5: memref<72x16xf32, #tpu.memory_space<vmem>>, %arg6: memref<626x16xf32, #tpu.memory_space<vmem>>, %arg7: memref<10016x16xf32, #tpu.memory_space<vmem_shared>>, %arg8: memref<!tpu.dma_semaphore, #tpu.memory_space<semaphore_mem>>) attributes {dimension_semantics = [#tpu.dimension_semantics<core_parallel>, #tpu.dimension_semantics<subcore_parallel>], iteration_bounds = array<i64: 2, 16>, scalar_prefetch = 0 : i64, scratch_operands = 5 : i64, tpu.core_type = #tpu.core_type<sc_vector_subcore>, window_params = [{transform_indices = #map}, {transform_indices = #map}]} {
    %mul3A = arith.constant 16 : i32
    %mul3A_0 = arith.muli %arg0, %mul3A : i32
    %add3A = arith.addi %mul3A_0, %arg1 : i32
    %dma_start3A = arith.constant 0 : i32
    %dma_start3A_1 = arith.constant 0 : i32
    %dma_start3A_2 = tpu.memref_slice %arg2[%add3A, %dma_start3A, %dma_start3A_1] : memref<32x141x72xi32, #tpu.memory_space<hbm>> -> memref<1x141x72xi32, #tpu.memory_space<hbm>>
    %dma_start3A_3 = tpu.memref_squeeze %dma_start3A_2 : memref<1x141x72xi32, #tpu.memory_space<hbm>> -> memref<141x72xi32, #tpu.memory_space<hbm>>
    %dma_start3A_4 = arith.constant 0 : i32
    %dma_start3A_5 = arith.constant 0 : i32
    %dma_start3A_6 = tpu.memref_slice %arg2[%add3A, %dma_start3A_4, %dma_start3A_5] : memref<32x141x72xi32, #tpu.memory_space<hbm>> -> memref<1x141x72xi32, #tpu.memory_space<hbm>>
    %dma_start3A_7 = tpu.memref_squeeze %dma_start3A_6 : memref<1x141x72xi32, #tpu.memory_space<hbm>> -> memref<141x72xi32, #tpu.memory_space<hbm>>
    tpu.enqueue_dma source(%dma_start3A_7 : memref<141x72xi32, #tpu.memory_space<hbm>>) target(%arg4 : memref<141x72xi32, #tpu.memory_space<vmem>>) target_semaphore(%arg8 : memref<!tpu.dma_semaphore, #tpu.memory_space<semaphore_mem>>)
    %dma_wait3A = arith.constant 0 : i32
    %dma_wait3A_8 = arith.constant 0 : i32
    %dma_wait3A_9 = tpu.memref_slice %arg2[%add3A, %dma_wait3A, %dma_wait3A_8] : memref<32x141x72xi32, #tpu.memory_space<hbm>> -> memref<1x141x72xi32, #tpu.memory_space<hbm>>
    %dma_wait3A_10 = tpu.memref_squeeze %dma_wait3A_9 : memref<1x141x72xi32, #tpu.memory_space<hbm>> -> memref<141x72xi32, #tpu.memory_space<hbm>>
    %dma_wait3A_11 = arith.constant 0 : i32
    %dma_wait3A_12 = arith.constant 0 : i32
    %dma_wait3A_13 = tpu.memref_slice %arg2[%add3A, %dma_wait3A_11, %dma_wait3A_12] : memref<32x141x72xi32, #tpu.memory_space<hbm>> -> memref<1x141x72xi32, #tpu.memory_space<hbm>>
    %dma_wait3A_14 = tpu.memref_squeeze %dma_wait3A_13 : memref<1x141x72xi32, #tpu.memory_space<hbm>> -> memref<141x72xi32, #tpu.memory_space<hbm>>
    tpu.wait_dma2 semaphore(%arg8 : memref<!tpu.dma_semaphore, #tpu.memory_space<semaphore_mem>>) src(%dma_wait3A_14 : memref<141x72xi32, #tpu.memory_space<hbm>>) dst(%arg4 : memref<141x72xi32, #tpu.memory_space<vmem>>)
    %scan3A = arith.constant 0 : i32
    %scan3A_15 = arith.constant 72 : i32
    %scan3A_16 = arith.addi %scan3A, %scan3A_15 : i32
    %scan3A_17 = arith.constant 1 : i32
    scf.for %scan3A_36 = %scan3A to %scan3A_16 step %scan3A_17  : i32 {
      %mul3A_37 = arith.constant 1 : i32
      %mul3A_38 = arith.muli %scan3A_36, %mul3A_37 : i32
      %add3A_39 = arith.constant 0 : i32
      %add3A_40 = arith.addi %add3A_39, %mul3A_38 : i32
      %broadcast_in_dim3A = arith.constant 1.000000e+00 : f32
      %broadcast_in_dim3A_41 = vector.broadcast %broadcast_in_dim3A : f32 to vector<16xf32>
      %swap3A = arith.index_cast %add3A_40 : i32 to index
      %swap3A_42 = arith.constant 0 : index
      %swap3A_43 = tpu.vector_load %arg5[%swap3A, %swap3A_42] {strides = array<i32>} : memref<72x16xf32, #tpu.memory_space<vmem>>, vector<1x16xf32>,
      %swap3A_44 = vector.shape_cast %swap3A_43 : vector<1x16xf32> to vector<16xf32>
      %swap3A_45 = vector.shape_cast %broadcast_in_dim3A_41 : vector<16xf32> to vector<1x16xf32>
      tpu.vector_store %arg5[%swap3A, %swap3A_42], %swap3A_45 {strides = array<i32>} : memref<72x16xf32, #tpu.memory_space<vmem>>, vector<1x16xf32>,
    }
    %scan3A_18 = arith.constant 72 : i32
    %scan3A_19 = arith.constant 0 : i32
    %scan3A_20 = arith.constant 626 : i32
    %scan3A_21 = arith.addi %scan3A_19, %scan3A_20 : i32
    %scan3A_22 = arith.constant 1 : i32
    scf.for %scan3A_36 = %scan3A_19 to %scan3A_21 step %scan3A_22  : i32 {
      %mul3A_37 = arith.constant 1 : i32
      %mul3A_38 = arith.muli %scan3A_36, %mul3A_37 : i32
      %add3A_39 = arith.constant 0 : i32
      %add3A_40 = arith.addi %add3A_39, %mul3A_38 : i32
      %broadcast_in_dim3A = arith.constant 0.000000e+00 : f32
      %broadcast_in_dim3A_41 = vector.broadcast %broadcast_in_dim3A : f32 to vector<16xf32>
      %swap3A = arith.index_cast %add3A_40 : i32 to index
      %swap3A_42 = arith.constant 0 : index
      %swap3A_43 = tpu.vector_load %arg6[%swap3A, %swap3A_42] {strides = array<i32>} : memref<626x16xf32, #tpu.memory_space<vmem>>, vector<1x16xf32>,
      %swap3A_44 = vector.shape_cast %swap3A_43 : vector<1x16xf32> to vector<16xf32>
      %swap3A_45 = vector.shape_cast %broadcast_in_dim3A_41 : vector<16xf32> to vector<1x16xf32>
      tpu.vector_store %arg6[%swap3A, %swap3A_42], %swap3A_45 {strides = array<i32>} : memref<626x16xf32, #tpu.memory_space<vmem>>, vector<1x16xf32>,
    }
    %scan3A_23 = arith.constant 626 : i32
    %mul3A_24 = arith.constant 626 : i32
    %mul3A_25 = arith.muli %arg1, %mul3A_24 : i32
    "tpu.region"() ({
      %run_scoped3A = tpu.sem_alloc : memref<!tpu.dma_semaphore, #tpu.memory_space<semaphore_mem>>
      %dma_start3A_36 = arith.constant 0 : i32
      %dma_start3A_37 = tpu.memref_slice %arg7[%mul3A_25, %dma_start3A_36] : memref<10016x16xf32, #tpu.memory_space<vmem_shared>> -> memref<626x16xf32, #tpu.memory_space<vmem_shared>>
      %dma_start3A_38 = arith.constant 0 : i32
      %dma_start3A_39 = tpu.memref_slice %arg7[%mul3A_25, %dma_start3A_38] : memref<10016x16xf32, #tpu.memory_space<vmem_shared>> -> memref<626x16xf32, #tpu.memory_space<vmem_shared>>
      tpu.enqueue_dma source(%arg6 : memref<626x16xf32, #tpu.memory_space<vmem>>) target(%dma_start3A_39 : memref<626x16xf32, #tpu.memory_space<vmem_shared>>) target_semaphore(%run_scoped3A : memref<!tpu.dma_semaphore, #tpu.memory_space<semaphore_mem>>)
      %dma_wait3A_40 = arith.constant 0 : i32
      %dma_wait3A_41 = tpu.memref_slice %arg7[%mul3A_25, %dma_wait3A_40] : memref<10016x16xf32, #tpu.memory_space<vmem_shared>> -> memref<626x16xf32, #tpu.memory_space<vmem_shared>>
      %dma_wait3A_42 = arith.constant 0 : i32
      %dma_wait3A_43 = tpu.memref_slice %arg7[%mul3A_25, %dma_wait3A_42] : memref<10016x16xf32, #tpu.memory_space<vmem_shared>> -> memref<626x16xf32, #tpu.memory_space<vmem_shared>>
      tpu.wait_dma2 semaphore(%run_scoped3A : memref<!tpu.dma_semaphore, #tpu.memory_space<semaphore_mem>>) src(%arg6 : memref<626x16xf32, #tpu.memory_space<vmem>>) dst(%dma_wait3A_43 : memref<626x16xf32, #tpu.memory_space<vmem_shared>>)
      tpu.yield
    }) : () -> ()
    %barrier3A = arith.constant 0 : index
    tpu.barrier barrier_id(%barrier3A)
    %scan3A_26 = arith.constant 0 : i32
    %scan3A_27 = arith.constant 141 : i32
    %scan3A_28 = arith.addi %scan3A_26, %scan3A_27 : i32
    %scan3A_29 = arith.constant 1 : i32
    scf.for %scan3A_36 = %scan3A_26 to %scan3A_28 step %scan3A_29  : i32 {
      %mul3A_37 = arith.constant 1 : i32
      %mul3A_38 = arith.muli %scan3A_36, %mul3A_37 : i32
      %add3A_39 = arith.constant 0 : i32
      %add3A_40 = arith.addi %add3A_39, %mul3A_38 : i32
      "tpu.region"() ({
        %run_scoped3A = tpu.sem_alloc : memref<!tpu.dma_semaphore, #tpu.memory_space<semaphore_mem>>
        %dma_start3A_41 = arith.constant 0 : i32
        %dma_start3A_42 = tpu.memref_slice %arg4[%add3A_40, %dma_start3A_41] : memref<141x72xi32, #tpu.memory_space<vmem>> -> memref<1x72xi32, #tpu.memory_space<vmem>>
        %dma_start3A_43 = tpu.memref_squeeze %dma_start3A_42 : memref<1x72xi32, #tpu.memory_space<vmem>> -> memref<72xi32, #tpu.memory_space<vmem>>
        %dma_start3A_44 = arith.constant 0 : i32
        %dma_start3A_45 = arith.constant 0 : i32
        %dma_start3A_46 = tpu.memref_slice %arg7[%dma_start3A_44, %dma_start3A_45] : memref<10016x16xf32, #tpu.memory_space<vmem_shared>> -> memref<10016x16xf32, #tpu.memory_space<vmem_shared>>
        tpu.enqueue_indirect_dma source(%arg5 : memref<72x16xf32, #tpu.memory_space<vmem>>) target(%dma_start3A_46 : memref<10016x16xf32, #tpu.memory_space<vmem_shared>>) offsets(%dma_start3A_43 : memref<72xi32, #tpu.memory_space<vmem>>) semaphore(%run_scoped3A : memref<!tpu.dma_semaphore, #tpu.memory_space<semaphore_mem>>) {add = true}
        %dma_wait3A_47 = arith.constant 0 : i32
        %dma_wait3A_48 = tpu.memref_slice %arg4[%add3A_40, %dma_wait3A_47] : memref<141x72xi32, #tpu.memory_space<vmem>> -> memref<1x72xi32, #tpu.memory_space<vmem>>
        %dma_wait3A_49 = tpu.memref_squeeze %dma_wait3A_48 : memref<1x72xi32, #tpu.memory_space<vmem>> -> memref<72xi32, #tpu.memory_space<vmem>>
        %dma_wait3A_50 = arith.constant 0 : i32
        %dma_wait3A_51 = arith.constant 0 : i32
        %dma_wait3A_52 = tpu.memref_slice %arg7[%dma_wait3A_50, %dma_wait3A_51] : memref<10016x16xf32, #tpu.memory_space<vmem_shared>> -> memref<10016x16xf32, #tpu.memory_space<vmem_shared>>
        tpu.wait_indirect_dma semaphore(%run_scoped3A : memref<!tpu.dma_semaphore, #tpu.memory_space<semaphore_mem>>) src(%arg5 : memref<72x16xf32, #tpu.memory_space<vmem>>) dst(%dma_wait3A_52 : memref<10016x16xf32, #tpu.memory_space<vmem_shared>>)
        tpu.yield
      }) : () -> ()
    }
    %scan3A_30 = arith.constant 141 : i32
    %barrier3A_31 = arith.constant 0 : index
    tpu.barrier barrier_id(%barrier3A_31)
    %mul3A_32 = arith.constant 626 : i32
    %mul3A_33 = arith.muli %arg1, %mul3A_32 : i32
    %mul3A_34 = arith.constant 626 : i32
    %mul3A_35 = arith.muli %arg1, %mul3A_34 : i32
    "tpu.region"() ({
      %run_scoped3A = tpu.sem_alloc : memref<!tpu.dma_semaphore, #tpu.memory_space<semaphore_mem>>
      %dma_start3A_36 = arith.constant 0 : i32
      %dma_start3A_37 = tpu.memref_slice %arg3[%arg0, %mul3A_35, %dma_start3A_36] : memref<2x10016x16xf32, #tpu.memory_space<hbm>> -> memref<1x626x16xf32, #tpu.memory_space<hbm>>
      %dma_start3A_38 = tpu.memref_squeeze %dma_start3A_37 : memref<1x626x16xf32, #tpu.memory_space<hbm>> -> memref<626x16xf32, #tpu.memory_space<hbm>>
      %dma_start3A_39 = arith.constant 0 : i32
      %dma_start3A_40 = tpu.memref_slice %arg7[%mul3A_33, %dma_start3A_39] : memref<10016x16xf32, #tpu.memory_space<vmem_shared>> -> memref<626x16xf32, #tpu.memory_space<vmem_shared>>
      tpu.enqueue_dma source(%dma_start3A_40 : memref<626x16xf32, #tpu.memory_space<vmem_shared>>) target(%dma_start3A_38 : memref<626x16xf32, #tpu.memory_space<hbm>>) target_semaphore(%run_scoped3A : memref<!tpu.dma_semaphore, #tpu.memory_space<semaphore_mem>>)
      %dma_wait3A_41 = arith.constant 0 : i32
      %dma_wait3A_42 = tpu.memref_slice %arg3[%arg0, %mul3A_35, %dma_wait3A_41] : memref<2x10016x16xf32, #tpu.memory_space<hbm>> -> memref<1x626x16xf32, #tpu.memory_space<hbm>>
      %dma_wait3A_43 = tpu.memref_squeeze %dma_wait3A_42 : memref<1x626x16xf32, #tpu.memory_space<hbm>> -> memref<626x16xf32, #tpu.memory_space<hbm>>
      %dma_wait3A_44 = arith.constant 0 : i32
      %dma_wait3A_45 = tpu.memref_slice %arg7[%mul3A_33, %dma_wait3A_44] : memref<10016x16xf32, #tpu.memory_space<vmem_shared>> -> memref<626x16xf32, #tpu.memory_space<vmem_shared>>
      tpu.wait_dma2 semaphore(%run_scoped3A : memref<!tpu.dma_semaphore, #tpu.memory_space<semaphore_mem>>) src(%dma_wait3A_45 : memref<626x16xf32, #tpu.memory_space<vmem_shared>>) dst(%dma_wait3A_43 : memref<626x16xf32, #tpu.memory_space<hbm>>)
      tpu.yield
    }) : () -> ()
    return
  }
}

#map = affine_map<(d0, d1) -> (0, 0)>
#map1 = affine_map<(d0, d1) -> (0, 0, 0)>
module attributes {stable_mosaic.version = 14 : i64} {
  func.func @k(%arg0: i32, %arg1: i32, %arg2: memref<10000x128xf32, #tpu.memory_space<hbm>>, %arg3: memref<32x10152xi32, #tpu.memory_space<hbm>>, %arg4: memref<32x141x72xi32, #tpu.memory_space<hbm>>, %arg5: memref<2x10016x128xf32, #tpu.memory_space<hbm>>, %arg6: memref<10152xi32, #tpu.memory_space<vmem>>, %arg7: memref<141x72xi32, #tpu.memory_space<vmem>>, %arg8: memref<3x72x128xf32, #tpu.memory_space<vmem>>, %arg9: memref<10016x128xf32, #tpu.memory_space<vmem_shared>>, %arg10: memref<!tpu.dma_semaphore, #tpu.memory_space<semaphore_mem>>, %arg11: memref<!tpu.dma_semaphore, #tpu.memory_space<semaphore_mem>>, %arg12: memref<!tpu.dma_semaphore, #tpu.memory_space<semaphore_mem>>, %arg13: memref<!tpu.dma_semaphore, #tpu.memory_space<semaphore_mem>>, %arg14: memref<!tpu.dma_semaphore, #tpu.memory_space<semaphore_mem>>, %arg15: memref<!tpu.dma_semaphore, #tpu.memory_space<semaphore_mem>>, %arg16: memref<!tpu.dma_semaphore, #tpu.memory_space<semaphore_mem>>, %arg17: memref<!tpu.dma_semaphore, #tpu.memory_space<semaphore_mem>>) attributes {dimension_semantics = [#tpu.dimension_semantics<core_parallel>, #tpu.dimension_semantics<subcore_parallel>], iteration_bounds = array<i64: 2, 16>, scalar_prefetch = 0 : i64, scratch_operands = 12 : i64, tpu.core_type = #tpu.core_type<sc_vector_subcore>, window_params = [{transform_indices = #map}, {transform_indices = #map}, {transform_indices = #map1}, {transform_indices = #map1}]} {
    %mul3A = arith.constant 16 : i32
    %mul3A_0 = arith.muli %arg0, %mul3A : i32
    %add3A = arith.addi %mul3A_0, %arg1 : i32
    %dma_start3A = arith.constant 0 : i32
    %dma_start3A_1 = tpu.memref_slice %arg3[%add3A, %dma_start3A] : memref<32x10152xi32, #tpu.memory_space<hbm>> -> memref<1x10152xi32, #tpu.memory_space<hbm>>
    %dma_start3A_2 = tpu.memref_squeeze %dma_start3A_1 : memref<1x10152xi32, #tpu.memory_space<hbm>> -> memref<10152xi32, #tpu.memory_space<hbm>>
    %dma_start3A_3 = arith.constant 0 : i32
    %dma_start3A_4 = tpu.memref_slice %arg3[%add3A, %dma_start3A_3] : memref<32x10152xi32, #tpu.memory_space<hbm>> -> memref<1x10152xi32, #tpu.memory_space<hbm>>
    %dma_start3A_5 = tpu.memref_squeeze %dma_start3A_4 : memref<1x10152xi32, #tpu.memory_space<hbm>> -> memref<10152xi32, #tpu.memory_space<hbm>>
    tpu.enqueue_dma source(%dma_start3A_5 : memref<10152xi32, #tpu.memory_space<hbm>>) target(%arg6 : memref<10152xi32, #tpu.memory_space<vmem>>) target_semaphore(%arg10 : memref<!tpu.dma_semaphore, #tpu.memory_space<semaphore_mem>>)
    %dma_wait3A = arith.constant 0 : i32
    %dma_wait3A_6 = tpu.memref_slice %arg3[%add3A, %dma_wait3A] : memref<32x10152xi32, #tpu.memory_space<hbm>> -> memref<1x10152xi32, #tpu.memory_space<hbm>>
    %dma_wait3A_7 = tpu.memref_squeeze %dma_wait3A_6 : memref<1x10152xi32, #tpu.memory_space<hbm>> -> memref<10152xi32, #tpu.memory_space<hbm>>
    %dma_wait3A_8 = arith.constant 0 : i32
    %dma_wait3A_9 = tpu.memref_slice %arg3[%add3A, %dma_wait3A_8] : memref<32x10152xi32, #tpu.memory_space<hbm>> -> memref<1x10152xi32, #tpu.memory_space<hbm>>
    %dma_wait3A_10 = tpu.memref_squeeze %dma_wait3A_9 : memref<1x10152xi32, #tpu.memory_space<hbm>> -> memref<10152xi32, #tpu.memory_space<hbm>>
    tpu.wait_dma2 semaphore(%arg10 : memref<!tpu.dma_semaphore, #tpu.memory_space<semaphore_mem>>) src(%dma_wait3A_10 : memref<10152xi32, #tpu.memory_space<hbm>>) dst(%arg6 : memref<10152xi32, #tpu.memory_space<vmem>>)
    %dma_start3A_11 = arith.constant 0 : i32
    %dma_start3A_12 = arith.constant 0 : i32
    %dma_start3A_13 = tpu.memref_slice %arg4[%add3A, %dma_start3A_11, %dma_start3A_12] : memref<32x141x72xi32, #tpu.memory_space<hbm>> -> memref<1x141x72xi32, #tpu.memory_space<hbm>>
    %dma_start3A_14 = tpu.memref_squeeze %dma_start3A_13 : memref<1x141x72xi32, #tpu.memory_space<hbm>> -> memref<141x72xi32, #tpu.memory_space<hbm>>
    %dma_start3A_15 = arith.constant 0 : i32
    %dma_start3A_16 = arith.constant 0 : i32
    %dma_start3A_17 = tpu.memref_slice %arg4[%add3A, %dma_start3A_15, %dma_start3A_16] : memref<32x141x72xi32, #tpu.memory_space<hbm>> -> memref<1x141x72xi32, #tpu.memory_space<hbm>>
    %dma_start3A_18 = tpu.memref_squeeze %dma_start3A_17 : memref<1x141x72xi32, #tpu.memory_space<hbm>> -> memref<141x72xi32, #tpu.memory_space<hbm>>
    tpu.enqueue_dma source(%dma_start3A_18 : memref<141x72xi32, #tpu.memory_space<hbm>>) target(%arg7 : memref<141x72xi32, #tpu.memory_space<vmem>>) target_semaphore(%arg11 : memref<!tpu.dma_semaphore, #tpu.memory_space<semaphore_mem>>)
    %dma_wait3A_19 = arith.constant 0 : i32
    %dma_wait3A_20 = arith.constant 0 : i32
    %dma_wait3A_21 = tpu.memref_slice %arg4[%add3A, %dma_wait3A_19, %dma_wait3A_20] : memref<32x141x72xi32, #tpu.memory_space<hbm>> -> memref<1x141x72xi32, #tpu.memory_space<hbm>>
    %dma_wait3A_22 = tpu.memref_squeeze %dma_wait3A_21 : memref<1x141x72xi32, #tpu.memory_space<hbm>> -> memref<141x72xi32, #tpu.memory_space<hbm>>
    %dma_wait3A_23 = arith.constant 0 : i32
    %dma_wait3A_24 = arith.constant 0 : i32
    %dma_wait3A_25 = tpu.memref_slice %arg4[%add3A, %dma_wait3A_23, %dma_wait3A_24] : memref<32x141x72xi32, #tpu.memory_space<hbm>> -> memref<1x141x72xi32, #tpu.memory_space<hbm>>
    %dma_wait3A_26 = tpu.memref_squeeze %dma_wait3A_25 : memref<1x141x72xi32, #tpu.memory_space<hbm>> -> memref<141x72xi32, #tpu.memory_space<hbm>>
    tpu.wait_dma2 semaphore(%arg11 : memref<!tpu.dma_semaphore, #tpu.memory_space<semaphore_mem>>) src(%dma_wait3A_26 : memref<141x72xi32, #tpu.memory_space<hbm>>) dst(%arg7 : memref<141x72xi32, #tpu.memory_space<vmem>>)
    %scan3A = arith.constant 0 : i32
    %scan3A_27 = arith.constant 72 : i32
    %scan3A_28 = arith.addi %scan3A, %scan3A_27 : i32
    %scan3A_29 = arith.constant 1 : i32
    scf.for %scan3A_145 = %scan3A to %scan3A_28 step %scan3A_29  : i32 {
      %mul3A_146 = arith.constant 1 : i32
      %mul3A_147 = arith.muli %scan3A_145, %mul3A_146 : i32
      %add3A_148 = arith.constant 0 : i32
      %add3A_149 = arith.addi %add3A_148, %mul3A_147 : i32
      %scan3A_150 = arith.constant 0 : i32
      %scan3A_151 = arith.constant 8 : i32
      %scan3A_152 = arith.addi %scan3A_150, %scan3A_151 : i32
      %scan3A_153 = arith.constant 1 : i32
      scf.for %scan3A_155 = %scan3A_150 to %scan3A_152 step %scan3A_153  : i32 {
        %mul3A_156 = arith.constant 16 : i32
        %mul3A_157 = arith.muli %scan3A_155, %mul3A_156 : i32
        %add3A_158 = arith.constant 0 : i32
        %add3A_159 = arith.addi %add3A_158, %mul3A_157 : i32
        %broadcast_in_dim3A = arith.constant 0.000000e+00 : f32
        %broadcast_in_dim3A_160 = vector.broadcast %broadcast_in_dim3A : f32 to vector<16xf32>
        %swap3A = arith.constant 0 : i32
        %swap3A_161 = arith.index_cast %swap3A : i32 to index
        %swap3A_162 = arith.index_cast %add3A_149 : i32 to index
        %swap3A_163 = arith.index_cast %add3A_159 : i32 to index
        %swap3A_164 = tpu.vector_load %arg8[%swap3A_161, %swap3A_162, %swap3A_163] {strides = array<i32>} : memref<3x72x128xf32, #tpu.memory_space<vmem>>, vector<1x1x16xf32>,
        %swap3A_165 = vector.shape_cast %swap3A_164 : vector<1x1x16xf32> to vector<16xf32>
        %swap3A_166 = vector.shape_cast %broadcast_in_dim3A_160 : vector<16xf32> to vector<1x1x16xf32>
        tpu.vector_store %arg8[%swap3A_161, %swap3A_162, %swap3A_163], %swap3A_166 {strides = array<i32>} : memref<3x72x128xf32, #tpu.memory_space<vmem>>, vector<1x1x16xf32>,
      }
      %scan3A_154 = arith.constant 8 : i32
    }
    %scan3A_30 = arith.constant 72 : i32
    %mul3A_31 = arith.constant 626 : i32
    %mul3A_32 = arith.muli %arg1, %mul3A_31 : i32
    %add3A_33 = arith.constant 0 : i32
    %add3A_34 = arith.addi %mul3A_32, %add3A_33 : i32
    %run_scoped3A = arith.constant 0 : i32
    "tpu.region"() ({
      %run_scoped3A_145 = tpu.sem_alloc : memref<!tpu.dma_semaphore, #tpu.memory_space<semaphore_mem>>
      %dma_start3A_146 = arith.constant 0 : i32
      %dma_start3A_147 = arith.constant 0 : i32
      %dma_start3A_148 = tpu.memref_slice %arg8[%run_scoped3A, %dma_start3A_146, %dma_start3A_147] : memref<3x72x128xf32, #tpu.memory_space<vmem>> -> memref<1x72x128xf32, #tpu.memory_space<vmem>>
      %dma_start3A_149 = tpu.memref_squeeze %dma_start3A_148 : memref<1x72x128xf32, #tpu.memory_space<vmem>> -> memref<72x128xf32, #tpu.memory_space<vmem>>
      %dma_start3A_150 = arith.constant 0 : i32
      %dma_start3A_151 = tpu.memref_slice %arg9[%add3A_34, %dma_start3A_150] : memref<10016x128xf32, #tpu.memory_space<vmem_shared>> -> memref<72x128xf32, #tpu.memory_space<vmem_shared>>
      %dma_start3A_152 = arith.constant 0 : i32
      %dma_start3A_153 = tpu.memref_slice %arg9[%add3A_34, %dma_start3A_152] : memref<10016x128xf32, #tpu.memory_space<vmem_shared>> -> memref<72x128xf32, #tpu.memory_space<vmem_shared>>
      %dma_start3A_154 = arith.constant 0 : i32
      %dma_start3A_155 = arith.constant 0 : i32
      %dma_start3A_156 = tpu.memref_slice %arg8[%run_scoped3A, %dma_start3A_154, %dma_start3A_155] : memref<3x72x128xf32, #tpu.memory_space<vmem>> -> memref<1x72x128xf32, #tpu.memory_space<vmem>>
      %dma_start3A_157 = tpu.memref_squeeze %dma_start3A_156 : memref<1x72x128xf32, #tpu.memory_space<vmem>> -> memref<72x128xf32, #tpu.memory_space<vmem>>
      tpu.enqueue_dma source(%dma_start3A_157 : memref<72x128xf32, #tpu.memory_space<vmem>>) target(%dma_start3A_153 : memref<72x128xf32, #tpu.memory_space<vmem_shared>>) target_semaphore(%run_scoped3A_145 : memref<!tpu.dma_semaphore, #tpu.memory_space<semaphore_mem>>)
      %dma_wait3A_158 = arith.constant 0 : i32
      %dma_wait3A_159 = arith.constant 0 : i32
      %dma_wait3A_160 = tpu.memref_slice %arg8[%run_scoped3A, %dma_wait3A_158, %dma_wait3A_159] : memref<3x72x128xf32, #tpu.memory_space<vmem>> -> memref<1x72x128xf32, #tpu.memory_space<vmem>>
      %dma_wait3A_161 = tpu.memref_squeeze %dma_wait3A_160 : memref<1x72x128xf32, #tpu.memory_space<vmem>> -> memref<72x128xf32, #tpu.memory_space<vmem>>
      %dma_wait3A_162 = arith.constant 0 : i32
      %dma_wait3A_163 = tpu.memref_slice %arg9[%add3A_34, %dma_wait3A_162] : memref<10016x128xf32, #tpu.memory_space<vmem_shared>> -> memref<72x128xf32, #tpu.memory_space<vmem_shared>>
      %dma_wait3A_164 = arith.constant 0 : i32
      %dma_wait3A_165 = tpu.memref_slice %arg9[%add3A_34, %dma_wait3A_164] : memref<10016x128xf32, #tpu.memory_space<vmem_shared>> -> memref<72x128xf32, #tpu.memory_space<vmem_shared>>
      %dma_wait3A_166 = arith.constant 0 : i32
      %dma_wait3A_167 = arith.constant 0 : i32
      %dma_wait3A_168 = tpu.memref_slice %arg8[%run_scoped3A, %dma_wait3A_166, %dma_wait3A_167] : memref<3x72x128xf32, #tpu.memory_space<vmem>> -> memref<1x72x128xf32, #tpu.memory_space<vmem>>
      %dma_wait3A_169 = tpu.memref_squeeze %dma_wait3A_168 : memref<1x72x128xf32, #tpu.memory_space<vmem>> -> memref<72x128xf32, #tpu.memory_space<vmem>>
      tpu.wait_dma2 semaphore(%run_scoped3A_145 : memref<!tpu.dma_semaphore, #tpu.memory_space<semaphore_mem>>) src(%dma_wait3A_169 : memref<72x128xf32, #tpu.memory_space<vmem>>) dst(%dma_wait3A_165 : memref<72x128xf32, #tpu.memory_space<vmem_shared>>)
      tpu.yield
    }) : () -> ()
    %mul3A_35 = arith.constant 626 : i32
    %mul3A_36 = arith.muli %arg1, %mul3A_35 : i32
    %add3A_37 = arith.constant 72 : i32
    %add3A_38 = arith.addi %mul3A_36, %add3A_37 : i32
    %run_scoped3A_39 = arith.constant 0 : i32
    "tpu.region"() ({
      %run_scoped3A_145 = tpu.sem_alloc : memref<!tpu.dma_semaphore, #tpu.memory_space<semaphore_mem>>
      %dma_start3A_146 = arith.constant 0 : i32
      %dma_start3A_147 = arith.constant 0 : i32
      %dma_start3A_148 = tpu.memref_slice %arg8[%run_scoped3A_39, %dma_start3A_146, %dma_start3A_147] : memref<3x72x128xf32, #tpu.memory_space<vmem>> -> memref<1x72x128xf32, #tpu.memory_space<vmem>>
      %dma_start3A_149 = tpu.memref_squeeze %dma_start3A_148 : memref<1x72x128xf32, #tpu.memory_space<vmem>> -> memref<72x128xf32, #tpu.memory_space<vmem>>
      %dma_start3A_150 = arith.constant 0 : i32
      %dma_start3A_151 = tpu.memref_slice %arg9[%add3A_38, %dma_start3A_150] : memref<10016x128xf32, #tpu.memory_space<vmem_shared>> -> memref<72x128xf32, #tpu.memory_space<vmem_shared>>
      %dma_start3A_152 = arith.constant 0 : i32
      %dma_start3A_153 = tpu.memref_slice %arg9[%add3A_38, %dma_start3A_152] : memref<10016x128xf32, #tpu.memory_space<vmem_shared>> -> memref<72x128xf32, #tpu.memory_space<vmem_shared>>
      %dma_start3A_154 = arith.constant 0 : i32
      %dma_start3A_155 = arith.constant 0 : i32
      %dma_start3A_156 = tpu.memref_slice %arg8[%run_scoped3A_39, %dma_start3A_154, %dma_start3A_155] : memref<3x72x128xf32, #tpu.memory_space<vmem>> -> memref<1x72x128xf32, #tpu.memory_space<vmem>>
      %dma_start3A_157 = tpu.memref_squeeze %dma_start3A_156 : memref<1x72x128xf32, #tpu.memory_space<vmem>> -> memref<72x128xf32, #tpu.memory_space<vmem>>
      tpu.enqueue_dma source(%dma_start3A_157 : memref<72x128xf32, #tpu.memory_space<vmem>>) target(%dma_start3A_153 : memref<72x128xf32, #tpu.memory_space<vmem_shared>>) target_semaphore(%run_scoped3A_145 : memref<!tpu.dma_semaphore, #tpu.memory_space<semaphore_mem>>)
      %dma_wait3A_158 = arith.constant 0 : i32
      %dma_wait3A_159 = arith.constant 0 : i32
      %dma_wait3A_160 = tpu.memref_slice %arg8[%run_scoped3A_39, %dma_wait3A_158, %dma_wait3A_159] : memref<3x72x128xf32, #tpu.memory_space<vmem>> -> memref<1x72x128xf32, #tpu.memory_space<vmem>>
      %dma_wait3A_161 = tpu.memref_squeeze %dma_wait3A_160 : memref<1x72x128xf32, #tpu.memory_space<vmem>> -> memref<72x128xf32, #tpu.memory_space<vmem>>
      %dma_wait3A_162 = arith.constant 0 : i32
      %dma_wait3A_163 = tpu.memref_slice %arg9[%add3A_38, %dma_wait3A_162] : memref<10016x128xf32, #tpu.memory_space<vmem_shared>> -> memref<72x128xf32, #tpu.memory_space<vmem_shared>>
      %dma_wait3A_164 = arith.constant 0 : i32
      %dma_wait3A_165 = tpu.memref_slice %arg9[%add3A_38, %dma_wait3A_164] : memref<10016x128xf32, #tpu.memory_space<vmem_shared>> -> memref<72x128xf32, #tpu.memory_space<vmem_shared>>
      %dma_wait3A_166 = arith.constant 0 : i32
      %dma_wait3A_167 = arith.constant 0 : i32
      %dma_wait3A_168 = tpu.memref_slice %arg8[%run_scoped3A_39, %dma_wait3A_166, %dma_wait3A_167] : memref<3x72x128xf32, #tpu.memory_space<vmem>> -> memref<1x72x128xf32, #tpu.memory_space<vmem>>
      %dma_wait3A_169 = tpu.memref_squeeze %dma_wait3A_168 : memref<1x72x128xf32, #tpu.memory_space<vmem>> -> memref<72x128xf32, #tpu.memory_space<vmem>>
      tpu.wait_dma2 semaphore(%run_scoped3A_145 : memref<!tpu.dma_semaphore, #tpu.memory_space<semaphore_mem>>) src(%dma_wait3A_169 : memref<72x128xf32, #tpu.memory_space<vmem>>) dst(%dma_wait3A_165 : memref<72x128xf32, #tpu.memory_space<vmem_shared>>)
      tpu.yield
    }) : () -> ()
    %mul3A_40 = arith.constant 626 : i32
    %mul3A_41 = arith.muli %arg1, %mul3A_40 : i32
    %add3A_42 = arith.constant 144 : i32
    %add3A_43 = arith.addi %mul3A_41, %add3A_42 : i32
    %run_scoped3A_44 = arith.constant 0 : i32
    "tpu.region"() ({
      %run_scoped3A_145 = tpu.sem_alloc : memref<!tpu.dma_semaphore, #tpu.memory_space<semaphore_mem>>
      %dma_start3A_146 = arith.constant 0 : i32
      %dma_start3A_147 = arith.constant 0 : i32
      %dma_start3A_148 = tpu.memref_slice %arg8[%run_scoped3A_44, %dma_start3A_146, %dma_start3A_147] : memref<3x72x128xf32, #tpu.memory_space<vmem>> -> memref<1x72x128xf32, #tpu.memory_space<vmem>>
      %dma_start3A_149 = tpu.memref_squeeze %dma_start3A_148 : memref<1x72x128xf32, #tpu.memory_space<vmem>> -> memref<72x128xf32, #tpu.memory_space<vmem>>
      %dma_start3A_150 = arith.constant 0 : i32
      %dma_start3A_151 = tpu.memref_slice %arg9[%add3A_43, %dma_start3A_150] : memref<10016x128xf32, #tpu.memory_space<vmem_shared>> -> memref<72x128xf32, #tpu.memory_space<vmem_shared>>
      %dma_start3A_152 = arith.constant 0 : i32
      %dma_start3A_153 = tpu.memref_slice %arg9[%add3A_43, %dma_start3A_152] : memref<10016x128xf32, #tpu.memory_space<vmem_shared>> -> memref<72x128xf32, #tpu.memory_space<vmem_shared>>
      %dma_start3A_154 = arith.constant 0 : i32
      %dma_start3A_155 = arith.constant 0 : i32
      %dma_start3A_156 = tpu.memref_slice %arg8[%run_scoped3A_44, %dma_start3A_154, %dma_start3A_155] : memref<3x72x128xf32, #tpu.memory_space<vmem>> -> memref<1x72x128xf32, #tpu.memory_space<vmem>>
      %dma_start3A_157 = tpu.memref_squeeze %dma_start3A_156 : memref<1x72x128xf32, #tpu.memory_space<vmem>> -> memref<72x128xf32, #tpu.memory_space<vmem>>
      tpu.enqueue_dma source(%dma_start3A_157 : memref<72x128xf32, #tpu.memory_space<vmem>>) target(%dma_start3A_153 : memref<72x128xf32, #tpu.memory_space<vmem_shared>>) target_semaphore(%run_scoped3A_145 : memref<!tpu.dma_semaphore, #tpu.memory_space<semaphore_mem>>)
      %dma_wait3A_158 = arith.constant 0 : i32
      %dma_wait3A_159 = arith.constant 0 : i32
      %dma_wait3A_160 = tpu.memref_slice %arg8[%run_scoped3A_44, %dma_wait3A_158, %dma_wait3A_159] : memref<3x72x128xf32, #tpu.memory_space<vmem>> -> memref<1x72x128xf32, #tpu.memory_space<vmem>>
      %dma_wait3A_161 = tpu.memref_squeeze %dma_wait3A_160 : memref<1x72x128xf32, #tpu.memory_space<vmem>> -> memref<72x128xf32, #tpu.memory_space<vmem>>
      %dma_wait3A_162 = arith.constant 0 : i32
      %dma_wait3A_163 = tpu.memref_slice %arg9[%add3A_43, %dma_wait3A_162] : memref<10016x128xf32, #tpu.memory_space<vmem_shared>> -> memref<72x128xf32, #tpu.memory_space<vmem_shared>>
      %dma_wait3A_164 = arith.constant 0 : i32
      %dma_wait3A_165 = tpu.memref_slice %arg9[%add3A_43, %dma_wait3A_164] : memref<10016x128xf32, #tpu.memory_space<vmem_shared>> -> memref<72x128xf32, #tpu.memory_space<vmem_shared>>
      %dma_wait3A_166 = arith.constant 0 : i32
      %dma_wait3A_167 = arith.constant 0 : i32
      %dma_wait3A_168 = tpu.memref_slice %arg8[%run_scoped3A_44, %dma_wait3A_166, %dma_wait3A_167] : memref<3x72x128xf32, #tpu.memory_space<vmem>> -> memref<1x72x128xf32, #tpu.memory_space<vmem>>
      %dma_wait3A_169 = tpu.memref_squeeze %dma_wait3A_168 : memref<1x72x128xf32, #tpu.memory_space<vmem>> -> memref<72x128xf32, #tpu.memory_space<vmem>>
      tpu.wait_dma2 semaphore(%run_scoped3A_145 : memref<!tpu.dma_semaphore, #tpu.memory_space<semaphore_mem>>) src(%dma_wait3A_169 : memref<72x128xf32, #tpu.memory_space<vmem>>) dst(%dma_wait3A_165 : memref<72x128xf32, #tpu.memory_space<vmem_shared>>)
      tpu.yield
    }) : () -> ()
    %mul3A_45 = arith.constant 626 : i32
    %mul3A_46 = arith.muli %arg1, %mul3A_45 : i32
    %add3A_47 = arith.constant 216 : i32
    %add3A_48 = arith.addi %mul3A_46, %add3A_47 : i32
    %run_scoped3A_49 = arith.constant 0 : i32
    "tpu.region"() ({
      %run_scoped3A_145 = tpu.sem_alloc : memref<!tpu.dma_semaphore, #tpu.memory_space<semaphore_mem>>
      %dma_start3A_146 = arith.constant 0 : i32
      %dma_start3A_147 = arith.constant 0 : i32
      %dma_start3A_148 = tpu.memref_slice %arg8[%run_scoped3A_49, %dma_start3A_146, %dma_start3A_147] : memref<3x72x128xf32, #tpu.memory_space<vmem>> -> memref<1x72x128xf32, #tpu.memory_space<vmem>>
      %dma_start3A_149 = tpu.memref_squeeze %dma_start3A_148 : memref<1x72x128xf32, #tpu.memory_space<vmem>> -> memref<72x128xf32, #tpu.memory_space<vmem>>
      %dma_start3A_150 = arith.constant 0 : i32
      %dma_start3A_151 = tpu.memref_slice %arg9[%add3A_48, %dma_start3A_150] : memref<10016x128xf32, #tpu.memory_space<vmem_shared>> -> memref<72x128xf32, #tpu.memory_space<vmem_shared>>
      %dma_start3A_152 = arith.constant 0 : i32
      %dma_start3A_153 = tpu.memref_slice %arg9[%add3A_48, %dma_start3A_152] : memref<10016x128xf32, #tpu.memory_space<vmem_shared>> -> memref<72x128xf32, #tpu.memory_space<vmem_shared>>
      %dma_start3A_154 = arith.constant 0 : i32
      %dma_start3A_155 = arith.constant 0 : i32
      %dma_start3A_156 = tpu.memref_slice %arg8[%run_scoped3A_49, %dma_start3A_154, %dma_start3A_155] : memref<3x72x128xf32, #tpu.memory_space<vmem>> -> memref<1x72x128xf32, #tpu.memory_space<vmem>>
      %dma_start3A_157 = tpu.memref_squeeze %dma_start3A_156 : memref<1x72x128xf32, #tpu.memory_space<vmem>> -> memref<72x128xf32, #tpu.memory_space<vmem>>
      tpu.enqueue_dma source(%dma_start3A_157 : memref<72x128xf32, #tpu.memory_space<vmem>>) target(%dma_start3A_153 : memref<72x128xf32, #tpu.memory_space<vmem_shared>>) target_semaphore(%run_scoped3A_145 : memref<!tpu.dma_semaphore, #tpu.memory_space<semaphore_mem>>)
      %dma_wait3A_158 = arith.constant 0 : i32
      %dma_wait3A_159 = arith.constant 0 : i32
      %dma_wait3A_160 = tpu.memref_slice %arg8[%run_scoped3A_49, %dma_wait3A_158, %dma_wait3A_159] : memref<3x72x128xf32, #tpu.memory_space<vmem>> -> memref<1x72x128xf32, #tpu.memory_space<vmem>>
      %dma_wait3A_161 = tpu.memref_squeeze %dma_wait3A_160 : memref<1x72x128xf32, #tpu.memory_space<vmem>> -> memref<72x128xf32, #tpu.memory_space<vmem>>
      %dma_wait3A_162 = arith.constant 0 : i32
      %dma_wait3A_163 = tpu.memref_slice %arg9[%add3A_48, %dma_wait3A_162] : memref<10016x128xf32, #tpu.memory_space<vmem_shared>> -> memref<72x128xf32, #tpu.memory_space<vmem_shared>>
      %dma_wait3A_164 = arith.constant 0 : i32
      %dma_wait3A_165 = tpu.memref_slice %arg9[%add3A_48, %dma_wait3A_164] : memref<10016x128xf32, #tpu.memory_space<vmem_shared>> -> memref<72x128xf32, #tpu.memory_space<vmem_shared>>
      %dma_wait3A_166 = arith.constant 0 : i32
      %dma_wait3A_167 = arith.constant 0 : i32
      %dma_wait3A_168 = tpu.memref_slice %arg8[%run_scoped3A_49, %dma_wait3A_166, %dma_wait3A_167] : memref<3x72x128xf32, #tpu.memory_space<vmem>> -> memref<1x72x128xf32, #tpu.memory_space<vmem>>
      %dma_wait3A_169 = tpu.memref_squeeze %dma_wait3A_168 : memref<1x72x128xf32, #tpu.memory_space<vmem>> -> memref<72x128xf32, #tpu.memory_space<vmem>>
      tpu.wait_dma2 semaphore(%run_scoped3A_145 : memref<!tpu.dma_semaphore, #tpu.memory_space<semaphore_mem>>) src(%dma_wait3A_169 : memref<72x128xf32, #tpu.memory_space<vmem>>) dst(%dma_wait3A_165 : memref<72x128xf32, #tpu.memory_space<vmem_shared>>)
      tpu.yield
    }) : () -> ()
    %mul3A_50 = arith.constant 626 : i32
    %mul3A_51 = arith.muli %arg1, %mul3A_50 : i32
    %add3A_52 = arith.constant 288 : i32
    %add3A_53 = arith.addi %mul3A_51, %add3A_52 : i32
    %run_scoped3A_54 = arith.constant 0 : i32
    "tpu.region"() ({
      %run_scoped3A_145 = tpu.sem_alloc : memref<!tpu.dma_semaphore, #tpu.memory_space<semaphore_mem>>
      %dma_start3A_146 = arith.constant 0 : i32
      %dma_start3A_147 = arith.constant 0 : i32
      %dma_start3A_148 = tpu.memref_slice %arg8[%run_scoped3A_54, %dma_start3A_146, %dma_start3A_147] : memref<3x72x128xf32, #tpu.memory_space<vmem>> -> memref<1x72x128xf32, #tpu.memory_space<vmem>>
      %dma_start3A_149 = tpu.memref_squeeze %dma_start3A_148 : memref<1x72x128xf32, #tpu.memory_space<vmem>> -> memref<72x128xf32, #tpu.memory_space<vmem>>
      %dma_start3A_150 = arith.constant 0 : i32
      %dma_start3A_151 = tpu.memref_slice %arg9[%add3A_53, %dma_start3A_150] : memref<10016x128xf32, #tpu.memory_space<vmem_shared>> -> memref<72x128xf32, #tpu.memory_space<vmem_shared>>
      %dma_start3A_152 = arith.constant 0 : i32
      %dma_start3A_153 = tpu.memref_slice %arg9[%add3A_53, %dma_start3A_152] : memref<10016x128xf32, #tpu.memory_space<vmem_shared>> -> memref<72x128xf32, #tpu.memory_space<vmem_shared>>
      %dma_start3A_154 = arith.constant 0 : i32
      %dma_start3A_155 = arith.constant 0 : i32
      %dma_start3A_156 = tpu.memref_slice %arg8[%run_scoped3A_54, %dma_start3A_154, %dma_start3A_155] : memref<3x72x128xf32, #tpu.memory_space<vmem>> -> memref<1x72x128xf32, #tpu.memory_space<vmem>>
      %dma_start3A_157 = tpu.memref_squeeze %dma_start3A_156 : memref<1x72x128xf32, #tpu.memory_space<vmem>> -> memref<72x128xf32, #tpu.memory_space<vmem>>
      tpu.enqueue_dma source(%dma_start3A_157 : memref<72x128xf32, #tpu.memory_space<vmem>>) target(%dma_start3A_153 : memref<72x128xf32, #tpu.memory_space<vmem_shared>>) target_semaphore(%run_scoped3A_145 : memref<!tpu.dma_semaphore, #tpu.memory_space<semaphore_mem>>)
      %dma_wait3A_158 = arith.constant 0 : i32
      %dma_wait3A_159 = arith.constant 0 : i32
      %dma_wait3A_160 = tpu.memref_slice %arg8[%run_scoped3A_54, %dma_wait3A_158, %dma_wait3A_159] : memref<3x72x128xf32, #tpu.memory_space<vmem>> -> memref<1x72x128xf32, #tpu.memory_space<vmem>>
      %dma_wait3A_161 = tpu.memref_squeeze %dma_wait3A_160 : memref<1x72x128xf32, #tpu.memory_space<vmem>> -> memref<72x128xf32, #tpu.memory_space<vmem>>
      %dma_wait3A_162 = arith.constant 0 : i32
      %dma_wait3A_163 = tpu.memref_slice %arg9[%add3A_53, %dma_wait3A_162] : memref<10016x128xf32, #tpu.memory_space<vmem_shared>> -> memref<72x128xf32, #tpu.memory_space<vmem_shared>>
      %dma_wait3A_164 = arith.constant 0 : i32
      %dma_wait3A_165 = tpu.memref_slice %arg9[%add3A_53, %dma_wait3A_164] : memref<10016x128xf32, #tpu.memory_space<vmem_shared>> -> memref<72x128xf32, #tpu.memory_space<vmem_shared>>
      %dma_wait3A_166 = arith.constant 0 : i32
      %dma_wait3A_167 = arith.constant 0 : i32
      %dma_wait3A_168 = tpu.memref_slice %arg8[%run_scoped3A_54, %dma_wait3A_166, %dma_wait3A_167] : memref<3x72x128xf32, #tpu.memory_space<vmem>> -> memref<1x72x128xf32, #tpu.memory_space<vmem>>
      %dma_wait3A_169 = tpu.memref_squeeze %dma_wait3A_168 : memref<1x72x128xf32, #tpu.memory_space<vmem>> -> memref<72x128xf32, #tpu.memory_space<vmem>>
      tpu.wait_dma2 semaphore(%run_scoped3A_145 : memref<!tpu.dma_semaphore, #tpu.memory_space<semaphore_mem>>) src(%dma_wait3A_169 : memref<72x128xf32, #tpu.memory_space<vmem>>) dst(%dma_wait3A_165 : memref<72x128xf32, #tpu.memory_space<vmem_shared>>)
      tpu.yield
    }) : () -> ()
    %mul3A_55 = arith.constant 626 : i32
    %mul3A_56 = arith.muli %arg1, %mul3A_55 : i32
    %add3A_57 = arith.constant 360 : i32
    %add3A_58 = arith.addi %mul3A_56, %add3A_57 : i32
    %run_scoped3A_59 = arith.constant 0 : i32
    "tpu.region"() ({
      %run_scoped3A_145 = tpu.sem_alloc : memref<!tpu.dma_semaphore, #tpu.memory_space<semaphore_mem>>
      %dma_start3A_146 = arith.constant 0 : i32
      %dma_start3A_147 = arith.constant 0 : i32
      %dma_start3A_148 = tpu.memref_slice %arg8[%run_scoped3A_59, %dma_start3A_146, %dma_start3A_147] : memref<3x72x128xf32, #tpu.memory_space<vmem>> -> memref<1x72x128xf32, #tpu.memory_space<vmem>>
      %dma_start3A_149 = tpu.memref_squeeze %dma_start3A_148 : memref<1x72x128xf32, #tpu.memory_space<vmem>> -> memref<72x128xf32, #tpu.memory_space<vmem>>
      %dma_start3A_150 = arith.constant 0 : i32
      %dma_start3A_151 = tpu.memref_slice %arg9[%add3A_58, %dma_start3A_150] : memref<10016x128xf32, #tpu.memory_space<vmem_shared>> -> memref<72x128xf32, #tpu.memory_space<vmem_shared>>
      %dma_start3A_152 = arith.constant 0 : i32
      %dma_start3A_153 = tpu.memref_slice %arg9[%add3A_58, %dma_start3A_152] : memref<10016x128xf32, #tpu.memory_space<vmem_shared>> -> memref<72x128xf32, #tpu.memory_space<vmem_shared>>
      %dma_start3A_154 = arith.constant 0 : i32
      %dma_start3A_155 = arith.constant 0 : i32
      %dma_start3A_156 = tpu.memref_slice %arg8[%run_scoped3A_59, %dma_start3A_154, %dma_start3A_155] : memref<3x72x128xf32, #tpu.memory_space<vmem>> -> memref<1x72x128xf32, #tpu.memory_space<vmem>>
      %dma_start3A_157 = tpu.memref_squeeze %dma_start3A_156 : memref<1x72x128xf32, #tpu.memory_space<vmem>> -> memref<72x128xf32, #tpu.memory_space<vmem>>
      tpu.enqueue_dma source(%dma_start3A_157 : memref<72x128xf32, #tpu.memory_space<vmem>>) target(%dma_start3A_153 : memref<72x128xf32, #tpu.memory_space<vmem_shared>>) target_semaphore(%run_scoped3A_145 : memref<!tpu.dma_semaphore, #tpu.memory_space<semaphore_mem>>)
      %dma_wait3A_158 = arith.constant 0 : i32
      %dma_wait3A_159 = arith.constant 0 : i32
      %dma_wait3A_160 = tpu.memref_slice %arg8[%run_scoped3A_59, %dma_wait3A_158, %dma_wait3A_159] : memref<3x72x128xf32, #tpu.memory_space<vmem>> -> memref<1x72x128xf32, #tpu.memory_space<vmem>>
      %dma_wait3A_161 = tpu.memref_squeeze %dma_wait3A_160 : memref<1x72x128xf32, #tpu.memory_space<vmem>> -> memref<72x128xf32, #tpu.memory_space<vmem>>
      %dma_wait3A_162 = arith.constant 0 : i32
      %dma_wait3A_163 = tpu.memref_slice %arg9[%add3A_58, %dma_wait3A_162] : memref<10016x128xf32, #tpu.memory_space<vmem_shared>> -> memref<72x128xf32, #tpu.memory_space<vmem_shared>>
      %dma_wait3A_164 = arith.constant 0 : i32
      %dma_wait3A_165 = tpu.memref_slice %arg9[%add3A_58, %dma_wait3A_164] : memref<10016x128xf32, #tpu.memory_space<vmem_shared>> -> memref<72x128xf32, #tpu.memory_space<vmem_shared>>
      %dma_wait3A_166 = arith.constant 0 : i32
      %dma_wait3A_167 = arith.constant 0 : i32
      %dma_wait3A_168 = tpu.memref_slice %arg8[%run_scoped3A_59, %dma_wait3A_166, %dma_wait3A_167] : memref<3x72x128xf32, #tpu.memory_space<vmem>> -> memref<1x72x128xf32, #tpu.memory_space<vmem>>
      %dma_wait3A_169 = tpu.memref_squeeze %dma_wait3A_168 : memref<1x72x128xf32, #tpu.memory_space<vmem>> -> memref<72x128xf32, #tpu.memory_space<vmem>>
      tpu.wait_dma2 semaphore(%run_scoped3A_145 : memref<!tpu.dma_semaphore, #tpu.memory_space<semaphore_mem>>) src(%dma_wait3A_169 : memref<72x128xf32, #tpu.memory_space<vmem>>) dst(%dma_wait3A_165 : memref<72x128xf32, #tpu.memory_space<vmem_shared>>)
      tpu.yield
    }) : () -> ()
    %mul3A_60 = arith.constant 626 : i32
    %mul3A_61 = arith.muli %arg1, %mul3A_60 : i32
    %add3A_62 = arith.constant 432 : i32
    %add3A_63 = arith.addi %mul3A_61, %add3A_62 : i32
    %run_scoped3A_64 = arith.constant 0 : i32
    "tpu.region"() ({
      %run_scoped3A_145 = tpu.sem_alloc : memref<!tpu.dma_semaphore, #tpu.memory_space<semaphore_mem>>
      %dma_start3A_146 = arith.constant 0 : i32
      %dma_start3A_147 = arith.constant 0 : i32
      %dma_start3A_148 = tpu.memref_slice %arg8[%run_scoped3A_64, %dma_start3A_146, %dma_start3A_147] : memref<3x72x128xf32, #tpu.memory_space<vmem>> -> memref<1x72x128xf32, #tpu.memory_space<vmem>>
      %dma_start3A_149 = tpu.memref_squeeze %dma_start3A_148 : memref<1x72x128xf32, #tpu.memory_space<vmem>> -> memref<72x128xf32, #tpu.memory_space<vmem>>
      %dma_start3A_150 = arith.constant 0 : i32
      %dma_start3A_151 = tpu.memref_slice %arg9[%add3A_63, %dma_start3A_150] : memref<10016x128xf32, #tpu.memory_space<vmem_shared>> -> memref<72x128xf32, #tpu.memory_space<vmem_shared>>
      %dma_start3A_152 = arith.constant 0 : i32
      %dma_start3A_153 = tpu.memref_slice %arg9[%add3A_63, %dma_start3A_152] : memref<10016x128xf32, #tpu.memory_space<vmem_shared>> -> memref<72x128xf32, #tpu.memory_space<vmem_shared>>
      %dma_start3A_154 = arith.constant 0 : i32
      %dma_start3A_155 = arith.constant 0 : i32
      %dma_start3A_156 = tpu.memref_slice %arg8[%run_scoped3A_64, %dma_start3A_154, %dma_start3A_155] : memref<3x72x128xf32, #tpu.memory_space<vmem>> -> memref<1x72x128xf32, #tpu.memory_space<vmem>>
      %dma_start3A_157 = tpu.memref_squeeze %dma_start3A_156 : memref<1x72x128xf32, #tpu.memory_space<vmem>> -> memref<72x128xf32, #tpu.memory_space<vmem>>
      tpu.enqueue_dma source(%dma_start3A_157 : memref<72x128xf32, #tpu.memory_space<vmem>>) target(%dma_start3A_153 : memref<72x128xf32, #tpu.memory_space<vmem_shared>>) target_semaphore(%run_scoped3A_145 : memref<!tpu.dma_semaphore, #tpu.memory_space<semaphore_mem>>)
      %dma_wait3A_158 = arith.constant 0 : i32
      %dma_wait3A_159 = arith.constant 0 : i32
      %dma_wait3A_160 = tpu.memref_slice %arg8[%run_scoped3A_64, %dma_wait3A_158, %dma_wait3A_159] : memref<3x72x128xf32, #tpu.memory_space<vmem>> -> memref<1x72x128xf32, #tpu.memory_space<vmem>>
      %dma_wait3A_161 = tpu.memref_squeeze %dma_wait3A_160 : memref<1x72x128xf32, #tpu.memory_space<vmem>> -> memref<72x128xf32, #tpu.memory_space<vmem>>
      %dma_wait3A_162 = arith.constant 0 : i32
      %dma_wait3A_163 = tpu.memref_slice %arg9[%add3A_63, %dma_wait3A_162] : memref<10016x128xf32, #tpu.memory_space<vmem_shared>> -> memref<72x128xf32, #tpu.memory_space<vmem_shared>>
      %dma_wait3A_164 = arith.constant 0 : i32
      %dma_wait3A_165 = tpu.memref_slice %arg9[%add3A_63, %dma_wait3A_164] : memref<10016x128xf32, #tpu.memory_space<vmem_shared>> -> memref<72x128xf32, #tpu.memory_space<vmem_shared>>
      %dma_wait3A_166 = arith.constant 0 : i32
      %dma_wait3A_167 = arith.constant 0 : i32
      %dma_wait3A_168 = tpu.memref_slice %arg8[%run_scoped3A_64, %dma_wait3A_166, %dma_wait3A_167] : memref<3x72x128xf32, #tpu.memory_space<vmem>> -> memref<1x72x128xf32, #tpu.memory_space<vmem>>
      %dma_wait3A_169 = tpu.memref_squeeze %dma_wait3A_168 : memref<1x72x128xf32, #tpu.memory_space<vmem>> -> memref<72x128xf32, #tpu.memory_space<vmem>>
      tpu.wait_dma2 semaphore(%run_scoped3A_145 : memref<!tpu.dma_semaphore, #tpu.memory_space<semaphore_mem>>) src(%dma_wait3A_169 : memref<72x128xf32, #tpu.memory_space<vmem>>) dst(%dma_wait3A_165 : memref<72x128xf32, #tpu.memory_space<vmem_shared>>)
      tpu.yield
    }) : () -> ()
    %mul3A_65 = arith.constant 626 : i32
    %mul3A_66 = arith.muli %arg1, %mul3A_65 : i32
    %add3A_67 = arith.constant 504 : i32
    %add3A_68 = arith.addi %mul3A_66, %add3A_67 : i32
    %run_scoped3A_69 = arith.constant 0 : i32
    "tpu.region"() ({
      %run_scoped3A_145 = tpu.sem_alloc : memref<!tpu.dma_semaphore, #tpu.memory_space<semaphore_mem>>
      %dma_start3A_146 = arith.constant 0 : i32
      %dma_start3A_147 = arith.constant 0 : i32
      %dma_start3A_148 = tpu.memref_slice %arg8[%run_scoped3A_69, %dma_start3A_146, %dma_start3A_147] : memref<3x72x128xf32, #tpu.memory_space<vmem>> -> memref<1x72x128xf32, #tpu.memory_space<vmem>>
      %dma_start3A_149 = tpu.memref_squeeze %dma_start3A_148 : memref<1x72x128xf32, #tpu.memory_space<vmem>> -> memref<72x128xf32, #tpu.memory_space<vmem>>
      %dma_start3A_150 = arith.constant 0 : i32
      %dma_start3A_151 = tpu.memref_slice %arg9[%add3A_68, %dma_start3A_150] : memref<10016x128xf32, #tpu.memory_space<vmem_shared>> -> memref<72x128xf32, #tpu.memory_space<vmem_shared>>
      %dma_start3A_152 = arith.constant 0 : i32
      %dma_start3A_153 = tpu.memref_slice %arg9[%add3A_68, %dma_start3A_152] : memref<10016x128xf32, #tpu.memory_space<vmem_shared>> -> memref<72x128xf32, #tpu.memory_space<vmem_shared>>
      %dma_start3A_154 = arith.constant 0 : i32
      %dma_start3A_155 = arith.constant 0 : i32
      %dma_start3A_156 = tpu.memref_slice %arg8[%run_scoped3A_69, %dma_start3A_154, %dma_start3A_155] : memref<3x72x128xf32, #tpu.memory_space<vmem>> -> memref<1x72x128xf32, #tpu.memory_space<vmem>>
      %dma_start3A_157 = tpu.memref_squeeze %dma_start3A_156 : memref<1x72x128xf32, #tpu.memory_space<vmem>> -> memref<72x128xf32, #tpu.memory_space<vmem>>
      tpu.enqueue_dma source(%dma_start3A_157 : memref<72x128xf32, #tpu.memory_space<vmem>>) target(%dma_start3A_153 : memref<72x128xf32, #tpu.memory_space<vmem_shared>>) target_semaphore(%run_scoped3A_145 : memref<!tpu.dma_semaphore, #tpu.memory_space<semaphore_mem>>)
      %dma_wait3A_158 = arith.constant 0 : i32
      %dma_wait3A_159 = arith.constant 0 : i32
      %dma_wait3A_160 = tpu.memref_slice %arg8[%run_scoped3A_69, %dma_wait3A_158, %dma_wait3A_159] : memref<3x72x128xf32, #tpu.memory_space<vmem>> -> memref<1x72x128xf32, #tpu.memory_space<vmem>>
      %dma_wait3A_161 = tpu.memref_squeeze %dma_wait3A_160 : memref<1x72x128xf32, #tpu.memory_space<vmem>> -> memref<72x128xf32, #tpu.memory_space<vmem>>
      %dma_wait3A_162 = arith.constant 0 : i32
      %dma_wait3A_163 = tpu.memref_slice %arg9[%add3A_68, %dma_wait3A_162] : memref<10016x128xf32, #tpu.memory_space<vmem_shared>> -> memref<72x128xf32, #tpu.memory_space<vmem_shared>>
      %dma_wait3A_164 = arith.constant 0 : i32
      %dma_wait3A_165 = tpu.memref_slice %arg9[%add3A_68, %dma_wait3A_164] : memref<10016x128xf32, #tpu.memory_space<vmem_shared>> -> memref<72x128xf32, #tpu.memory_space<vmem_shared>>
      %dma_wait3A_166 = arith.constant 0 : i32
      %dma_wait3A_167 = arith.constant 0 : i32
      %dma_wait3A_168 = tpu.memref_slice %arg8[%run_scoped3A_69, %dma_wait3A_166, %dma_wait3A_167] : memref<3x72x128xf32, #tpu.memory_space<vmem>> -> memref<1x72x128xf32, #tpu.memory_space<vmem>>
      %dma_wait3A_169 = tpu.memref_squeeze %dma_wait3A_168 : memref<1x72x128xf32, #tpu.memory_space<vmem>> -> memref<72x128xf32, #tpu.memory_space<vmem>>
      tpu.wait_dma2 semaphore(%run_scoped3A_145 : memref<!tpu.dma_semaphore, #tpu.memory_space<semaphore_mem>>) src(%dma_wait3A_169 : memref<72x128xf32, #tpu.memory_space<vmem>>) dst(%dma_wait3A_165 : memref<72x128xf32, #tpu.memory_space<vmem_shared>>)
      tpu.yield
    }) : () -> ()
    %mul3A_70 = arith.constant 626 : i32
    %mul3A_71 = arith.muli %arg1, %mul3A_70 : i32
    %add3A_72 = arith.constant 576 : i32
    %add3A_73 = arith.addi %mul3A_71, %add3A_72 : i32
    %run_scoped3A_74 = arith.constant 0 : i32
    "tpu.region"() ({
      %run_scoped3A_145 = tpu.sem_alloc : memref<!tpu.dma_semaphore, #tpu.memory_space<semaphore_mem>>
      %dma_start3A_146 = arith.constant 0 : i32
      %dma_start3A_147 = arith.constant 0 : i32
      %dma_start3A_148 = tpu.memref_slice %arg8[%run_scoped3A_74, %dma_start3A_146, %dma_start3A_147] : memref<3x72x128xf32, #tpu.memory_space<vmem>> -> memref<1x72x128xf32, #tpu.memory_space<vmem>>
      %dma_start3A_149 = tpu.memref_squeeze %dma_start3A_148 : memref<1x72x128xf32, #tpu.memory_space<vmem>> -> memref<72x128xf32, #tpu.memory_space<vmem>>
      %dma_start3A_150 = arith.constant 0 : i32
      %dma_start3A_151 = arith.constant 0 : i32
      %dma_start3A_152 = tpu.memref_slice %dma_start3A_149[%dma_start3A_150, %dma_start3A_151] : memref<72x128xf32, #tpu.memory_space<vmem>> -> memref<50x128xf32, #tpu.memory_space<vmem>>
      %dma_start3A_153 = arith.constant 0 : i32
      %dma_start3A_154 = tpu.memref_slice %arg9[%add3A_73, %dma_start3A_153] : memref<10016x128xf32, #tpu.memory_space<vmem_shared>> -> memref<50x128xf32, #tpu.memory_space<vmem_shared>>
      %dma_start3A_155 = arith.constant 0 : i32
      %dma_start3A_156 = tpu.memref_slice %arg9[%add3A_73, %dma_start3A_155] : memref<10016x128xf32, #tpu.memory_space<vmem_shared>> -> memref<50x128xf32, #tpu.memory_space<vmem_shared>>
      %dma_start3A_157 = arith.constant 0 : i32
      %dma_start3A_158 = arith.constant 0 : i32
      %dma_start3A_159 = tpu.memref_slice %arg8[%run_scoped3A_74, %dma_start3A_157, %dma_start3A_158] : memref<3x72x128xf32, #tpu.memory_space<vmem>> -> memref<1x72x128xf32, #tpu.memory_space<vmem>>
      %dma_start3A_160 = tpu.memref_squeeze %dma_start3A_159 : memref<1x72x128xf32, #tpu.memory_space<vmem>> -> memref<72x128xf32, #tpu.memory_space<vmem>>
      %dma_start3A_161 = arith.constant 0 : i32
      %dma_start3A_162 = arith.constant 0 : i32
      %dma_start3A_163 = tpu.memref_slice %dma_start3A_160[%dma_start3A_161, %dma_start3A_162] : memref<72x128xf32, #tpu.memory_space<vmem>> -> memref<50x128xf32, #tpu.memory_space<vmem>>
      tpu.enqueue_dma source(%dma_start3A_163 : memref<50x128xf32, #tpu.memory_space<vmem>>) target(%dma_start3A_156 : memref<50x128xf32, #tpu.memory_space<vmem_shared>>) target_semaphore(%run_scoped3A_145 : memref<!tpu.dma_semaphore, #tpu.memory_space<semaphore_mem>>)
      %dma_wait3A_164 = arith.constant 0 : i32
      %dma_wait3A_165 = arith.constant 0 : i32
      %dma_wait3A_166 = tpu.memref_slice %arg8[%run_scoped3A_74, %dma_wait3A_164, %dma_wait3A_165] : memref<3x72x128xf32, #tpu.memory_space<vmem>> -> memref<1x72x128xf32, #tpu.memory_space<vmem>>
      %dma_wait3A_167 = tpu.memref_squeeze %dma_wait3A_166 : memref<1x72x128xf32, #tpu.memory_space<vmem>> -> memref<72x128xf32, #tpu.memory_space<vmem>>
      %dma_wait3A_168 = arith.constant 0 : i32
      %dma_wait3A_169 = arith.constant 0 : i32
      %dma_wait3A_170 = tpu.memref_slice %dma_wait3A_167[%dma_wait3A_168, %dma_wait3A_169] : memref<72x128xf32, #tpu.memory_space<vmem>> -> memref<50x128xf32, #tpu.memory_space<vmem>>
      %dma_wait3A_171 = arith.constant 0 : i32
      %dma_wait3A_172 = tpu.memref_slice %arg9[%add3A_73, %dma_wait3A_171] : memref<10016x128xf32, #tpu.memory_space<vmem_shared>> -> memref<50x128xf32, #tpu.memory_space<vmem_shared>>
      %dma_wait3A_173 = arith.constant 0 : i32
      %dma_wait3A_174 = tpu.memref_slice %arg9[%add3A_73, %dma_wait3A_173] : memref<10016x128xf32, #tpu.memory_space<vmem_shared>> -> memref<50x128xf32, #tpu.memory_space<vmem_shared>>
      %dma_wait3A_175 = arith.constant 0 : i32
      %dma_wait3A_176 = arith.constant 0 : i32
      %dma_wait3A_177 = tpu.memref_slice %arg8[%run_scoped3A_74, %dma_wait3A_175, %dma_wait3A_176] : memref<3x72x128xf32, #tpu.memory_space<vmem>> -> memref<1x72x128xf32, #tpu.memory_space<vmem>>
      %dma_wait3A_178 = tpu.memref_squeeze %dma_wait3A_177 : memref<1x72x128xf32, #tpu.memory_space<vmem>> -> memref<72x128xf32, #tpu.memory_space<vmem>>
      %dma_wait3A_179 = arith.constant 0 : i32
      %dma_wait3A_180 = arith.constant 0 : i32
      %dma_wait3A_181 = tpu.memref_slice %dma_wait3A_178[%dma_wait3A_179, %dma_wait3A_180] : memref<72x128xf32, #tpu.memory_space<vmem>> -> memref<50x128xf32, #tpu.memory_space<vmem>>
      tpu.wait_dma2 semaphore(%run_scoped3A_145 : memref<!tpu.dma_semaphore, #tpu.memory_space<semaphore_mem>>) src(%dma_wait3A_181 : memref<50x128xf32, #tpu.memory_space<vmem>>) dst(%dma_wait3A_174 : memref<50x128xf32, #tpu.memory_space<vmem_shared>>)
      tpu.yield
    }) : () -> ()
    %barrier3A = arith.constant 0 : index
    tpu.barrier barrier_id(%barrier3A)
    %dma_start3A_75 = arith.constant 0 : i32
    %dma_start3A_76 = arith.constant 0 : i32
    %dma_start3A_77 = arith.constant 0 : i32
    %dma_start3A_78 = tpu.memref_slice %arg8[%dma_start3A_75, %dma_start3A_76, %dma_start3A_77] : memref<3x72x128xf32, #tpu.memory_space<vmem>> -> memref<1x72x128xf32, #tpu.memory_space<vmem>>
    %dma_start3A_79 = tpu.memref_squeeze %dma_start3A_78 : memref<1x72x128xf32, #tpu.memory_space<vmem>> -> memref<72x128xf32, #tpu.memory_space<vmem>>
    %dma_start3A_80 = arith.constant 0 : i32
    %dma_start3A_81 = tpu.memref_slice %arg6[%dma_start3A_80] : memref<10152xi32, #tpu.memory_space<vmem>> -> memref<72xi32, #tpu.memory_space<vmem>>
    %dma_start3A_82 = arith.constant 0 : i32
    %dma_start3A_83 = arith.constant 0 : i32
    %dma_start3A_84 = tpu.memref_slice %arg2[%dma_start3A_82, %dma_start3A_83] : memref<10000x128xf32, #tpu.memory_space<hbm>> -> memref<10000x128xf32, #tpu.memory_space<hbm>>
    tpu.enqueue_indirect_dma source(%dma_start3A_84 : memref<10000x128xf32, #tpu.memory_space<hbm>>) target(%dma_start3A_79 : memref<72x128xf32, #tpu.memory_space<vmem>>) offsets(%dma_start3A_81 : memref<72xi32, #tpu.memory_space<vmem>>) semaphore(%arg12 : memref<!tpu.dma_semaphore, #tpu.memory_space<semaphore_mem>>)
    %dma_start3A_85 = arith.constant 1 : i32
    %dma_start3A_86 = arith.constant 0 : i32
    %dma_start3A_87 = arith.constant 0 : i32
    %dma_start3A_88 = tpu.memref_slice %arg8[%dma_start3A_85, %dma_start3A_86, %dma_start3A_87] : memref<3x72x128xf32, #tpu.memory_space<vmem>> -> memref<1x72x128xf32, #tpu.memory_space<vmem>>
    %dma_start3A_89 = tpu.memref_squeeze %dma_start3A_88 : memref<1x72x128xf32, #tpu.memory_space<vmem>> -> memref<72x128xf32, #tpu.memory_space<vmem>>
    %dma_start3A_90 = arith.constant 72 : i32
    %dma_start3A_91 = tpu.memref_slice %arg6[%dma_start3A_90] : memref<10152xi32, #tpu.memory_space<vmem>> -> memref<72xi32, #tpu.memory_space<vmem>>
    %dma_start3A_92 = arith.constant 0 : i32
    %dma_start3A_93 = arith.constant 0 : i32
    %dma_start3A_94 = tpu.memref_slice %arg2[%dma_start3A_92, %dma_start3A_93] : memref<10000x128xf32, #tpu.memory_space<hbm>> -> memref<10000x128xf32, #tpu.memory_space<hbm>>
    tpu.enqueue_indirect_dma source(%dma_start3A_94 : memref<10000x128xf32, #tpu.memory_space<hbm>>) target(%dma_start3A_89 : memref<72x128xf32, #tpu.memory_space<vmem>>) offsets(%dma_start3A_91 : memref<72xi32, #tpu.memory_space<vmem>>) semaphore(%arg13 : memref<!tpu.dma_semaphore, #tpu.memory_space<semaphore_mem>>)
    %dma_start3A_95 = arith.constant 2 : i32
    %dma_start3A_96 = arith.constant 0 : i32
    %dma_start3A_97 = arith.constant 0 : i32
    %dma_start3A_98 = tpu.memref_slice %arg8[%dma_start3A_95, %dma_start3A_96, %dma_start3A_97] : memref<3x72x128xf32, #tpu.memory_space<vmem>> -> memref<1x72x128xf32, #tpu.memory_space<vmem>>
    %dma_start3A_99 = tpu.memref_squeeze %dma_start3A_98 : memref<1x72x128xf32, #tpu.memory_space<vmem>> -> memref<72x128xf32, #tpu.memory_space<vmem>>
    %dma_start3A_100 = arith.constant 144 : i32
    %dma_start3A_101 = tpu.memref_slice %arg6[%dma_start3A_100] : memref<10152xi32, #tpu.memory_space<vmem>> -> memref<72xi32, #tpu.memory_space<vmem>>
    %dma_start3A_102 = arith.constant 0 : i32
    %dma_start3A_103 = arith.constant 0 : i32
    %dma_start3A_104 = tpu.memref_slice %arg2[%dma_start3A_102, %dma_start3A_103] : memref<10000x128xf32, #tpu.memory_space<hbm>> -> memref<10000x128xf32, #tpu.memory_space<hbm>>
    tpu.enqueue_indirect_dma source(%dma_start3A_104 : memref<10000x128xf32, #tpu.memory_space<hbm>>) target(%dma_start3A_99 : memref<72x128xf32, #tpu.memory_space<vmem>>) offsets(%dma_start3A_101 : memref<72xi32, #tpu.memory_space<vmem>>) semaphore(%arg14 : memref<!tpu.dma_semaphore, #tpu.memory_space<semaphore_mem>>)
    %scan3A_105 = arith.constant 0 : i32
    %scan3A_106 = arith.constant 47 : i32
    %scan3A_107 = arith.addi %scan3A_105, %scan3A_106 : i32
    %scan3A_108 = arith.constant 1 : i32
    scf.for %scan3A_145 = %scan3A_105 to %scan3A_107 step %scan3A_108  : i32 {
      %mul3A_146 = arith.constant 3 : i32
      %mul3A_147 = arith.muli %scan3A_145, %mul3A_146 : i32
      %add3A_148 = arith.constant 0 : i32
      %add3A_149 = arith.addi %add3A_148, %mul3A_147 : i32
      %dma_wait3A_150 = arith.constant 0 : i32
      %dma_wait3A_151 = arith.constant 0 : i32
      %dma_wait3A_152 = arith.constant 0 : i32
      %dma_wait3A_153 = tpu.memref_slice %arg8[%dma_wait3A_150, %dma_wait3A_151, %dma_wait3A_152] : memref<3x72x128xf32, #tpu.memory_space<vmem>> -> memref<1x72x128xf32, #tpu.memory_space<vmem>>
      %dma_wait3A_154 = tpu.memref_squeeze %dma_wait3A_153 : memref<1x72x128xf32, #tpu.memory_space<vmem>> -> memref<72x128xf32, #tpu.memory_space<vmem>>
      %dma_wait3A_155 = arith.constant 0 : i32
      %dma_wait3A_156 = tpu.memref_slice %arg6[%dma_wait3A_155] : memref<10152xi32, #tpu.memory_space<vmem>> -> memref<72xi32, #tpu.memory_space<vmem>>
      %dma_wait3A_157 = arith.constant 0 : i32
      %dma_wait3A_158 = arith.constant 0 : i32
      %dma_wait3A_159 = tpu.memref_slice %arg2[%dma_wait3A_157, %dma_wait3A_158] : memref<10000x128xf32, #tpu.memory_space<hbm>> -> memref<10000x128xf32, #tpu.memory_space<hbm>>
      tpu.wait_indirect_dma semaphore(%arg12 : memref<!tpu.dma_semaphore, #tpu.memory_space<semaphore_mem>>) src(%dma_wait3A_159 : memref<10000x128xf32, #tpu.memory_space<hbm>>) dst(%dma_wait3A_154 : memref<72x128xf32, #tpu.memory_space<vmem>>)
      %add3A_160 = arith.constant 0 : i32
      %add3A_161 = arith.addi %add3A_149, %add3A_160 : i32
      %dma_start3A_162 = arith.constant 0 : i32
      %dma_start3A_163 = arith.constant 0 : i32
      %dma_start3A_164 = arith.constant 0 : i32
      %dma_start3A_165 = tpu.memref_slice %arg8[%dma_start3A_162, %dma_start3A_163, %dma_start3A_164] : memref<3x72x128xf32, #tpu.memory_space<vmem>> -> memref<1x72x128xf32, #tpu.memory_space<vmem>>
      %dma_start3A_166 = tpu.memref_squeeze %dma_start3A_165 : memref<1x72x128xf32, #tpu.memory_space<vmem>> -> memref<72x128xf32, #tpu.memory_space<vmem>>
      %dma_start3A_167 = arith.constant 0 : i32
      %dma_start3A_168 = tpu.memref_slice %arg7[%add3A_161, %dma_start3A_167] : memref<141x72xi32, #tpu.memory_space<vmem>> -> memref<1x72xi32, #tpu.memory_space<vmem>>
      %dma_start3A_169 = tpu.memref_squeeze %dma_start3A_168 : memref<1x72xi32, #tpu.memory_space<vmem>> -> memref<72xi32, #tpu.memory_space<vmem>>
      %dma_start3A_170 = arith.constant 0 : i32
      %dma_start3A_171 = arith.constant 0 : i32
      %dma_start3A_172 = tpu.memref_slice %arg9[%dma_start3A_170, %dma_start3A_171] : memref<10016x128xf32, #tpu.memory_space<vmem_shared>> -> memref<10016x128xf32, #tpu.memory_space<vmem_shared>>
      tpu.enqueue_indirect_dma source(%dma_start3A_166 : memref<72x128xf32, #tpu.memory_space<vmem>>) target(%dma_start3A_172 : memref<10016x128xf32, #tpu.memory_space<vmem_shared>>) offsets(%dma_start3A_169 : memref<72xi32, #tpu.memory_space<vmem>>) semaphore(%arg15 : memref<!tpu.dma_semaphore, #tpu.memory_space<semaphore_mem>>) {add = true}
      %dma_wait3A_173 = arith.constant 1 : i32
      %dma_wait3A_174 = arith.constant 0 : i32
      %dma_wait3A_175 = arith.constant 0 : i32
      %dma_wait3A_176 = tpu.memref_slice %arg8[%dma_wait3A_173, %dma_wait3A_174, %dma_wait3A_175] : memref<3x72x128xf32, #tpu.memory_space<vmem>> -> memref<1x72x128xf32, #tpu.memory_space<vmem>>
      %dma_wait3A_177 = tpu.memref_squeeze %dma_wait3A_176 : memref<1x72x128xf32, #tpu.memory_space<vmem>> -> memref<72x128xf32, #tpu.memory_space<vmem>>
      %dma_wait3A_178 = arith.constant 0 : i32
      %dma_wait3A_179 = tpu.memref_slice %arg6[%dma_wait3A_178] : memref<10152xi32, #tpu.memory_space<vmem>> -> memref<72xi32, #tpu.memory_space<vmem>>
      %dma_wait3A_180 = arith.constant 0 : i32
      %dma_wait3A_181 = arith.constant 0 : i32
      %dma_wait3A_182 = tpu.memref_slice %arg2[%dma_wait3A_180, %dma_wait3A_181] : memref<10000x128xf32, #tpu.memory_space<hbm>> -> memref<10000x128xf32, #tpu.memory_space<hbm>>
      tpu.wait_indirect_dma semaphore(%arg13 : memref<!tpu.dma_semaphore, #tpu.memory_space<semaphore_mem>>) src(%dma_wait3A_182 : memref<10000x128xf32, #tpu.memory_space<hbm>>) dst(%dma_wait3A_177 : memref<72x128xf32, #tpu.memory_space<vmem>>)
      %add3A_183 = arith.constant 1 : i32
      %add3A_184 = arith.addi %add3A_149, %add3A_183 : i32
      %dma_start3A_185 = arith.constant 1 : i32
      %dma_start3A_186 = arith.constant 0 : i32
      %dma_start3A_187 = arith.constant 0 : i32
      %dma_start3A_188 = tpu.memref_slice %arg8[%dma_start3A_185, %dma_start3A_186, %dma_start3A_187] : memref<3x72x128xf32, #tpu.memory_space<vmem>> -> memref<1x72x128xf32, #tpu.memory_space<vmem>>
      %dma_start3A_189 = tpu.memref_squeeze %dma_start3A_188 : memref<1x72x128xf32, #tpu.memory_space<vmem>> -> memref<72x128xf32, #tpu.memory_space<vmem>>
      %dma_start3A_190 = arith.constant 0 : i32
      %dma_start3A_191 = tpu.memref_slice %arg7[%add3A_184, %dma_start3A_190] : memref<141x72xi32, #tpu.memory_space<vmem>> -> memref<1x72xi32, #tpu.memory_space<vmem>>
      %dma_start3A_192 = tpu.memref_squeeze %dma_start3A_191 : memref<1x72xi32, #tpu.memory_space<vmem>> -> memref<72xi32, #tpu.memory_space<vmem>>
      %dma_start3A_193 = arith.constant 0 : i32
      %dma_start3A_194 = arith.constant 0 : i32
      %dma_start3A_195 = tpu.memref_slice %arg9[%dma_start3A_193, %dma_start3A_194] : memref<10016x128xf32, #tpu.memory_space<vmem_shared>> -> memref<10016x128xf32, #tpu.memory_space<vmem_shared>>
      tpu.enqueue_indirect_dma source(%dma_start3A_189 : memref<72x128xf32, #tpu.memory_space<vmem>>) target(%dma_start3A_195 : memref<10016x128xf32, #tpu.memory_space<vmem_shared>>) offsets(%dma_start3A_192 : memref<72xi32, #tpu.memory_space<vmem>>) semaphore(%arg16 : memref<!tpu.dma_semaphore, #tpu.memory_space<semaphore_mem>>) {add = true}
      %dma_wait3A_196 = arith.constant 2 : i32
      %dma_wait3A_197 = arith.constant 0 : i32
      %dma_wait3A_198 = arith.constant 0 : i32
      %dma_wait3A_199 = tpu.memref_slice %arg8[%dma_wait3A_196, %dma_wait3A_197, %dma_wait3A_198] : memref<3x72x128xf32, #tpu.memory_space<vmem>> -> memref<1x72x128xf32, #tpu.memory_space<vmem>>
      %dma_wait3A_200 = tpu.memref_squeeze %dma_wait3A_199 : memref<1x72x128xf32, #tpu.memory_space<vmem>> -> memref<72x128xf32, #tpu.memory_space<vmem>>
      %dma_wait3A_201 = arith.constant 0 : i32
      %dma_wait3A_202 = tpu.memref_slice %arg6[%dma_wait3A_201] : memref<10152xi32, #tpu.memory_space<vmem>> -> memref<72xi32, #tpu.memory_space<vmem>>
      %dma_wait3A_203 = arith.constant 0 : i32
      %dma_wait3A_204 = arith.constant 0 : i32
      %dma_wait3A_205 = tpu.memref_slice %arg2[%dma_wait3A_203, %dma_wait3A_204] : memref<10000x128xf32, #tpu.memory_space<hbm>> -> memref<10000x128xf32, #tpu.memory_space<hbm>>
      tpu.wait_indirect_dma semaphore(%arg14 : memref<!tpu.dma_semaphore, #tpu.memory_space<semaphore_mem>>) src(%dma_wait3A_205 : memref<10000x128xf32, #tpu.memory_space<hbm>>) dst(%dma_wait3A_200 : memref<72x128xf32, #tpu.memory_space<vmem>>)
      %add3A_206 = arith.constant 2 : i32
      %add3A_207 = arith.addi %add3A_149, %add3A_206 : i32
      %dma_start3A_208 = arith.constant 2 : i32
      %dma_start3A_209 = arith.constant 0 : i32
      %dma_start3A_210 = arith.constant 0 : i32
      %dma_start3A_211 = tpu.memref_slice %arg8[%dma_start3A_208, %dma_start3A_209, %dma_start3A_210] : memref<3x72x128xf32, #tpu.memory_space<vmem>> -> memref<1x72x128xf32, #tpu.memory_space<vmem>>
      %dma_start3A_212 = tpu.memref_squeeze %dma_start3A_211 : memref<1x72x128xf32, #tpu.memory_space<vmem>> -> memref<72x128xf32, #tpu.memory_space<vmem>>
      %dma_start3A_213 = arith.constant 0 : i32
      %dma_start3A_214 = tpu.memref_slice %arg7[%add3A_207, %dma_start3A_213] : memref<141x72xi32, #tpu.memory_space<vmem>> -> memref<1x72xi32, #tpu.memory_space<vmem>>
      %dma_start3A_215 = tpu.memref_squeeze %dma_start3A_214 : memref<1x72xi32, #tpu.memory_space<vmem>> -> memref<72xi32, #tpu.memory_space<vmem>>
      %dma_start3A_216 = arith.constant 0 : i32
      %dma_start3A_217 = arith.constant 0 : i32
      %dma_start3A_218 = tpu.memref_slice %arg9[%dma_start3A_216, %dma_start3A_217] : memref<10016x128xf32, #tpu.memory_space<vmem_shared>> -> memref<10016x128xf32, #tpu.memory_space<vmem_shared>>
      tpu.enqueue_indirect_dma source(%dma_start3A_212 : memref<72x128xf32, #tpu.memory_space<vmem>>) target(%dma_start3A_218 : memref<10016x128xf32, #tpu.memory_space<vmem_shared>>) offsets(%dma_start3A_215 : memref<72xi32, #tpu.memory_space<vmem>>) semaphore(%arg17 : memref<!tpu.dma_semaphore, #tpu.memory_space<semaphore_mem>>) {add = true}
      %dma_wait3A_219 = arith.constant 0 : i32
      %dma_wait3A_220 = arith.constant 0 : i32
      %dma_wait3A_221 = arith.constant 0 : i32
      %dma_wait3A_222 = arith.constant 0 : i32
      %dma_wait3A_223 = tpu.memref_slice %arg8[%dma_wait3A_219, %dma_wait3A_221, %dma_wait3A_222] : memref<3x72x128xf32, #tpu.memory_space<vmem>> -> memref<1x72x128xf32, #tpu.memory_space<vmem>>
      %dma_wait3A_224 = tpu.memref_squeeze %dma_wait3A_223 : memref<1x72x128xf32, #tpu.memory_space<vmem>> -> memref<72x128xf32, #tpu.memory_space<vmem>>
      %dma_wait3A_225 = arith.constant 0 : i32
      %dma_wait3A_226 = tpu.memref_slice %arg7[%dma_wait3A_220, %dma_wait3A_225] : memref<141x72xi32, #tpu.memory_space<vmem>> -> memref<1x72xi32, #tpu.memory_space<vmem>>
      %dma_wait3A_227 = tpu.memref_squeeze %dma_wait3A_226 : memref<1x72xi32, #tpu.memory_space<vmem>> -> memref<72xi32, #tpu.memory_space<vmem>>
      %dma_wait3A_228 = arith.constant 0 : i32
      %dma_wait3A_229 = arith.constant 0 : i32
      %dma_wait3A_230 = tpu.memref_slice %arg9[%dma_wait3A_228, %dma_wait3A_229] : memref<10016x128xf32, #tpu.memory_space<vmem_shared>> -> memref<10016x128xf32, #tpu.memory_space<vmem_shared>>
      tpu.wait_indirect_dma semaphore(%arg15 : memref<!tpu.dma_semaphore, #tpu.memory_space<semaphore_mem>>) src(%dma_wait3A_224 : memref<72x128xf32, #tpu.memory_space<vmem>>) dst(%dma_wait3A_230 : memref<10016x128xf32, #tpu.memory_space<vmem_shared>>)
      %add3A_231 = arith.constant 3 : i32
      %add3A_232 = arith.addi %add3A_149, %add3A_231 : i32
      %add3A_233 = arith.constant 0 : i32
      %add3A_234 = arith.addi %add3A_232, %add3A_233 : i32
      %min3A = arith.constant 140 : i32
      %min3A_235 = arith.minsi %add3A_234, %min3A : i32
      %mul3A_236 = arith.constant 72 : i32
      %mul3A_237 = arith.muli %min3A_235, %mul3A_236 : i32
      %dma_start3A_238 = arith.constant 0 : i32
      %dma_start3A_239 = arith.constant 0 : i32
      %dma_start3A_240 = arith.constant 0 : i32
      %dma_start3A_241 = tpu.memref_slice %arg8[%dma_start3A_238, %dma_start3A_239, %dma_start3A_240] : memref<3x72x128xf32, #tpu.memory_space<vmem>> -> memref<1x72x128xf32, #tpu.memory_space<vmem>>
      %dma_start3A_242 = tpu.memref_squeeze %dma_start3A_241 : memref<1x72x128xf32, #tpu.memory_space<vmem>> -> memref<72x128xf32, #tpu.memory_space<vmem>>
      %dma_start3A_243 = tpu.memref_slice %arg6[%mul3A_237] : memref<10152xi32, #tpu.memory_space<vmem>> -> memref<72xi32, #tpu.memory_space<vmem>>
      %dma_start3A_244 = arith.constant 0 : i32
      %dma_start3A_245 = arith.constant 0 : i32
      %dma_start3A_246 = tpu.memref_slice %arg2[%dma_start3A_244, %dma_start3A_245] : memref<10000x128xf32, #tpu.memory_space<hbm>> -> memref<10000x128xf32, #tpu.memory_space<hbm>>
      tpu.enqueue_indirect_dma source(%dma_start3A_246 : memref<10000x128xf32, #tpu.memory_space<hbm>>) target(%dma_start3A_242 : memref<72x128xf32, #tpu.memory_space<vmem>>) offsets(%dma_start3A_243 : memref<72xi32, #tpu.memory_space<vmem>>) semaphore(%arg12 : memref<!tpu.dma_semaphore, #tpu.memory_space<semaphore_mem>>)
      %dma_wait3A_247 = arith.constant 1 : i32
      %dma_wait3A_248 = arith.constant 0 : i32
      %dma_wait3A_249 = arith.constant 0 : i32
      %dma_wait3A_250 = arith.constant 0 : i32
      %dma_wait3A_251 = tpu.memref_slice %arg8[%dma_wait3A_247, %dma_wait3A_249, %dma_wait3A_250] : memref<3x72x128xf32, #tpu.memory_space<vmem>> -> memref<1x72x128xf32, #tpu.memory_space<vmem>>
      %dma_wait3A_252 = tpu.memref_squeeze %dma_wait3A_251 : memref<1x72x128xf32, #tpu.memory_space<vmem>> -> memref<72x128xf32, #tpu.memory_space<vmem>>
      %dma_wait3A_253 = arith.constant 0 : i32
      %dma_wait3A_254 = tpu.memref_slice %arg7[%dma_wait3A_248, %dma_wait3A_253] : memref<141x72xi32, #tpu.memory_space<vmem>> -> memref<1x72xi32, #tpu.memory_space<vmem>>
      %dma_wait3A_255 = tpu.memref_squeeze %dma_wait3A_254 : memref<1x72xi32, #tpu.memory_space<vmem>> -> memref<72xi32, #tpu.memory_space<vmem>>
      %dma_wait3A_256 = arith.constant 0 : i32
      %dma_wait3A_257 = arith.constant 0 : i32
      %dma_wait3A_258 = tpu.memref_slice %arg9[%dma_wait3A_256, %dma_wait3A_257] : memref<10016x128xf32, #tpu.memory_space<vmem_shared>> -> memref<10016x128xf32, #tpu.memory_space<vmem_shared>>
      tpu.wait_indirect_dma semaphore(%arg16 : memref<!tpu.dma_semaphore, #tpu.memory_space<semaphore_mem>>) src(%dma_wait3A_252 : memref<72x128xf32, #tpu.memory_space<vmem>>) dst(%dma_wait3A_258 : memref<10016x128xf32, #tpu.memory_space<vmem_shared>>)
      %add3A_259 = arith.constant 3 : i32
      %add3A_260 = arith.addi %add3A_149, %add3A_259 : i32
      %add3A_261 = arith.constant 1 : i32
      %add3A_262 = arith.addi %add3A_260, %add3A_261 : i32
      %min3A_263 = arith.constant 140 : i32
      %min3A_264 = arith.minsi %add3A_262, %min3A_263 : i32
      %mul3A_265 = arith.constant 72 : i32
      %mul3A_266 = arith.muli %min3A_264, %mul3A_265 : i32
      %dma_start3A_267 = arith.constant 1 : i32
      %dma_start3A_268 = arith.constant 0 : i32
      %dma_start3A_269 = arith.constant 0 : i32
      %dma_start3A_270 = tpu.memref_slice %arg8[%dma_start3A_267, %dma_start3A_268, %dma_start3A_269] : memref<3x72x128xf32, #tpu.memory_space<vmem>> -> memref<1x72x128xf32, #tpu.memory_space<vmem>>
      %dma_start3A_271 = tpu.memref_squeeze %dma_start3A_270 : memref<1x72x128xf32, #tpu.memory_space<vmem>> -> memref<72x128xf32, #tpu.memory_space<vmem>>
      %dma_start3A_272 = tpu.memref_slice %arg6[%mul3A_266] : memref<10152xi32, #tpu.memory_space<vmem>> -> memref<72xi32, #tpu.memory_space<vmem>>
      %dma_start3A_273 = arith.constant 0 : i32
      %dma_start3A_274 = arith.constant 0 : i32
      %dma_start3A_275 = tpu.memref_slice %arg2[%dma_start3A_273, %dma_start3A_274] : memref<10000x128xf32, #tpu.memory_space<hbm>> -> memref<10000x128xf32, #tpu.memory_space<hbm>>
      tpu.enqueue_indirect_dma source(%dma_start3A_275 : memref<10000x128xf32, #tpu.memory_space<hbm>>) target(%dma_start3A_271 : memref<72x128xf32, #tpu.memory_space<vmem>>) offsets(%dma_start3A_272 : memref<72xi32, #tpu.memory_space<vmem>>) semaphore(%arg13 : memref<!tpu.dma_semaphore, #tpu.memory_space<semaphore_mem>>)
      %dma_wait3A_276 = arith.constant 2 : i32
      %dma_wait3A_277 = arith.constant 0 : i32
      %dma_wait3A_278 = arith.constant 0 : i32
      %dma_wait3A_279 = arith.constant 0 : i32
      %dma_wait3A_280 = tpu.memref_slice %arg8[%dma_wait3A_276, %dma_wait3A_278, %dma_wait3A_279] : memref<3x72x128xf32, #tpu.memory_space<vmem>> -> memref<1x72x128xf32, #tpu.memory_space<vmem>>
      %dma_wait3A_281 = tpu.memref_squeeze %dma_wait3A_280 : memref<1x72x128xf32, #tpu.memory_space<vmem>> -> memref<72x128xf32, #tpu.memory_space<vmem>>
      %dma_wait3A_282 = arith.constant 0 : i32
      %dma_wait3A_283 = tpu.memref_slice %arg7[%dma_wait3A_277, %dma_wait3A_282] : memref<141x72xi32, #tpu.memory_space<vmem>> -> memref<1x72xi32, #tpu.memory_space<vmem>>
      %dma_wait3A_284 = tpu.memref_squeeze %dma_wait3A_283 : memref<1x72xi32, #tpu.memory_space<vmem>> -> memref<72xi32, #tpu.memory_space<vmem>>
      %dma_wait3A_285 = arith.constant 0 : i32
      %dma_wait3A_286 = arith.constant 0 : i32
      %dma_wait3A_287 = tpu.memref_slice %arg9[%dma_wait3A_285, %dma_wait3A_286] : memref<10016x128xf32, #tpu.memory_space<vmem_shared>> -> memref<10016x128xf32, #tpu.memory_space<vmem_shared>>
      tpu.wait_indirect_dma semaphore(%arg17 : memref<!tpu.dma_semaphore, #tpu.memory_space<semaphore_mem>>) src(%dma_wait3A_281 : memref<72x128xf32, #tpu.memory_space<vmem>>) dst(%dma_wait3A_287 : memref<10016x128xf32, #tpu.memory_space<vmem_shared>>)
      %add3A_288 = arith.constant 3 : i32
      %add3A_289 = arith.addi %add3A_149, %add3A_288 : i32
      %add3A_290 = arith.constant 2 : i32
      %add3A_291 = arith.addi %add3A_289, %add3A_290 : i32
      %min3A_292 = arith.constant 140 : i32
      %min3A_293 = arith.minsi %add3A_291, %min3A_292 : i32
      %mul3A_294 = arith.constant 72 : i32
      %mul3A_295 = arith.muli %min3A_293, %mul3A_294 : i32
      %dma_start3A_296 = arith.constant 2 : i32
      %dma_start3A_297 = arith.constant 0 : i32
      %dma_start3A_298 = arith.constant 0 : i32
      %dma_start3A_299 = tpu.memref_slice %arg8[%dma_start3A_296, %dma_start3A_297, %dma_start3A_298] : memref<3x72x128xf32, #tpu.memory_space<vmem>> -> memref<1x72x128xf32, #tpu.memory_space<vmem>>
      %dma_start3A_300 = tpu.memref_squeeze %dma_start3A_299 : memref<1x72x128xf32, #tpu.memory_space<vmem>> -> memref<72x128xf32, #tpu.memory_space<vmem>>
      %dma_start3A_301 = tpu.memref_slice %arg6[%mul3A_295] : memref<10152xi32, #tpu.memory_space<vmem>> -> memref<72xi32, #tpu.memory_space<vmem>>
      %dma_start3A_302 = arith.constant 0 : i32
      %dma_start3A_303 = arith.constant 0 : i32
      %dma_start3A_304 = tpu.memref_slice %arg2[%dma_start3A_302, %dma_start3A_303] : memref<10000x128xf32, #tpu.memory_space<hbm>> -> memref<10000x128xf32, #tpu.memory_space<hbm>>
      tpu.enqueue_indirect_dma source(%dma_start3A_304 : memref<10000x128xf32, #tpu.memory_space<hbm>>) target(%dma_start3A_300 : memref<72x128xf32, #tpu.memory_space<vmem>>) offsets(%dma_start3A_301 : memref<72xi32, #tpu.memory_space<vmem>>) semaphore(%arg14 : memref<!tpu.dma_semaphore, #tpu.memory_space<semaphore_mem>>)
    }
    %scan3A_109 = arith.constant 47 : i32
    %dma_wait3A_110 = arith.constant 0 : i32
    %dma_wait3A_111 = arith.constant 0 : i32
    %dma_wait3A_112 = arith.constant 0 : i32
    %dma_wait3A_113 = tpu.memref_slice %arg8[%dma_wait3A_110, %dma_wait3A_111, %dma_wait3A_112] : memref<3x72x128xf32, #tpu.memory_space<vmem>> -> memref<1x72x128xf32, #tpu.memory_space<vmem>>
    %dma_wait3A_114 = tpu.memref_squeeze %dma_wait3A_113 : memref<1x72x128xf32, #tpu.memory_space<vmem>> -> memref<72x128xf32, #tpu.memory_space<vmem>>
    %dma_wait3A_115 = arith.constant 0 : i32
    %dma_wait3A_116 = tpu.memref_slice %arg6[%dma_wait3A_115] : memref<10152xi32, #tpu.memory_space<vmem>> -> memref<72xi32, #tpu.memory_space<vmem>>
    %dma_wait3A_117 = arith.constant 0 : i32
    %dma_wait3A_118 = arith.constant 0 : i32
    %dma_wait3A_119 = tpu.memref_slice %arg2[%dma_wait3A_117, %dma_wait3A_118] : memref<10000x128xf32, #tpu.memory_space<hbm>> -> memref<10000x128xf32, #tpu.memory_space<hbm>>
    tpu.wait_indirect_dma semaphore(%arg12 : memref<!tpu.dma_semaphore, #tpu.memory_space<semaphore_mem>>) src(%dma_wait3A_119 : memref<10000x128xf32, #tpu.memory_space<hbm>>) dst(%dma_wait3A_114 : memref<72x128xf32, #tpu.memory_space<vmem>>)
    %dma_wait3A_120 = arith.constant 1 : i32
    %dma_wait3A_121 = arith.constant 0 : i32
    %dma_wait3A_122 = arith.constant 0 : i32
    %dma_wait3A_123 = tpu.memref_slice %arg8[%dma_wait3A_120, %dma_wait3A_121, %dma_wait3A_122] : memref<3x72x128xf32, #tpu.memory_space<vmem>> -> memref<1x72x128xf32, #tpu.memory_space<vmem>>
    %dma_wait3A_124 = tpu.memref_squeeze %dma_wait3A_123 : memref<1x72x128xf32, #tpu.memory_space<vmem>> -> memref<72x128xf32, #tpu.memory_space<vmem>>
    %dma_wait3A_125 = arith.constant 0 : i32
    %dma_wait3A_126 = tpu.memref_slice %arg6[%dma_wait3A_125] : memref<10152xi32, #tpu.memory_space<vmem>> -> memref<72xi32, #tpu.memory_space<vmem>>
    %dma_wait3A_127 = arith.constant 0 : i32
    %dma_wait3A_128 = arith.constant 0 : i32
    %dma_wait3A_129 = tpu.memref_slice %arg2[%dma_wait3A_127, %dma_wait3A_128] : memref<10000x128xf32, #tpu.memory_space<hbm>> -> memref<10000x128xf32, #tpu.memory_space<hbm>>
    tpu.wait_indirect_dma semaphore(%arg13 : memref<!tpu.dma_semaphore, #tpu.memory_space<semaphore_mem>>) src(%dma_wait3A_129 : memref<10000x128xf32, #tpu.memory_space<hbm>>) dst(%dma_wait3A_124 : memref<72x128xf32, #tpu.memory_space<vmem>>)
    %dma_wait3A_130 = arith.constant 2 : i32
    %dma_wait3A_131 = arith.constant 0 : i32
    %dma_wait3A_132 = arith.constant 0 : i32
    %dma_wait3A_133 = tpu.memref_slice %arg8[%dma_wait3A_130, %dma_wait3A_131, %dma_wait3A_132] : memref<3x72x128xf32, #tpu.memory_space<vmem>> -> memref<1x72x128xf32, #tpu.memory_space<vmem>>
    %dma_wait3A_134 = tpu.memref_squeeze %dma_wait3A_133 : memref<1x72x128xf32, #tpu.memory_space<vmem>> -> memref<72x128xf32, #tpu.memory_space<vmem>>
    %dma_wait3A_135 = arith.constant 0 : i32
    %dma_wait3A_136 = tpu.memref_slice %arg6[%dma_wait3A_135] : memref<10152xi32, #tpu.memory_space<vmem>> -> memref<72xi32, #tpu.memory_space<vmem>>
    %dma_wait3A_137 = arith.constant 0 : i32
    %dma_wait3A_138 = arith.constant 0 : i32
    %dma_wait3A_139 = tpu.memref_slice %arg2[%dma_wait3A_137, %dma_wait3A_138] : memref<10000x128xf32, #tpu.memory_space<hbm>> -> memref<10000x128xf32, #tpu.memory_space<hbm>>
    tpu.wait_indirect_dma semaphore(%arg14 : memref<!tpu.dma_semaphore, #tpu.memory_space<semaphore_mem>>) src(%dma_wait3A_139 : memref<10000x128xf32, #tpu.memory_space<hbm>>) dst(%dma_wait3A_134 : memref<72x128xf32, #tpu.memory_space<vmem>>)
    %barrier3A_140 = arith.constant 0 : index
    tpu.barrier barrier_id(%barrier3A_140)
    %mul3A_141 = arith.constant 626 : i32
    %mul3A_142 = arith.muli %arg1, %mul3A_141 : i32
    %mul3A_143 = arith.constant 626 : i32
    %mul3A_144 = arith.muli %arg1, %mul3A_143 : i32
    "tpu.region"() ({
      %run_scoped3A_145 = tpu.sem_alloc : memref<!tpu.dma_semaphore, #tpu.memory_space<semaphore_mem>>
      %dma_start3A_146 = arith.constant 0 : i32
      %dma_start3A_147 = tpu.memref_slice %arg5[%arg0, %mul3A_144, %dma_start3A_146] : memref<2x10016x128xf32, #tpu.memory_space<hbm>> -> memref<1x626x128xf32, #tpu.memory_space<hbm>>
      %dma_start3A_148 = tpu.memref_squeeze %dma_start3A_147 : memref<1x626x128xf32, #tpu.memory_space<hbm>> -> memref<626x128xf32, #tpu.memory_space<hbm>>
      %dma_start3A_149 = arith.constant 0 : i32
      %dma_start3A_150 = tpu.memref_slice %arg9[%mul3A_142, %dma_start3A_149] : memref<10016x128xf32, #tpu.memory_space<vmem_shared>> -> memref<626x128xf32, #tpu.memory_space<vmem_shared>>
      tpu.enqueue_dma source(%dma_start3A_150 : memref<626x128xf32, #tpu.memory_space<vmem_shared>>) target(%dma_start3A_148 : memref<626x128xf32, #tpu.memory_space<hbm>>) target_semaphore(%run_scoped3A_145 : memref<!tpu.dma_semaphore, #tpu.memory_space<semaphore_mem>>)
      %dma_wait3A_151 = arith.constant 0 : i32
      %dma_wait3A_152 = tpu.memref_slice %arg5[%arg0, %mul3A_144, %dma_wait3A_151] : memref<2x10016x128xf32, #tpu.memory_space<hbm>> -> memref<1x626x128xf32, #tpu.memory_space<hbm>>
      %dma_wait3A_153 = tpu.memref_squeeze %dma_wait3A_152 : memref<1x626x128xf32, #tpu.memory_space<hbm>> -> memref<626x128xf32, #tpu.memory_space<hbm>>
      %dma_wait3A_154 = arith.constant 0 : i32
      %dma_wait3A_155 = tpu.memref_slice %arg9[%mul3A_142, %dma_wait3A_154] : memref<10016x128xf32, #tpu.memory_space<vmem_shared>> -> memref<626x128xf32, #tpu.memory_space<vmem_shared>>
      tpu.wait_dma2 semaphore(%run_scoped3A_145 : memref<!tpu.dma_semaphore, #tpu.memory_space<semaphore_mem>>) src(%dma_wait3A_155 : memref<626x128xf32, #tpu.memory_space<vmem_shared>>) dst(%dma_wait3A_153 : memref<626x128xf32, #tpu.memory_space<hbm>>)
      tpu.yield
    }) : () -> ()
    return
  }
}

#map = affine_map<(d0, d1) -> (0, 0)>
#map1 = affine_map<(d0, d1) -> (0, 0, 0)>
module attributes {stable_mosaic.version = 14 : i64} {
  func.func @k(%arg0: i32, %arg1: i32, %arg2: memref<10000x128xf32, #tpu.memory_space<hbm>>, %arg3: memref<32x10152xi32, #tpu.memory_space<hbm>>, %arg4: memref<32x141x72xi32, #tpu.memory_space<hbm>>, %arg5: memref<2x10016x128xf32, #tpu.memory_space<hbm>>, %arg6: memref<10152xi32, #tpu.memory_space<vmem>>, %arg7: memref<141x72xi32, #tpu.memory_space<vmem>>, %arg8: memref<3x72x128xf32, #tpu.memory_space<vmem>>, %arg9: memref<10016x128xf32, #tpu.memory_space<vmem_shared>>, %arg10: memref<!tpu.dma_semaphore, #tpu.memory_space<semaphore_mem>>, %arg11: memref<!tpu.dma_semaphore, #tpu.memory_space<semaphore_mem>>, %arg12: memref<!tpu.dma_semaphore, #tpu.memory_space<semaphore_mem>>, %arg13: memref<!tpu.dma_semaphore, #tpu.memory_space<semaphore_mem>>, %arg14: memref<!tpu.dma_semaphore, #tpu.memory_space<semaphore_mem>>, %arg15: memref<!tpu.dma_semaphore, #tpu.memory_space<semaphore_mem>>, %arg16: memref<!tpu.dma_semaphore, #tpu.memory_space<semaphore_mem>>, %arg17: memref<!tpu.dma_semaphore, #tpu.memory_space<semaphore_mem>>) attributes {dimension_semantics = [#tpu.dimension_semantics<core_parallel>, #tpu.dimension_semantics<subcore_parallel>], iteration_bounds = array<i64: 2, 16>, scalar_prefetch = 0 : i64, scratch_operands = 12 : i64, tpu.core_type = #tpu.core_type<sc_vector_subcore>, window_params = [{transform_indices = #map}, {transform_indices = #map}, {transform_indices = #map1}, {transform_indices = #map1}]} {
    %mul3A = arith.constant 16 : i32
    %mul3A_0 = arith.muli %arg0, %mul3A : i32
    %add3A = arith.addi %mul3A_0, %arg1 : i32
    %dma_start3A = arith.constant 0 : i32
    %dma_start3A_1 = tpu.memref_slice %arg3[%add3A, %dma_start3A] : memref<32x10152xi32, #tpu.memory_space<hbm>> -> memref<1x10152xi32, #tpu.memory_space<hbm>>
    %dma_start3A_2 = tpu.memref_squeeze %dma_start3A_1 : memref<1x10152xi32, #tpu.memory_space<hbm>> -> memref<10152xi32, #tpu.memory_space<hbm>>
    %dma_start3A_3 = arith.constant 0 : i32
    %dma_start3A_4 = tpu.memref_slice %arg3[%add3A, %dma_start3A_3] : memref<32x10152xi32, #tpu.memory_space<hbm>> -> memref<1x10152xi32, #tpu.memory_space<hbm>>
    %dma_start3A_5 = tpu.memref_squeeze %dma_start3A_4 : memref<1x10152xi32, #tpu.memory_space<hbm>> -> memref<10152xi32, #tpu.memory_space<hbm>>
    tpu.enqueue_dma source(%dma_start3A_5 : memref<10152xi32, #tpu.memory_space<hbm>>) target(%arg6 : memref<10152xi32, #tpu.memory_space<vmem>>) target_semaphore(%arg10 : memref<!tpu.dma_semaphore, #tpu.memory_space<semaphore_mem>>)
    %dma_wait3A = arith.constant 0 : i32
    %dma_wait3A_6 = tpu.memref_slice %arg3[%add3A, %dma_wait3A] : memref<32x10152xi32, #tpu.memory_space<hbm>> -> memref<1x10152xi32, #tpu.memory_space<hbm>>
    %dma_wait3A_7 = tpu.memref_squeeze %dma_wait3A_6 : memref<1x10152xi32, #tpu.memory_space<hbm>> -> memref<10152xi32, #tpu.memory_space<hbm>>
    %dma_wait3A_8 = arith.constant 0 : i32
    %dma_wait3A_9 = tpu.memref_slice %arg3[%add3A, %dma_wait3A_8] : memref<32x10152xi32, #tpu.memory_space<hbm>> -> memref<1x10152xi32, #tpu.memory_space<hbm>>
    %dma_wait3A_10 = tpu.memref_squeeze %dma_wait3A_9 : memref<1x10152xi32, #tpu.memory_space<hbm>> -> memref<10152xi32, #tpu.memory_space<hbm>>
    tpu.wait_dma2 semaphore(%arg10 : memref<!tpu.dma_semaphore, #tpu.memory_space<semaphore_mem>>) src(%dma_wait3A_10 : memref<10152xi32, #tpu.memory_space<hbm>>) dst(%arg6 : memref<10152xi32, #tpu.memory_space<vmem>>)
    %dma_start3A_11 = arith.constant 0 : i32
    %dma_start3A_12 = arith.constant 0 : i32
    %dma_start3A_13 = tpu.memref_slice %arg4[%add3A, %dma_start3A_11, %dma_start3A_12] : memref<32x141x72xi32, #tpu.memory_space<hbm>> -> memref<1x141x72xi32, #tpu.memory_space<hbm>>
    %dma_start3A_14 = tpu.memref_squeeze %dma_start3A_13 : memref<1x141x72xi32, #tpu.memory_space<hbm>> -> memref<141x72xi32, #tpu.memory_space<hbm>>
    %dma_start3A_15 = arith.constant 0 : i32
    %dma_start3A_16 = arith.constant 0 : i32
    %dma_start3A_17 = tpu.memref_slice %arg4[%add3A, %dma_start3A_15, %dma_start3A_16] : memref<32x141x72xi32, #tpu.memory_space<hbm>> -> memref<1x141x72xi32, #tpu.memory_space<hbm>>
    %dma_start3A_18 = tpu.memref_squeeze %dma_start3A_17 : memref<1x141x72xi32, #tpu.memory_space<hbm>> -> memref<141x72xi32, #tpu.memory_space<hbm>>
    tpu.enqueue_dma source(%dma_start3A_18 : memref<141x72xi32, #tpu.memory_space<hbm>>) target(%arg7 : memref<141x72xi32, #tpu.memory_space<vmem>>) target_semaphore(%arg11 : memref<!tpu.dma_semaphore, #tpu.memory_space<semaphore_mem>>)
    %dma_wait3A_19 = arith.constant 0 : i32
    %dma_wait3A_20 = arith.constant 0 : i32
    %dma_wait3A_21 = tpu.memref_slice %arg4[%add3A, %dma_wait3A_19, %dma_wait3A_20] : memref<32x141x72xi32, #tpu.memory_space<hbm>> -> memref<1x141x72xi32, #tpu.memory_space<hbm>>
    %dma_wait3A_22 = tpu.memref_squeeze %dma_wait3A_21 : memref<1x141x72xi32, #tpu.memory_space<hbm>> -> memref<141x72xi32, #tpu.memory_space<hbm>>
    %dma_wait3A_23 = arith.constant 0 : i32
    %dma_wait3A_24 = arith.constant 0 : i32
    %dma_wait3A_25 = tpu.memref_slice %arg4[%add3A, %dma_wait3A_23, %dma_wait3A_24] : memref<32x141x72xi32, #tpu.memory_space<hbm>> -> memref<1x141x72xi32, #tpu.memory_space<hbm>>
    %dma_wait3A_26 = tpu.memref_squeeze %dma_wait3A_25 : memref<1x141x72xi32, #tpu.memory_space<hbm>> -> memref<141x72xi32, #tpu.memory_space<hbm>>
    tpu.wait_dma2 semaphore(%arg11 : memref<!tpu.dma_semaphore, #tpu.memory_space<semaphore_mem>>) src(%dma_wait3A_26 : memref<141x72xi32, #tpu.memory_space<hbm>>) dst(%arg7 : memref<141x72xi32, #tpu.memory_space<vmem>>)
    %scan3A = arith.constant 0 : i32
    %scan3A_27 = arith.constant 72 : i32
    %scan3A_28 = arith.addi %scan3A, %scan3A_27 : i32
    %scan3A_29 = arith.constant 1 : i32
    scf.for %scan3A_145 = %scan3A to %scan3A_28 step %scan3A_29  : i32 {
      %mul3A_146 = arith.constant 1 : i32
      %mul3A_147 = arith.muli %scan3A_145, %mul3A_146 : i32
      %add3A_148 = arith.constant 0 : i32
      %add3A_149 = arith.addi %add3A_148, %mul3A_147 : i32
      %scan3A_150 = arith.constant 0 : i32
      %scan3A_151 = arith.constant 8 : i32
      %scan3A_152 = arith.addi %scan3A_150, %scan3A_151 : i32
      %scan3A_153 = arith.constant 1 : i32
      scf.for %scan3A_155 = %scan3A_150 to %scan3A_152 step %scan3A_153  : i32 {
        %mul3A_156 = arith.constant 16 : i32
        %mul3A_157 = arith.muli %scan3A_155, %mul3A_156 : i32
        %add3A_158 = arith.constant 0 : i32
        %add3A_159 = arith.addi %add3A_158, %mul3A_157 : i32
        %broadcast_in_dim3A = arith.constant 0.000000e+00 : f32
        %broadcast_in_dim3A_160 = vector.broadcast %broadcast_in_dim3A : f32 to vector<16xf32>
        %swap3A = arith.constant 0 : i32
        %swap3A_161 = arith.index_cast %swap3A : i32 to index
        %swap3A_162 = arith.index_cast %add3A_149 : i32 to index
        %swap3A_163 = arith.index_cast %add3A_159 : i32 to index
        %swap3A_164 = tpu.vector_load %arg8[%swap3A_161, %swap3A_162, %swap3A_163] {strides = array<i32>} : memref<3x72x128xf32, #tpu.memory_space<vmem>>, vector<1x1x16xf32>,
        %swap3A_165 = vector.shape_cast %swap3A_164 : vector<1x1x16xf32> to vector<16xf32>
        %swap3A_166 = vector.shape_cast %broadcast_in_dim3A_160 : vector<16xf32> to vector<1x1x16xf32>
        tpu.vector_store %arg8[%swap3A_161, %swap3A_162, %swap3A_163], %swap3A_166 {strides = array<i32>} : memref<3x72x128xf32, #tpu.memory_space<vmem>>, vector<1x1x16xf32>,
      }
      %scan3A_154 = arith.constant 8 : i32
    }
    %scan3A_30 = arith.constant 72 : i32
    %mul3A_31 = arith.constant 626 : i32
    %mul3A_32 = arith.muli %arg1, %mul3A_31 : i32
    %add3A_33 = arith.constant 0 : i32
    %add3A_34 = arith.addi %mul3A_32, %add3A_33 : i32
    %run_scoped3A = arith.constant 0 : i32
    "tpu.region"() ({
      %run_scoped3A_145 = tpu.sem_alloc : memref<!tpu.dma_semaphore, #tpu.memory_space<semaphore_mem>>
      %dma_start3A_146 = arith.constant 0 : i32
      %dma_start3A_147 = arith.constant 0 : i32
      %dma_start3A_148 = tpu.memref_slice %arg8[%run_scoped3A, %dma_start3A_146, %dma_start3A_147] : memref<3x72x128xf32, #tpu.memory_space<vmem>> -> memref<1x72x128xf32, #tpu.memory_space<vmem>>
      %dma_start3A_149 = tpu.memref_squeeze %dma_start3A_148 : memref<1x72x128xf32, #tpu.memory_space<vmem>> -> memref<72x128xf32, #tpu.memory_space<vmem>>
      %dma_start3A_150 = arith.constant 0 : i32
      %dma_start3A_151 = tpu.memref_slice %arg9[%add3A_34, %dma_start3A_150] : memref<10016x128xf32, #tpu.memory_space<vmem_shared>> -> memref<72x128xf32, #tpu.memory_space<vmem_shared>>
      %dma_start3A_152 = arith.constant 0 : i32
      %dma_start3A_153 = tpu.memref_slice %arg9[%add3A_34, %dma_start3A_152] : memref<10016x128xf32, #tpu.memory_space<vmem_shared>> -> memref<72x128xf32, #tpu.memory_space<vmem_shared>>
      %dma_start3A_154 = arith.constant 0 : i32
      %dma_start3A_155 = arith.constant 0 : i32
      %dma_start3A_156 = tpu.memref_slice %arg8[%run_scoped3A, %dma_start3A_154, %dma_start3A_155] : memref<3x72x128xf32, #tpu.memory_space<vmem>> -> memref<1x72x128xf32, #tpu.memory_space<vmem>>
      %dma_start3A_157 = tpu.memref_squeeze %dma_start3A_156 : memref<1x72x128xf32, #tpu.memory_space<vmem>> -> memref<72x128xf32, #tpu.memory_space<vmem>>
      tpu.enqueue_dma source(%dma_start3A_157 : memref<72x128xf32, #tpu.memory_space<vmem>>) target(%dma_start3A_153 : memref<72x128xf32, #tpu.memory_space<vmem_shared>>) target_semaphore(%run_scoped3A_145 : memref<!tpu.dma_semaphore, #tpu.memory_space<semaphore_mem>>)
      %dma_wait3A_158 = arith.constant 0 : i32
      %dma_wait3A_159 = arith.constant 0 : i32
      %dma_wait3A_160 = tpu.memref_slice %arg8[%run_scoped3A, %dma_wait3A_158, %dma_wait3A_159] : memref<3x72x128xf32, #tpu.memory_space<vmem>> -> memref<1x72x128xf32, #tpu.memory_space<vmem>>
      %dma_wait3A_161 = tpu.memref_squeeze %dma_wait3A_160 : memref<1x72x128xf32, #tpu.memory_space<vmem>> -> memref<72x128xf32, #tpu.memory_space<vmem>>
      %dma_wait3A_162 = arith.constant 0 : i32
      %dma_wait3A_163 = tpu.memref_slice %arg9[%add3A_34, %dma_wait3A_162] : memref<10016x128xf32, #tpu.memory_space<vmem_shared>> -> memref<72x128xf32, #tpu.memory_space<vmem_shared>>
      %dma_wait3A_164 = arith.constant 0 : i32
      %dma_wait3A_165 = tpu.memref_slice %arg9[%add3A_34, %dma_wait3A_164] : memref<10016x128xf32, #tpu.memory_space<vmem_shared>> -> memref<72x128xf32, #tpu.memory_space<vmem_shared>>
      %dma_wait3A_166 = arith.constant 0 : i32
      %dma_wait3A_167 = arith.constant 0 : i32
      %dma_wait3A_168 = tpu.memref_slice %arg8[%run_scoped3A, %dma_wait3A_166, %dma_wait3A_167] : memref<3x72x128xf32, #tpu.memory_space<vmem>> -> memref<1x72x128xf32, #tpu.memory_space<vmem>>
      %dma_wait3A_169 = tpu.memref_squeeze %dma_wait3A_168 : memref<1x72x128xf32, #tpu.memory_space<vmem>> -> memref<72x128xf32, #tpu.memory_space<vmem>>
      tpu.wait_dma2 semaphore(%run_scoped3A_145 : memref<!tpu.dma_semaphore, #tpu.memory_space<semaphore_mem>>) src(%dma_wait3A_169 : memref<72x128xf32, #tpu.memory_space<vmem>>) dst(%dma_wait3A_165 : memref<72x128xf32, #tpu.memory_space<vmem_shared>>)
      tpu.yield
    }) : () -> ()
    %mul3A_35 = arith.constant 626 : i32
    %mul3A_36 = arith.muli %arg1, %mul3A_35 : i32
    %add3A_37 = arith.constant 72 : i32
    %add3A_38 = arith.addi %mul3A_36, %add3A_37 : i32
    %run_scoped3A_39 = arith.constant 0 : i32
    "tpu.region"() ({
      %run_scoped3A_145 = tpu.sem_alloc : memref<!tpu.dma_semaphore, #tpu.memory_space<semaphore_mem>>
      %dma_start3A_146 = arith.constant 0 : i32
      %dma_start3A_147 = arith.constant 0 : i32
      %dma_start3A_148 = tpu.memref_slice %arg8[%run_scoped3A_39, %dma_start3A_146, %dma_start3A_147] : memref<3x72x128xf32, #tpu.memory_space<vmem>> -> memref<1x72x128xf32, #tpu.memory_space<vmem>>
      %dma_start3A_149 = tpu.memref_squeeze %dma_start3A_148 : memref<1x72x128xf32, #tpu.memory_space<vmem>> -> memref<72x128xf32, #tpu.memory_space<vmem>>
      %dma_start3A_150 = arith.constant 0 : i32
      %dma_start3A_151 = tpu.memref_slice %arg9[%add3A_38, %dma_start3A_150] : memref<10016x128xf32, #tpu.memory_space<vmem_shared>> -> memref<72x128xf32, #tpu.memory_space<vmem_shared>>
      %dma_start3A_152 = arith.constant 0 : i32
      %dma_start3A_153 = tpu.memref_slice %arg9[%add3A_38, %dma_start3A_152] : memref<10016x128xf32, #tpu.memory_space<vmem_shared>> -> memref<72x128xf32, #tpu.memory_space<vmem_shared>>
      %dma_start3A_154 = arith.constant 0 : i32
      %dma_start3A_155 = arith.constant 0 : i32
      %dma_start3A_156 = tpu.memref_slice %arg8[%run_scoped3A_39, %dma_start3A_154, %dma_start3A_155] : memref<3x72x128xf32, #tpu.memory_space<vmem>> -> memref<1x72x128xf32, #tpu.memory_space<vmem>>
      %dma_start3A_157 = tpu.memref_squeeze %dma_start3A_156 : memref<1x72x128xf32, #tpu.memory_space<vmem>> -> memref<72x128xf32, #tpu.memory_space<vmem>>
      tpu.enqueue_dma source(%dma_start3A_157 : memref<72x128xf32, #tpu.memory_space<vmem>>) target(%dma_start3A_153 : memref<72x128xf32, #tpu.memory_space<vmem_shared>>) target_semaphore(%run_scoped3A_145 : memref<!tpu.dma_semaphore, #tpu.memory_space<semaphore_mem>>)
      %dma_wait3A_158 = arith.constant 0 : i32
      %dma_wait3A_159 = arith.constant 0 : i32
      %dma_wait3A_160 = tpu.memref_slice %arg8[%run_scoped3A_39, %dma_wait3A_158, %dma_wait3A_159] : memref<3x72x128xf32, #tpu.memory_space<vmem>> -> memref<1x72x128xf32, #tpu.memory_space<vmem>>
      %dma_wait3A_161 = tpu.memref_squeeze %dma_wait3A_160 : memref<1x72x128xf32, #tpu.memory_space<vmem>> -> memref<72x128xf32, #tpu.memory_space<vmem>>
      %dma_wait3A_162 = arith.constant 0 : i32
      %dma_wait3A_163 = tpu.memref_slice %arg9[%add3A_38, %dma_wait3A_162] : memref<10016x128xf32, #tpu.memory_space<vmem_shared>> -> memref<72x128xf32, #tpu.memory_space<vmem_shared>>
      %dma_wait3A_164 = arith.constant 0 : i32
      %dma_wait3A_165 = tpu.memref_slice %arg9[%add3A_38, %dma_wait3A_164] : memref<10016x128xf32, #tpu.memory_space<vmem_shared>> -> memref<72x128xf32, #tpu.memory_space<vmem_shared>>
      %dma_wait3A_166 = arith.constant 0 : i32
      %dma_wait3A_167 = arith.constant 0 : i32
      %dma_wait3A_168 = tpu.memref_slice %arg8[%run_scoped3A_39, %dma_wait3A_166, %dma_wait3A_167] : memref<3x72x128xf32, #tpu.memory_space<vmem>> -> memref<1x72x128xf32, #tpu.memory_space<vmem>>
      %dma_wait3A_169 = tpu.memref_squeeze %dma_wait3A_168 : memref<1x72x128xf32, #tpu.memory_space<vmem>> -> memref<72x128xf32, #tpu.memory_space<vmem>>
      tpu.wait_dma2 semaphore(%run_scoped3A_145 : memref<!tpu.dma_semaphore, #tpu.memory_space<semaphore_mem>>) src(%dma_wait3A_169 : memref<72x128xf32, #tpu.memory_space<vmem>>) dst(%dma_wait3A_165 : memref<72x128xf32, #tpu.memory_space<vmem_shared>>)
      tpu.yield
    }) : () -> ()
    %mul3A_40 = arith.constant 626 : i32
    %mul3A_41 = arith.muli %arg1, %mul3A_40 : i32
    %add3A_42 = arith.constant 144 : i32
    %add3A_43 = arith.addi %mul3A_41, %add3A_42 : i32
    %run_scoped3A_44 = arith.constant 0 : i32
    "tpu.region"() ({
      %run_scoped3A_145 = tpu.sem_alloc : memref<!tpu.dma_semaphore, #tpu.memory_space<semaphore_mem>>
      %dma_start3A_146 = arith.constant 0 : i32
      %dma_start3A_147 = arith.constant 0 : i32
      %dma_start3A_148 = tpu.memref_slice %arg8[%run_scoped3A_44, %dma_start3A_146, %dma_start3A_147] : memref<3x72x128xf32, #tpu.memory_space<vmem>> -> memref<1x72x128xf32, #tpu.memory_space<vmem>>
      %dma_start3A_149 = tpu.memref_squeeze %dma_start3A_148 : memref<1x72x128xf32, #tpu.memory_space<vmem>> -> memref<72x128xf32, #tpu.memory_space<vmem>>
      %dma_start3A_150 = arith.constant 0 : i32
      %dma_start3A_151 = tpu.memref_slice %arg9[%add3A_43, %dma_start3A_150] : memref<10016x128xf32, #tpu.memory_space<vmem_shared>> -> memref<72x128xf32, #tpu.memory_space<vmem_shared>>
      %dma_start3A_152 = arith.constant 0 : i32
      %dma_start3A_153 = tpu.memref_slice %arg9[%add3A_43, %dma_start3A_152] : memref<10016x128xf32, #tpu.memory_space<vmem_shared>> -> memref<72x128xf32, #tpu.memory_space<vmem_shared>>
      %dma_start3A_154 = arith.constant 0 : i32
      %dma_start3A_155 = arith.constant 0 : i32
      %dma_start3A_156 = tpu.memref_slice %arg8[%run_scoped3A_44, %dma_start3A_154, %dma_start3A_155] : memref<3x72x128xf32, #tpu.memory_space<vmem>> -> memref<1x72x128xf32, #tpu.memory_space<vmem>>
      %dma_start3A_157 = tpu.memref_squeeze %dma_start3A_156 : memref<1x72x128xf32, #tpu.memory_space<vmem>> -> memref<72x128xf32, #tpu.memory_space<vmem>>
      tpu.enqueue_dma source(%dma_start3A_157 : memref<72x128xf32, #tpu.memory_space<vmem>>) target(%dma_start3A_153 : memref<72x128xf32, #tpu.memory_space<vmem_shared>>) target_semaphore(%run_scoped3A_145 : memref<!tpu.dma_semaphore, #tpu.memory_space<semaphore_mem>>)
      %dma_wait3A_158 = arith.constant 0 : i32
      %dma_wait3A_159 = arith.constant 0 : i32
      %dma_wait3A_160 = tpu.memref_slice %arg8[%run_scoped3A_44, %dma_wait3A_158, %dma_wait3A_159] : memref<3x72x128xf32, #tpu.memory_space<vmem>> -> memref<1x72x128xf32, #tpu.memory_space<vmem>>
      %dma_wait3A_161 = tpu.memref_squeeze %dma_wait3A_160 : memref<1x72x128xf32, #tpu.memory_space<vmem>> -> memref<72x128xf32, #tpu.memory_space<vmem>>
      %dma_wait3A_162 = arith.constant 0 : i32
      %dma_wait3A_163 = tpu.memref_slice %arg9[%add3A_43, %dma_wait3A_162] : memref<10016x128xf32, #tpu.memory_space<vmem_shared>> -> memref<72x128xf32, #tpu.memory_space<vmem_shared>>
      %dma_wait3A_164 = arith.constant 0 : i32
      %dma_wait3A_165 = tpu.memref_slice %arg9[%add3A_43, %dma_wait3A_164] : memref<10016x128xf32, #tpu.memory_space<vmem_shared>> -> memref<72x128xf32, #tpu.memory_space<vmem_shared>>
      %dma_wait3A_166 = arith.constant 0 : i32
      %dma_wait3A_167 = arith.constant 0 : i32
      %dma_wait3A_168 = tpu.memref_slice %arg8[%run_scoped3A_44, %dma_wait3A_166, %dma_wait3A_167] : memref<3x72x128xf32, #tpu.memory_space<vmem>> -> memref<1x72x128xf32, #tpu.memory_space<vmem>>
      %dma_wait3A_169 = tpu.memref_squeeze %dma_wait3A_168 : memref<1x72x128xf32, #tpu.memory_space<vmem>> -> memref<72x128xf32, #tpu.memory_space<vmem>>
      tpu.wait_dma2 semaphore(%run_scoped3A_145 : memref<!tpu.dma_semaphore, #tpu.memory_space<semaphore_mem>>) src(%dma_wait3A_169 : memref<72x128xf32, #tpu.memory_space<vmem>>) dst(%dma_wait3A_165 : memref<72x128xf32, #tpu.memory_space<vmem_shared>>)
      tpu.yield
    }) : () -> ()
    %mul3A_45 = arith.constant 626 : i32
    %mul3A_46 = arith.muli %arg1, %mul3A_45 : i32
    %add3A_47 = arith.constant 216 : i32
    %add3A_48 = arith.addi %mul3A_46, %add3A_47 : i32
    %run_scoped3A_49 = arith.constant 0 : i32
    "tpu.region"() ({
      %run_scoped3A_145 = tpu.sem_alloc : memref<!tpu.dma_semaphore, #tpu.memory_space<semaphore_mem>>
      %dma_start3A_146 = arith.constant 0 : i32
      %dma_start3A_147 = arith.constant 0 : i32
      %dma_start3A_148 = tpu.memref_slice %arg8[%run_scoped3A_49, %dma_start3A_146, %dma_start3A_147] : memref<3x72x128xf32, #tpu.memory_space<vmem>> -> memref<1x72x128xf32, #tpu.memory_space<vmem>>
      %dma_start3A_149 = tpu.memref_squeeze %dma_start3A_148 : memref<1x72x128xf32, #tpu.memory_space<vmem>> -> memref<72x128xf32, #tpu.memory_space<vmem>>
      %dma_start3A_150 = arith.constant 0 : i32
      %dma_start3A_151 = tpu.memref_slice %arg9[%add3A_48, %dma_start3A_150] : memref<10016x128xf32, #tpu.memory_space<vmem_shared>> -> memref<72x128xf32, #tpu.memory_space<vmem_shared>>
      %dma_start3A_152 = arith.constant 0 : i32
      %dma_start3A_153 = tpu.memref_slice %arg9[%add3A_48, %dma_start3A_152] : memref<10016x128xf32, #tpu.memory_space<vmem_shared>> -> memref<72x128xf32, #tpu.memory_space<vmem_shared>>
      %dma_start3A_154 = arith.constant 0 : i32
      %dma_start3A_155 = arith.constant 0 : i32
      %dma_start3A_156 = tpu.memref_slice %arg8[%run_scoped3A_49, %dma_start3A_154, %dma_start3A_155] : memref<3x72x128xf32, #tpu.memory_space<vmem>> -> memref<1x72x128xf32, #tpu.memory_space<vmem>>
      %dma_start3A_157 = tpu.memref_squeeze %dma_start3A_156 : memref<1x72x128xf32, #tpu.memory_space<vmem>> -> memref<72x128xf32, #tpu.memory_space<vmem>>
      tpu.enqueue_dma source(%dma_start3A_157 : memref<72x128xf32, #tpu.memory_space<vmem>>) target(%dma_start3A_153 : memref<72x128xf32, #tpu.memory_space<vmem_shared>>) target_semaphore(%run_scoped3A_145 : memref<!tpu.dma_semaphore, #tpu.memory_space<semaphore_mem>>)
      %dma_wait3A_158 = arith.constant 0 : i32
      %dma_wait3A_159 = arith.constant 0 : i32
      %dma_wait3A_160 = tpu.memref_slice %arg8[%run_scoped3A_49, %dma_wait3A_158, %dma_wait3A_159] : memref<3x72x128xf32, #tpu.memory_space<vmem>> -> memref<1x72x128xf32, #tpu.memory_space<vmem>>
      %dma_wait3A_161 = tpu.memref_squeeze %dma_wait3A_160 : memref<1x72x128xf32, #tpu.memory_space<vmem>> -> memref<72x128xf32, #tpu.memory_space<vmem>>
      %dma_wait3A_162 = arith.constant 0 : i32
      %dma_wait3A_163 = tpu.memref_slice %arg9[%add3A_48, %dma_wait3A_162] : memref<10016x128xf32, #tpu.memory_space<vmem_shared>> -> memref<72x128xf32, #tpu.memory_space<vmem_shared>>
      %dma_wait3A_164 = arith.constant 0 : i32
      %dma_wait3A_165 = tpu.memref_slice %arg9[%add3A_48, %dma_wait3A_164] : memref<10016x128xf32, #tpu.memory_space<vmem_shared>> -> memref<72x128xf32, #tpu.memory_space<vmem_shared>>
      %dma_wait3A_166 = arith.constant 0 : i32
      %dma_wait3A_167 = arith.constant 0 : i32
      %dma_wait3A_168 = tpu.memref_slice %arg8[%run_scoped3A_49, %dma_wait3A_166, %dma_wait3A_167] : memref<3x72x128xf32, #tpu.memory_space<vmem>> -> memref<1x72x128xf32, #tpu.memory_space<vmem>>
      %dma_wait3A_169 = tpu.memref_squeeze %dma_wait3A_168 : memref<1x72x128xf32, #tpu.memory_space<vmem>> -> memref<72x128xf32, #tpu.memory_space<vmem>>
      tpu.wait_dma2 semaphore(%run_scoped3A_145 : memref<!tpu.dma_semaphore, #tpu.memory_space<semaphore_mem>>) src(%dma_wait3A_169 : memref<72x128xf32, #tpu.memory_space<vmem>>) dst(%dma_wait3A_165 : memref<72x128xf32, #tpu.memory_space<vmem_shared>>)
      tpu.yield
    }) : () -> ()
    %mul3A_50 = arith.constant 626 : i32
    %mul3A_51 = arith.muli %arg1, %mul3A_50 : i32
    %add3A_52 = arith.constant 288 : i32
    %add3A_53 = arith.addi %mul3A_51, %add3A_52 : i32
    %run_scoped3A_54 = arith.constant 0 : i32
    "tpu.region"() ({
      %run_scoped3A_145 = tpu.sem_alloc : memref<!tpu.dma_semaphore, #tpu.memory_space<semaphore_mem>>
      %dma_start3A_146 = arith.constant 0 : i32
      %dma_start3A_147 = arith.constant 0 : i32
      %dma_start3A_148 = tpu.memref_slice %arg8[%run_scoped3A_54, %dma_start3A_146, %dma_start3A_147] : memref<3x72x128xf32, #tpu.memory_space<vmem>> -> memref<1x72x128xf32, #tpu.memory_space<vmem>>
      %dma_start3A_149 = tpu.memref_squeeze %dma_start3A_148 : memref<1x72x128xf32, #tpu.memory_space<vmem>> -> memref<72x128xf32, #tpu.memory_space<vmem>>
      %dma_start3A_150 = arith.constant 0 : i32
      %dma_start3A_151 = tpu.memref_slice %arg9[%add3A_53, %dma_start3A_150] : memref<10016x128xf32, #tpu.memory_space<vmem_shared>> -> memref<72x128xf32, #tpu.memory_space<vmem_shared>>
      %dma_start3A_152 = arith.constant 0 : i32
      %dma_start3A_153 = tpu.memref_slice %arg9[%add3A_53, %dma_start3A_152] : memref<10016x128xf32, #tpu.memory_space<vmem_shared>> -> memref<72x128xf32, #tpu.memory_space<vmem_shared>>
      %dma_start3A_154 = arith.constant 0 : i32
      %dma_start3A_155 = arith.constant 0 : i32
      %dma_start3A_156 = tpu.memref_slice %arg8[%run_scoped3A_54, %dma_start3A_154, %dma_start3A_155] : memref<3x72x128xf32, #tpu.memory_space<vmem>> -> memref<1x72x128xf32, #tpu.memory_space<vmem>>
      %dma_start3A_157 = tpu.memref_squeeze %dma_start3A_156 : memref<1x72x128xf32, #tpu.memory_space<vmem>> -> memref<72x128xf32, #tpu.memory_space<vmem>>
      tpu.enqueue_dma source(%dma_start3A_157 : memref<72x128xf32, #tpu.memory_space<vmem>>) target(%dma_start3A_153 : memref<72x128xf32, #tpu.memory_space<vmem_shared>>) target_semaphore(%run_scoped3A_145 : memref<!tpu.dma_semaphore, #tpu.memory_space<semaphore_mem>>)
      %dma_wait3A_158 = arith.constant 0 : i32
      %dma_wait3A_159 = arith.constant 0 : i32
      %dma_wait3A_160 = tpu.memref_slice %arg8[%run_scoped3A_54, %dma_wait3A_158, %dma_wait3A_159] : memref<3x72x128xf32, #tpu.memory_space<vmem>> -> memref<1x72x128xf32, #tpu.memory_space<vmem>>
      %dma_wait3A_161 = tpu.memref_squeeze %dma_wait3A_160 : memref<1x72x128xf32, #tpu.memory_space<vmem>> -> memref<72x128xf32, #tpu.memory_space<vmem>>
      %dma_wait3A_162 = arith.constant 0 : i32
      %dma_wait3A_163 = tpu.memref_slice %arg9[%add3A_53, %dma_wait3A_162] : memref<10016x128xf32, #tpu.memory_space<vmem_shared>> -> memref<72x128xf32, #tpu.memory_space<vmem_shared>>
      %dma_wait3A_164 = arith.constant 0 : i32
      %dma_wait3A_165 = tpu.memref_slice %arg9[%add3A_53, %dma_wait3A_164] : memref<10016x128xf32, #tpu.memory_space<vmem_shared>> -> memref<72x128xf32, #tpu.memory_space<vmem_shared>>
      %dma_wait3A_166 = arith.constant 0 : i32
      %dma_wait3A_167 = arith.constant 0 : i32
      %dma_wait3A_168 = tpu.memref_slice %arg8[%run_scoped3A_54, %dma_wait3A_166, %dma_wait3A_167] : memref<3x72x128xf32, #tpu.memory_space<vmem>> -> memref<1x72x128xf32, #tpu.memory_space<vmem>>
      %dma_wait3A_169 = tpu.memref_squeeze %dma_wait3A_168 : memref<1x72x128xf32, #tpu.memory_space<vmem>> -> memref<72x128xf32, #tpu.memory_space<vmem>>
      tpu.wait_dma2 semaphore(%run_scoped3A_145 : memref<!tpu.dma_semaphore, #tpu.memory_space<semaphore_mem>>) src(%dma_wait3A_169 : memref<72x128xf32, #tpu.memory_space<vmem>>) dst(%dma_wait3A_165 : memref<72x128xf32, #tpu.memory_space<vmem_shared>>)
      tpu.yield
    }) : () -> ()
    %mul3A_55 = arith.constant 626 : i32
    %mul3A_56 = arith.muli %arg1, %mul3A_55 : i32
    %add3A_57 = arith.constant 360 : i32
    %add3A_58 = arith.addi %mul3A_56, %add3A_57 : i32
    %run_scoped3A_59 = arith.constant 0 : i32
    "tpu.region"() ({
      %run_scoped3A_145 = tpu.sem_alloc : memref<!tpu.dma_semaphore, #tpu.memory_space<semaphore_mem>>
      %dma_start3A_146 = arith.constant 0 : i32
      %dma_start3A_147 = arith.constant 0 : i32
      %dma_start3A_148 = tpu.memref_slice %arg8[%run_scoped3A_59, %dma_start3A_146, %dma_start3A_147] : memref<3x72x128xf32, #tpu.memory_space<vmem>> -> memref<1x72x128xf32, #tpu.memory_space<vmem>>
      %dma_start3A_149 = tpu.memref_squeeze %dma_start3A_148 : memref<1x72x128xf32, #tpu.memory_space<vmem>> -> memref<72x128xf32, #tpu.memory_space<vmem>>
      %dma_start3A_150 = arith.constant 0 : i32
      %dma_start3A_151 = tpu.memref_slice %arg9[%add3A_58, %dma_start3A_150] : memref<10016x128xf32, #tpu.memory_space<vmem_shared>> -> memref<72x128xf32, #tpu.memory_space<vmem_shared>>
      %dma_start3A_152 = arith.constant 0 : i32
      %dma_start3A_153 = tpu.memref_slice %arg9[%add3A_58, %dma_start3A_152] : memref<10016x128xf32, #tpu.memory_space<vmem_shared>> -> memref<72x128xf32, #tpu.memory_space<vmem_shared>>
      %dma_start3A_154 = arith.constant 0 : i32
      %dma_start3A_155 = arith.constant 0 : i32
      %dma_start3A_156 = tpu.memref_slice %arg8[%run_scoped3A_59, %dma_start3A_154, %dma_start3A_155] : memref<3x72x128xf32, #tpu.memory_space<vmem>> -> memref<1x72x128xf32, #tpu.memory_space<vmem>>
      %dma_start3A_157 = tpu.memref_squeeze %dma_start3A_156 : memref<1x72x128xf32, #tpu.memory_space<vmem>> -> memref<72x128xf32, #tpu.memory_space<vmem>>
      tpu.enqueue_dma source(%dma_start3A_157 : memref<72x128xf32, #tpu.memory_space<vmem>>) target(%dma_start3A_153 : memref<72x128xf32, #tpu.memory_space<vmem_shared>>) target_semaphore(%run_scoped3A_145 : memref<!tpu.dma_semaphore, #tpu.memory_space<semaphore_mem>>)
      %dma_wait3A_158 = arith.constant 0 : i32
      %dma_wait3A_159 = arith.constant 0 : i32
      %dma_wait3A_160 = tpu.memref_slice %arg8[%run_scoped3A_59, %dma_wait3A_158, %dma_wait3A_159] : memref<3x72x128xf32, #tpu.memory_space<vmem>> -> memref<1x72x128xf32, #tpu.memory_space<vmem>>
      %dma_wait3A_161 = tpu.memref_squeeze %dma_wait3A_160 : memref<1x72x128xf32, #tpu.memory_space<vmem>> -> memref<72x128xf32, #tpu.memory_space<vmem>>
      %dma_wait3A_162 = arith.constant 0 : i32
      %dma_wait3A_163 = tpu.memref_slice %arg9[%add3A_58, %dma_wait3A_162] : memref<10016x128xf32, #tpu.memory_space<vmem_shared>> -> memref<72x128xf32, #tpu.memory_space<vmem_shared>>
      %dma_wait3A_164 = arith.constant 0 : i32
      %dma_wait3A_165 = tpu.memref_slice %arg9[%add3A_58, %dma_wait3A_164] : memref<10016x128xf32, #tpu.memory_space<vmem_shared>> -> memref<72x128xf32, #tpu.memory_space<vmem_shared>>
      %dma_wait3A_166 = arith.constant 0 : i32
      %dma_wait3A_167 = arith.constant 0 : i32
      %dma_wait3A_168 = tpu.memref_slice %arg8[%run_scoped3A_59, %dma_wait3A_166, %dma_wait3A_167] : memref<3x72x128xf32, #tpu.memory_space<vmem>> -> memref<1x72x128xf32, #tpu.memory_space<vmem>>
      %dma_wait3A_169 = tpu.memref_squeeze %dma_wait3A_168 : memref<1x72x128xf32, #tpu.memory_space<vmem>> -> memref<72x128xf32, #tpu.memory_space<vmem>>
      tpu.wait_dma2 semaphore(%run_scoped3A_145 : memref<!tpu.dma_semaphore, #tpu.memory_space<semaphore_mem>>) src(%dma_wait3A_169 : memref<72x128xf32, #tpu.memory_space<vmem>>) dst(%dma_wait3A_165 : memref<72x128xf32, #tpu.memory_space<vmem_shared>>)
      tpu.yield
    }) : () -> ()
    %mul3A_60 = arith.constant 626 : i32
    %mul3A_61 = arith.muli %arg1, %mul3A_60 : i32
    %add3A_62 = arith.constant 432 : i32
    %add3A_63 = arith.addi %mul3A_61, %add3A_62 : i32
    %run_scoped3A_64 = arith.constant 0 : i32
    "tpu.region"() ({
      %run_scoped3A_145 = tpu.sem_alloc : memref<!tpu.dma_semaphore, #tpu.memory_space<semaphore_mem>>
      %dma_start3A_146 = arith.constant 0 : i32
      %dma_start3A_147 = arith.constant 0 : i32
      %dma_start3A_148 = tpu.memref_slice %arg8[%run_scoped3A_64, %dma_start3A_146, %dma_start3A_147] : memref<3x72x128xf32, #tpu.memory_space<vmem>> -> memref<1x72x128xf32, #tpu.memory_space<vmem>>
      %dma_start3A_149 = tpu.memref_squeeze %dma_start3A_148 : memref<1x72x128xf32, #tpu.memory_space<vmem>> -> memref<72x128xf32, #tpu.memory_space<vmem>>
      %dma_start3A_150 = arith.constant 0 : i32
      %dma_start3A_151 = tpu.memref_slice %arg9[%add3A_63, %dma_start3A_150] : memref<10016x128xf32, #tpu.memory_space<vmem_shared>> -> memref<72x128xf32, #tpu.memory_space<vmem_shared>>
      %dma_start3A_152 = arith.constant 0 : i32
      %dma_start3A_153 = tpu.memref_slice %arg9[%add3A_63, %dma_start3A_152] : memref<10016x128xf32, #tpu.memory_space<vmem_shared>> -> memref<72x128xf32, #tpu.memory_space<vmem_shared>>
      %dma_start3A_154 = arith.constant 0 : i32
      %dma_start3A_155 = arith.constant 0 : i32
      %dma_start3A_156 = tpu.memref_slice %arg8[%run_scoped3A_64, %dma_start3A_154, %dma_start3A_155] : memref<3x72x128xf32, #tpu.memory_space<vmem>> -> memref<1x72x128xf32, #tpu.memory_space<vmem>>
      %dma_start3A_157 = tpu.memref_squeeze %dma_start3A_156 : memref<1x72x128xf32, #tpu.memory_space<vmem>> -> memref<72x128xf32, #tpu.memory_space<vmem>>
      tpu.enqueue_dma source(%dma_start3A_157 : memref<72x128xf32, #tpu.memory_space<vmem>>) target(%dma_start3A_153 : memref<72x128xf32, #tpu.memory_space<vmem_shared>>) target_semaphore(%run_scoped3A_145 : memref<!tpu.dma_semaphore, #tpu.memory_space<semaphore_mem>>)
      %dma_wait3A_158 = arith.constant 0 : i32
      %dma_wait3A_159 = arith.constant 0 : i32
      %dma_wait3A_160 = tpu.memref_slice %arg8[%run_scoped3A_64, %dma_wait3A_158, %dma_wait3A_159] : memref<3x72x128xf32, #tpu.memory_space<vmem>> -> memref<1x72x128xf32, #tpu.memory_space<vmem>>
      %dma_wait3A_161 = tpu.memref_squeeze %dma_wait3A_160 : memref<1x72x128xf32, #tpu.memory_space<vmem>> -> memref<72x128xf32, #tpu.memory_space<vmem>>
      %dma_wait3A_162 = arith.constant 0 : i32
      %dma_wait3A_163 = tpu.memref_slice %arg9[%add3A_63, %dma_wait3A_162] : memref<10016x128xf32, #tpu.memory_space<vmem_shared>> -> memref<72x128xf32, #tpu.memory_space<vmem_shared>>
      %dma_wait3A_164 = arith.constant 0 : i32
      %dma_wait3A_165 = tpu.memref_slice %arg9[%add3A_63, %dma_wait3A_164] : memref<10016x128xf32, #tpu.memory_space<vmem_shared>> -> memref<72x128xf32, #tpu.memory_space<vmem_shared>>
      %dma_wait3A_166 = arith.constant 0 : i32
      %dma_wait3A_167 = arith.constant 0 : i32
      %dma_wait3A_168 = tpu.memref_slice %arg8[%run_scoped3A_64, %dma_wait3A_166, %dma_wait3A_167] : memref<3x72x128xf32, #tpu.memory_space<vmem>> -> memref<1x72x128xf32, #tpu.memory_space<vmem>>
      %dma_wait3A_169 = tpu.memref_squeeze %dma_wait3A_168 : memref<1x72x128xf32, #tpu.memory_space<vmem>> -> memref<72x128xf32, #tpu.memory_space<vmem>>
      tpu.wait_dma2 semaphore(%run_scoped3A_145 : memref<!tpu.dma_semaphore, #tpu.memory_space<semaphore_mem>>) src(%dma_wait3A_169 : memref<72x128xf32, #tpu.memory_space<vmem>>) dst(%dma_wait3A_165 : memref<72x128xf32, #tpu.memory_space<vmem_shared>>)
      tpu.yield
    }) : () -> ()
    %mul3A_65 = arith.constant 626 : i32
    %mul3A_66 = arith.muli %arg1, %mul3A_65 : i32
    %add3A_67 = arith.constant 504 : i32
    %add3A_68 = arith.addi %mul3A_66, %add3A_67 : i32
    %run_scoped3A_69 = arith.constant 0 : i32
    "tpu.region"() ({
      %run_scoped3A_145 = tpu.sem_alloc : memref<!tpu.dma_semaphore, #tpu.memory_space<semaphore_mem>>
      %dma_start3A_146 = arith.constant 0 : i32
      %dma_start3A_147 = arith.constant 0 : i32
      %dma_start3A_148 = tpu.memref_slice %arg8[%run_scoped3A_69, %dma_start3A_146, %dma_start3A_147] : memref<3x72x128xf32, #tpu.memory_space<vmem>> -> memref<1x72x128xf32, #tpu.memory_space<vmem>>
      %dma_start3A_149 = tpu.memref_squeeze %dma_start3A_148 : memref<1x72x128xf32, #tpu.memory_space<vmem>> -> memref<72x128xf32, #tpu.memory_space<vmem>>
      %dma_start3A_150 = arith.constant 0 : i32
      %dma_start3A_151 = tpu.memref_slice %arg9[%add3A_68, %dma_start3A_150] : memref<10016x128xf32, #tpu.memory_space<vmem_shared>> -> memref<72x128xf32, #tpu.memory_space<vmem_shared>>
      %dma_start3A_152 = arith.constant 0 : i32
      %dma_start3A_153 = tpu.memref_slice %arg9[%add3A_68, %dma_start3A_152] : memref<10016x128xf32, #tpu.memory_space<vmem_shared>> -> memref<72x128xf32, #tpu.memory_space<vmem_shared>>
      %dma_start3A_154 = arith.constant 0 : i32
      %dma_start3A_155 = arith.constant 0 : i32
      %dma_start3A_156 = tpu.memref_slice %arg8[%run_scoped3A_69, %dma_start3A_154, %dma_start3A_155] : memref<3x72x128xf32, #tpu.memory_space<vmem>> -> memref<1x72x128xf32, #tpu.memory_space<vmem>>
      %dma_start3A_157 = tpu.memref_squeeze %dma_start3A_156 : memref<1x72x128xf32, #tpu.memory_space<vmem>> -> memref<72x128xf32, #tpu.memory_space<vmem>>
      tpu.enqueue_dma source(%dma_start3A_157 : memref<72x128xf32, #tpu.memory_space<vmem>>) target(%dma_start3A_153 : memref<72x128xf32, #tpu.memory_space<vmem_shared>>) target_semaphore(%run_scoped3A_145 : memref<!tpu.dma_semaphore, #tpu.memory_space<semaphore_mem>>)
      %dma_wait3A_158 = arith.constant 0 : i32
      %dma_wait3A_159 = arith.constant 0 : i32
      %dma_wait3A_160 = tpu.memref_slice %arg8[%run_scoped3A_69, %dma_wait3A_158, %dma_wait3A_159] : memref<3x72x128xf32, #tpu.memory_space<vmem>> -> memref<1x72x128xf32, #tpu.memory_space<vmem>>
      %dma_wait3A_161 = tpu.memref_squeeze %dma_wait3A_160 : memref<1x72x128xf32, #tpu.memory_space<vmem>> -> memref<72x128xf32, #tpu.memory_space<vmem>>
      %dma_wait3A_162 = arith.constant 0 : i32
      %dma_wait3A_163 = tpu.memref_slice %arg9[%add3A_68, %dma_wait3A_162] : memref<10016x128xf32, #tpu.memory_space<vmem_shared>> -> memref<72x128xf32, #tpu.memory_space<vmem_shared>>
      %dma_wait3A_164 = arith.constant 0 : i32
      %dma_wait3A_165 = tpu.memref_slice %arg9[%add3A_68, %dma_wait3A_164] : memref<10016x128xf32, #tpu.memory_space<vmem_shared>> -> memref<72x128xf32, #tpu.memory_space<vmem_shared>>
      %dma_wait3A_166 = arith.constant 0 : i32
      %dma_wait3A_167 = arith.constant 0 : i32
      %dma_wait3A_168 = tpu.memref_slice %arg8[%run_scoped3A_69, %dma_wait3A_166, %dma_wait3A_167] : memref<3x72x128xf32, #tpu.memory_space<vmem>> -> memref<1x72x128xf32, #tpu.memory_space<vmem>>
      %dma_wait3A_169 = tpu.memref_squeeze %dma_wait3A_168 : memref<1x72x128xf32, #tpu.memory_space<vmem>> -> memref<72x128xf32, #tpu.memory_space<vmem>>
      tpu.wait_dma2 semaphore(%run_scoped3A_145 : memref<!tpu.dma_semaphore, #tpu.memory_space<semaphore_mem>>) src(%dma_wait3A_169 : memref<72x128xf32, #tpu.memory_space<vmem>>) dst(%dma_wait3A_165 : memref<72x128xf32, #tpu.memory_space<vmem_shared>>)
      tpu.yield
    }) : () -> ()
    %mul3A_70 = arith.constant 626 : i32
    %mul3A_71 = arith.muli %arg1, %mul3A_70 : i32
    %add3A_72 = arith.constant 576 : i32
    %add3A_73 = arith.addi %mul3A_71, %add3A_72 : i32
    %run_scoped3A_74 = arith.constant 0 : i32
    "tpu.region"() ({
      %run_scoped3A_145 = tpu.sem_alloc : memref<!tpu.dma_semaphore, #tpu.memory_space<semaphore_mem>>
      %dma_start3A_146 = arith.constant 0 : i32
      %dma_start3A_147 = arith.constant 0 : i32
      %dma_start3A_148 = tpu.memref_slice %arg8[%run_scoped3A_74, %dma_start3A_146, %dma_start3A_147] : memref<3x72x128xf32, #tpu.memory_space<vmem>> -> memref<1x72x128xf32, #tpu.memory_space<vmem>>
      %dma_start3A_149 = tpu.memref_squeeze %dma_start3A_148 : memref<1x72x128xf32, #tpu.memory_space<vmem>> -> memref<72x128xf32, #tpu.memory_space<vmem>>
      %dma_start3A_150 = arith.constant 0 : i32
      %dma_start3A_151 = arith.constant 0 : i32
      %dma_start3A_152 = tpu.memref_slice %dma_start3A_149[%dma_start3A_150, %dma_start3A_151] : memref<72x128xf32, #tpu.memory_space<vmem>> -> memref<50x128xf32, #tpu.memory_space<vmem>>
      %dma_start3A_153 = arith.constant 0 : i32
      %dma_start3A_154 = tpu.memref_slice %arg9[%add3A_73, %dma_start3A_153] : memref<10016x128xf32, #tpu.memory_space<vmem_shared>> -> memref<50x128xf32, #tpu.memory_space<vmem_shared>>
      %dma_start3A_155 = arith.constant 0 : i32
      %dma_start3A_156 = tpu.memref_slice %arg9[%add3A_73, %dma_start3A_155] : memref<10016x128xf32, #tpu.memory_space<vmem_shared>> -> memref<50x128xf32, #tpu.memory_space<vmem_shared>>
      %dma_start3A_157 = arith.constant 0 : i32
      %dma_start3A_158 = arith.constant 0 : i32
      %dma_start3A_159 = tpu.memref_slice %arg8[%run_scoped3A_74, %dma_start3A_157, %dma_start3A_158] : memref<3x72x128xf32, #tpu.memory_space<vmem>> -> memref<1x72x128xf32, #tpu.memory_space<vmem>>
      %dma_start3A_160 = tpu.memref_squeeze %dma_start3A_159 : memref<1x72x128xf32, #tpu.memory_space<vmem>> -> memref<72x128xf32, #tpu.memory_space<vmem>>
      %dma_start3A_161 = arith.constant 0 : i32
      %dma_start3A_162 = arith.constant 0 : i32
      %dma_start3A_163 = tpu.memref_slice %dma_start3A_160[%dma_start3A_161, %dma_start3A_162] : memref<72x128xf32, #tpu.memory_space<vmem>> -> memref<50x128xf32, #tpu.memory_space<vmem>>
      tpu.enqueue_dma source(%dma_start3A_163 : memref<50x128xf32, #tpu.memory_space<vmem>>) target(%dma_start3A_156 : memref<50x128xf32, #tpu.memory_space<vmem_shared>>) target_semaphore(%run_scoped3A_145 : memref<!tpu.dma_semaphore, #tpu.memory_space<semaphore_mem>>)
      %dma_wait3A_164 = arith.constant 0 : i32
      %dma_wait3A_165 = arith.constant 0 : i32
      %dma_wait3A_166 = tpu.memref_slice %arg8[%run_scoped3A_74, %dma_wait3A_164, %dma_wait3A_165] : memref<3x72x128xf32, #tpu.memory_space<vmem>> -> memref<1x72x128xf32, #tpu.memory_space<vmem>>
      %dma_wait3A_167 = tpu.memref_squeeze %dma_wait3A_166 : memref<1x72x128xf32, #tpu.memory_space<vmem>> -> memref<72x128xf32, #tpu.memory_space<vmem>>
      %dma_wait3A_168 = arith.constant 0 : i32
      %dma_wait3A_169 = arith.constant 0 : i32
      %dma_wait3A_170 = tpu.memref_slice %dma_wait3A_167[%dma_wait3A_168, %dma_wait3A_169] : memref<72x128xf32, #tpu.memory_space<vmem>> -> memref<50x128xf32, #tpu.memory_space<vmem>>
      %dma_wait3A_171 = arith.constant 0 : i32
      %dma_wait3A_172 = tpu.memref_slice %arg9[%add3A_73, %dma_wait3A_171] : memref<10016x128xf32, #tpu.memory_space<vmem_shared>> -> memref<50x128xf32, #tpu.memory_space<vmem_shared>>
      %dma_wait3A_173 = arith.constant 0 : i32
      %dma_wait3A_174 = tpu.memref_slice %arg9[%add3A_73, %dma_wait3A_173] : memref<10016x128xf32, #tpu.memory_space<vmem_shared>> -> memref<50x128xf32, #tpu.memory_space<vmem_shared>>
      %dma_wait3A_175 = arith.constant 0 : i32
      %dma_wait3A_176 = arith.constant 0 : i32
      %dma_wait3A_177 = tpu.memref_slice %arg8[%run_scoped3A_74, %dma_wait3A_175, %dma_wait3A_176] : memref<3x72x128xf32, #tpu.memory_space<vmem>> -> memref<1x72x128xf32, #tpu.memory_space<vmem>>
      %dma_wait3A_178 = tpu.memref_squeeze %dma_wait3A_177 : memref<1x72x128xf32, #tpu.memory_space<vmem>> -> memref<72x128xf32, #tpu.memory_space<vmem>>
      %dma_wait3A_179 = arith.constant 0 : i32
      %dma_wait3A_180 = arith.constant 0 : i32
      %dma_wait3A_181 = tpu.memref_slice %dma_wait3A_178[%dma_wait3A_179, %dma_wait3A_180] : memref<72x128xf32, #tpu.memory_space<vmem>> -> memref<50x128xf32, #tpu.memory_space<vmem>>
      tpu.wait_dma2 semaphore(%run_scoped3A_145 : memref<!tpu.dma_semaphore, #tpu.memory_space<semaphore_mem>>) src(%dma_wait3A_181 : memref<50x128xf32, #tpu.memory_space<vmem>>) dst(%dma_wait3A_174 : memref<50x128xf32, #tpu.memory_space<vmem_shared>>)
      tpu.yield
    }) : () -> ()
    %barrier3A = arith.constant 0 : index
    tpu.barrier barrier_id(%barrier3A)
    %dma_start3A_75 = arith.constant 0 : i32
    %dma_start3A_76 = arith.constant 0 : i32
    %dma_start3A_77 = arith.constant 0 : i32
    %dma_start3A_78 = tpu.memref_slice %arg8[%dma_start3A_75, %dma_start3A_76, %dma_start3A_77] : memref<3x72x128xf32, #tpu.memory_space<vmem>> -> memref<1x72x128xf32, #tpu.memory_space<vmem>>
    %dma_start3A_79 = tpu.memref_squeeze %dma_start3A_78 : memref<1x72x128xf32, #tpu.memory_space<vmem>> -> memref<72x128xf32, #tpu.memory_space<vmem>>
    %dma_start3A_80 = arith.constant 0 : i32
    %dma_start3A_81 = tpu.memref_slice %arg6[%dma_start3A_80] : memref<10152xi32, #tpu.memory_space<vmem>> -> memref<72xi32, #tpu.memory_space<vmem>>
    %dma_start3A_82 = arith.constant 0 : i32
    %dma_start3A_83 = arith.constant 0 : i32
    %dma_start3A_84 = tpu.memref_slice %arg2[%dma_start3A_82, %dma_start3A_83] : memref<10000x128xf32, #tpu.memory_space<hbm>> -> memref<10000x128xf32, #tpu.memory_space<hbm>>
    tpu.enqueue_indirect_dma source(%dma_start3A_84 : memref<10000x128xf32, #tpu.memory_space<hbm>>) target(%dma_start3A_79 : memref<72x128xf32, #tpu.memory_space<vmem>>) offsets(%dma_start3A_81 : memref<72xi32, #tpu.memory_space<vmem>>) semaphore(%arg12 : memref<!tpu.dma_semaphore, #tpu.memory_space<semaphore_mem>>)
    %dma_start3A_85 = arith.constant 1 : i32
    %dma_start3A_86 = arith.constant 0 : i32
    %dma_start3A_87 = arith.constant 0 : i32
    %dma_start3A_88 = tpu.memref_slice %arg8[%dma_start3A_85, %dma_start3A_86, %dma_start3A_87] : memref<3x72x128xf32, #tpu.memory_space<vmem>> -> memref<1x72x128xf32, #tpu.memory_space<vmem>>
    %dma_start3A_89 = tpu.memref_squeeze %dma_start3A_88 : memref<1x72x128xf32, #tpu.memory_space<vmem>> -> memref<72x128xf32, #tpu.memory_space<vmem>>
    %dma_start3A_90 = arith.constant 72 : i32
    %dma_start3A_91 = tpu.memref_slice %arg6[%dma_start3A_90] : memref<10152xi32, #tpu.memory_space<vmem>> -> memref<72xi32, #tpu.memory_space<vmem>>
    %dma_start3A_92 = arith.constant 0 : i32
    %dma_start3A_93 = arith.constant 0 : i32
    %dma_start3A_94 = tpu.memref_slice %arg2[%dma_start3A_92, %dma_start3A_93] : memref<10000x128xf32, #tpu.memory_space<hbm>> -> memref<10000x128xf32, #tpu.memory_space<hbm>>
    tpu.enqueue_indirect_dma source(%dma_start3A_94 : memref<10000x128xf32, #tpu.memory_space<hbm>>) target(%dma_start3A_89 : memref<72x128xf32, #tpu.memory_space<vmem>>) offsets(%dma_start3A_91 : memref<72xi32, #tpu.memory_space<vmem>>) semaphore(%arg13 : memref<!tpu.dma_semaphore, #tpu.memory_space<semaphore_mem>>)
    %dma_start3A_95 = arith.constant 2 : i32
    %dma_start3A_96 = arith.constant 0 : i32
    %dma_start3A_97 = arith.constant 0 : i32
    %dma_start3A_98 = tpu.memref_slice %arg8[%dma_start3A_95, %dma_start3A_96, %dma_start3A_97] : memref<3x72x128xf32, #tpu.memory_space<vmem>> -> memref<1x72x128xf32, #tpu.memory_space<vmem>>
    %dma_start3A_99 = tpu.memref_squeeze %dma_start3A_98 : memref<1x72x128xf32, #tpu.memory_space<vmem>> -> memref<72x128xf32, #tpu.memory_space<vmem>>
    %dma_start3A_100 = arith.constant 144 : i32
    %dma_start3A_101 = tpu.memref_slice %arg6[%dma_start3A_100] : memref<10152xi32, #tpu.memory_space<vmem>> -> memref<72xi32, #tpu.memory_space<vmem>>
    %dma_start3A_102 = arith.constant 0 : i32
    %dma_start3A_103 = arith.constant 0 : i32
    %dma_start3A_104 = tpu.memref_slice %arg2[%dma_start3A_102, %dma_start3A_103] : memref<10000x128xf32, #tpu.memory_space<hbm>> -> memref<10000x128xf32, #tpu.memory_space<hbm>>
    tpu.enqueue_indirect_dma source(%dma_start3A_104 : memref<10000x128xf32, #tpu.memory_space<hbm>>) target(%dma_start3A_99 : memref<72x128xf32, #tpu.memory_space<vmem>>) offsets(%dma_start3A_101 : memref<72xi32, #tpu.memory_space<vmem>>) semaphore(%arg14 : memref<!tpu.dma_semaphore, #tpu.memory_space<semaphore_mem>>)
    %scan3A_105 = arith.constant 0 : i32
    %scan3A_106 = arith.constant 47 : i32
    %scan3A_107 = arith.addi %scan3A_105, %scan3A_106 : i32
    %scan3A_108 = arith.constant 1 : i32
    scf.for %scan3A_145 = %scan3A_105 to %scan3A_107 step %scan3A_108  : i32 {
      %mul3A_146 = arith.constant 3 : i32
      %mul3A_147 = arith.muli %scan3A_145, %mul3A_146 : i32
      %add3A_148 = arith.constant 0 : i32
      %add3A_149 = arith.addi %add3A_148, %mul3A_147 : i32
      %dma_wait3A_150 = arith.constant 0 : i32
      %dma_wait3A_151 = arith.constant 0 : i32
      %dma_wait3A_152 = arith.constant 0 : i32
      %dma_wait3A_153 = tpu.memref_slice %arg8[%dma_wait3A_150, %dma_wait3A_151, %dma_wait3A_152] : memref<3x72x128xf32, #tpu.memory_space<vmem>> -> memref<1x72x128xf32, #tpu.memory_space<vmem>>
      %dma_wait3A_154 = tpu.memref_squeeze %dma_wait3A_153 : memref<1x72x128xf32, #tpu.memory_space<vmem>> -> memref<72x128xf32, #tpu.memory_space<vmem>>
      %dma_wait3A_155 = arith.constant 0 : i32
      %dma_wait3A_156 = tpu.memref_slice %arg6[%dma_wait3A_155] : memref<10152xi32, #tpu.memory_space<vmem>> -> memref<72xi32, #tpu.memory_space<vmem>>
      %dma_wait3A_157 = arith.constant 0 : i32
      %dma_wait3A_158 = arith.constant 0 : i32
      %dma_wait3A_159 = tpu.memref_slice %arg2[%dma_wait3A_157, %dma_wait3A_158] : memref<10000x128xf32, #tpu.memory_space<hbm>> -> memref<10000x128xf32, #tpu.memory_space<hbm>>
      tpu.wait_indirect_dma semaphore(%arg12 : memref<!tpu.dma_semaphore, #tpu.memory_space<semaphore_mem>>) src(%dma_wait3A_159 : memref<10000x128xf32, #tpu.memory_space<hbm>>) dst(%dma_wait3A_154 : memref<72x128xf32, #tpu.memory_space<vmem>>)
      %add3A_160 = arith.constant 0 : i32
      %add3A_161 = arith.addi %add3A_149, %add3A_160 : i32
      %dma_start3A_162 = arith.constant 0 : i32
      %dma_start3A_163 = arith.constant 0 : i32
      %dma_start3A_164 = arith.constant 0 : i32
      %dma_start3A_165 = tpu.memref_slice %arg8[%dma_start3A_162, %dma_start3A_163, %dma_start3A_164] : memref<3x72x128xf32, #tpu.memory_space<vmem>> -> memref<1x72x128xf32, #tpu.memory_space<vmem>>
      %dma_start3A_166 = tpu.memref_squeeze %dma_start3A_165 : memref<1x72x128xf32, #tpu.memory_space<vmem>> -> memref<72x128xf32, #tpu.memory_space<vmem>>
      %dma_start3A_167 = arith.constant 0 : i32
      %dma_start3A_168 = tpu.memref_slice %arg7[%add3A_161, %dma_start3A_167] : memref<141x72xi32, #tpu.memory_space<vmem>> -> memref<1x72xi32, #tpu.memory_space<vmem>>
      %dma_start3A_169 = tpu.memref_squeeze %dma_start3A_168 : memref<1x72xi32, #tpu.memory_space<vmem>> -> memref<72xi32, #tpu.memory_space<vmem>>
      %dma_start3A_170 = arith.constant 0 : i32
      %dma_start3A_171 = arith.constant 0 : i32
      %dma_start3A_172 = tpu.memref_slice %arg9[%dma_start3A_170, %dma_start3A_171] : memref<10016x128xf32, #tpu.memory_space<vmem_shared>> -> memref<10016x128xf32, #tpu.memory_space<vmem_shared>>
      tpu.enqueue_indirect_dma source(%dma_start3A_166 : memref<72x128xf32, #tpu.memory_space<vmem>>) target(%dma_start3A_172 : memref<10016x128xf32, #tpu.memory_space<vmem_shared>>) offsets(%dma_start3A_169 : memref<72xi32, #tpu.memory_space<vmem>>) semaphore(%arg15 : memref<!tpu.dma_semaphore, #tpu.memory_space<semaphore_mem>>) {add = true}
      %dma_wait3A_173 = arith.constant 1 : i32
      %dma_wait3A_174 = arith.constant 0 : i32
      %dma_wait3A_175 = arith.constant 0 : i32
      %dma_wait3A_176 = tpu.memref_slice %arg8[%dma_wait3A_173, %dma_wait3A_174, %dma_wait3A_175] : memref<3x72x128xf32, #tpu.memory_space<vmem>> -> memref<1x72x128xf32, #tpu.memory_space<vmem>>
      %dma_wait3A_177 = tpu.memref_squeeze %dma_wait3A_176 : memref<1x72x128xf32, #tpu.memory_space<vmem>> -> memref<72x128xf32, #tpu.memory_space<vmem>>
      %dma_wait3A_178 = arith.constant 0 : i32
      %dma_wait3A_179 = tpu.memref_slice %arg6[%dma_wait3A_178] : memref<10152xi32, #tpu.memory_space<vmem>> -> memref<72xi32, #tpu.memory_space<vmem>>
      %dma_wait3A_180 = arith.constant 0 : i32
      %dma_wait3A_181 = arith.constant 0 : i32
      %dma_wait3A_182 = tpu.memref_slice %arg2[%dma_wait3A_180, %dma_wait3A_181] : memref<10000x128xf32, #tpu.memory_space<hbm>> -> memref<10000x128xf32, #tpu.memory_space<hbm>>
      tpu.wait_indirect_dma semaphore(%arg13 : memref<!tpu.dma_semaphore, #tpu.memory_space<semaphore_mem>>) src(%dma_wait3A_182 : memref<10000x128xf32, #tpu.memory_space<hbm>>) dst(%dma_wait3A_177 : memref<72x128xf32, #tpu.memory_space<vmem>>)
      %add3A_183 = arith.constant 1 : i32
      %add3A_184 = arith.addi %add3A_149, %add3A_183 : i32
      %dma_start3A_185 = arith.constant 1 : i32
      %dma_start3A_186 = arith.constant 0 : i32
      %dma_start3A_187 = arith.constant 0 : i32
      %dma_start3A_188 = tpu.memref_slice %arg8[%dma_start3A_185, %dma_start3A_186, %dma_start3A_187] : memref<3x72x128xf32, #tpu.memory_space<vmem>> -> memref<1x72x128xf32, #tpu.memory_space<vmem>>
      %dma_start3A_189 = tpu.memref_squeeze %dma_start3A_188 : memref<1x72x128xf32, #tpu.memory_space<vmem>> -> memref<72x128xf32, #tpu.memory_space<vmem>>
      %dma_start3A_190 = arith.constant 0 : i32
      %dma_start3A_191 = tpu.memref_slice %arg7[%add3A_184, %dma_start3A_190] : memref<141x72xi32, #tpu.memory_space<vmem>> -> memref<1x72xi32, #tpu.memory_space<vmem>>
      %dma_start3A_192 = tpu.memref_squeeze %dma_start3A_191 : memref<1x72xi32, #tpu.memory_space<vmem>> -> memref<72xi32, #tpu.memory_space<vmem>>
      %dma_start3A_193 = arith.constant 0 : i32
      %dma_start3A_194 = arith.constant 0 : i32
      %dma_start3A_195 = tpu.memref_slice %arg9[%dma_start3A_193, %dma_start3A_194] : memref<10016x128xf32, #tpu.memory_space<vmem_shared>> -> memref<10016x128xf32, #tpu.memory_space<vmem_shared>>
      tpu.enqueue_indirect_dma source(%dma_start3A_189 : memref<72x128xf32, #tpu.memory_space<vmem>>) target(%dma_start3A_195 : memref<10016x128xf32, #tpu.memory_space<vmem_shared>>) offsets(%dma_start3A_192 : memref<72xi32, #tpu.memory_space<vmem>>) semaphore(%arg16 : memref<!tpu.dma_semaphore, #tpu.memory_space<semaphore_mem>>) {add = true}
      %dma_wait3A_196 = arith.constant 2 : i32
      %dma_wait3A_197 = arith.constant 0 : i32
      %dma_wait3A_198 = arith.constant 0 : i32
      %dma_wait3A_199 = tpu.memref_slice %arg8[%dma_wait3A_196, %dma_wait3A_197, %dma_wait3A_198] : memref<3x72x128xf32, #tpu.memory_space<vmem>> -> memref<1x72x128xf32, #tpu.memory_space<vmem>>
      %dma_wait3A_200 = tpu.memref_squeeze %dma_wait3A_199 : memref<1x72x128xf32, #tpu.memory_space<vmem>> -> memref<72x128xf32, #tpu.memory_space<vmem>>
      %dma_wait3A_201 = arith.constant 0 : i32
      %dma_wait3A_202 = tpu.memref_slice %arg6[%dma_wait3A_201] : memref<10152xi32, #tpu.memory_space<vmem>> -> memref<72xi32, #tpu.memory_space<vmem>>
      %dma_wait3A_203 = arith.constant 0 : i32
      %dma_wait3A_204 = arith.constant 0 : i32
      %dma_wait3A_205 = tpu.memref_slice %arg2[%dma_wait3A_203, %dma_wait3A_204] : memref<10000x128xf32, #tpu.memory_space<hbm>> -> memref<10000x128xf32, #tpu.memory_space<hbm>>
      tpu.wait_indirect_dma semaphore(%arg14 : memref<!tpu.dma_semaphore, #tpu.memory_space<semaphore_mem>>) src(%dma_wait3A_205 : memref<10000x128xf32, #tpu.memory_space<hbm>>) dst(%dma_wait3A_200 : memref<72x128xf32, #tpu.memory_space<vmem>>)
      %add3A_206 = arith.constant 2 : i32
      %add3A_207 = arith.addi %add3A_149, %add3A_206 : i32
      %dma_start3A_208 = arith.constant 2 : i32
      %dma_start3A_209 = arith.constant 0 : i32
      %dma_start3A_210 = arith.constant 0 : i32
      %dma_start3A_211 = tpu.memref_slice %arg8[%dma_start3A_208, %dma_start3A_209, %dma_start3A_210] : memref<3x72x128xf32, #tpu.memory_space<vmem>> -> memref<1x72x128xf32, #tpu.memory_space<vmem>>
      %dma_start3A_212 = tpu.memref_squeeze %dma_start3A_211 : memref<1x72x128xf32, #tpu.memory_space<vmem>> -> memref<72x128xf32, #tpu.memory_space<vmem>>
      %dma_start3A_213 = arith.constant 0 : i32
      %dma_start3A_214 = tpu.memref_slice %arg7[%add3A_207, %dma_start3A_213] : memref<141x72xi32, #tpu.memory_space<vmem>> -> memref<1x72xi32, #tpu.memory_space<vmem>>
      %dma_start3A_215 = tpu.memref_squeeze %dma_start3A_214 : memref<1x72xi32, #tpu.memory_space<vmem>> -> memref<72xi32, #tpu.memory_space<vmem>>
      %dma_start3A_216 = arith.constant 0 : i32
      %dma_start3A_217 = arith.constant 0 : i32
      %dma_start3A_218 = tpu.memref_slice %arg9[%dma_start3A_216, %dma_start3A_217] : memref<10016x128xf32, #tpu.memory_space<vmem_shared>> -> memref<10016x128xf32, #tpu.memory_space<vmem_shared>>
      tpu.enqueue_indirect_dma source(%dma_start3A_212 : memref<72x128xf32, #tpu.memory_space<vmem>>) target(%dma_start3A_218 : memref<10016x128xf32, #tpu.memory_space<vmem_shared>>) offsets(%dma_start3A_215 : memref<72xi32, #tpu.memory_space<vmem>>) semaphore(%arg17 : memref<!tpu.dma_semaphore, #tpu.memory_space<semaphore_mem>>) {add = true}
      %dma_wait3A_219 = arith.constant 0 : i32
      %dma_wait3A_220 = arith.constant 0 : i32
      %dma_wait3A_221 = arith.constant 0 : i32
      %dma_wait3A_222 = arith.constant 0 : i32
      %dma_wait3A_223 = tpu.memref_slice %arg8[%dma_wait3A_219, %dma_wait3A_221, %dma_wait3A_222] : memref<3x72x128xf32, #tpu.memory_space<vmem>> -> memref<1x72x128xf32, #tpu.memory_space<vmem>>
      %dma_wait3A_224 = tpu.memref_squeeze %dma_wait3A_223 : memref<1x72x128xf32, #tpu.memory_space<vmem>> -> memref<72x128xf32, #tpu.memory_space<vmem>>
      %dma_wait3A_225 = arith.constant 0 : i32
      %dma_wait3A_226 = tpu.memref_slice %arg7[%dma_wait3A_220, %dma_wait3A_225] : memref<141x72xi32, #tpu.memory_space<vmem>> -> memref<1x72xi32, #tpu.memory_space<vmem>>
      %dma_wait3A_227 = tpu.memref_squeeze %dma_wait3A_226 : memref<1x72xi32, #tpu.memory_space<vmem>> -> memref<72xi32, #tpu.memory_space<vmem>>
      %dma_wait3A_228 = arith.constant 0 : i32
      %dma_wait3A_229 = arith.constant 0 : i32
      %dma_wait3A_230 = tpu.memref_slice %arg9[%dma_wait3A_228, %dma_wait3A_229] : memref<10016x128xf32, #tpu.memory_space<vmem_shared>> -> memref<10016x128xf32, #tpu.memory_space<vmem_shared>>
      tpu.wait_indirect_dma semaphore(%arg15 : memref<!tpu.dma_semaphore, #tpu.memory_space<semaphore_mem>>) src(%dma_wait3A_224 : memref<72x128xf32, #tpu.memory_space<vmem>>) dst(%dma_wait3A_230 : memref<10016x128xf32, #tpu.memory_space<vmem_shared>>)
      %add3A_231 = arith.constant 3 : i32
      %add3A_232 = arith.addi %add3A_149, %add3A_231 : i32
      %add3A_233 = arith.constant 0 : i32
      %add3A_234 = arith.addi %add3A_232, %add3A_233 : i32
      %min3A = arith.constant 140 : i32
      %min3A_235 = arith.minsi %add3A_234, %min3A : i32
      %mul3A_236 = arith.constant 72 : i32
      %mul3A_237 = arith.muli %min3A_235, %mul3A_236 : i32
      %dma_start3A_238 = arith.constant 0 : i32
      %dma_start3A_239 = arith.constant 0 : i32
      %dma_start3A_240 = arith.constant 0 : i32
      %dma_start3A_241 = tpu.memref_slice %arg8[%dma_start3A_238, %dma_start3A_239, %dma_start3A_240] : memref<3x72x128xf32, #tpu.memory_space<vmem>> -> memref<1x72x128xf32, #tpu.memory_space<vmem>>
      %dma_start3A_242 = tpu.memref_squeeze %dma_start3A_241 : memref<1x72x128xf32, #tpu.memory_space<vmem>> -> memref<72x128xf32, #tpu.memory_space<vmem>>
      %dma_start3A_243 = tpu.memref_slice %arg6[%mul3A_237] : memref<10152xi32, #tpu.memory_space<vmem>> -> memref<72xi32, #tpu.memory_space<vmem>>
      %dma_start3A_244 = arith.constant 0 : i32
      %dma_start3A_245 = arith.constant 0 : i32
      %dma_start3A_246 = tpu.memref_slice %arg2[%dma_start3A_244, %dma_start3A_245] : memref<10000x128xf32, #tpu.memory_space<hbm>> -> memref<10000x128xf32, #tpu.memory_space<hbm>>
      tpu.enqueue_indirect_dma source(%dma_start3A_246 : memref<10000x128xf32, #tpu.memory_space<hbm>>) target(%dma_start3A_242 : memref<72x128xf32, #tpu.memory_space<vmem>>) offsets(%dma_start3A_243 : memref<72xi32, #tpu.memory_space<vmem>>) semaphore(%arg12 : memref<!tpu.dma_semaphore, #tpu.memory_space<semaphore_mem>>)
      %dma_wait3A_247 = arith.constant 1 : i32
      %dma_wait3A_248 = arith.constant 0 : i32
      %dma_wait3A_249 = arith.constant 0 : i32
      %dma_wait3A_250 = arith.constant 0 : i32
      %dma_wait3A_251 = tpu.memref_slice %arg8[%dma_wait3A_247, %dma_wait3A_249, %dma_wait3A_250] : memref<3x72x128xf32, #tpu.memory_space<vmem>> -> memref<1x72x128xf32, #tpu.memory_space<vmem>>
      %dma_wait3A_252 = tpu.memref_squeeze %dma_wait3A_251 : memref<1x72x128xf32, #tpu.memory_space<vmem>> -> memref<72x128xf32, #tpu.memory_space<vmem>>
      %dma_wait3A_253 = arith.constant 0 : i32
      %dma_wait3A_254 = tpu.memref_slice %arg7[%dma_wait3A_248, %dma_wait3A_253] : memref<141x72xi32, #tpu.memory_space<vmem>> -> memref<1x72xi32, #tpu.memory_space<vmem>>
      %dma_wait3A_255 = tpu.memref_squeeze %dma_wait3A_254 : memref<1x72xi32, #tpu.memory_space<vmem>> -> memref<72xi32, #tpu.memory_space<vmem>>
      %dma_wait3A_256 = arith.constant 0 : i32
      %dma_wait3A_257 = arith.constant 0 : i32
      %dma_wait3A_258 = tpu.memref_slice %arg9[%dma_wait3A_256, %dma_wait3A_257] : memref<10016x128xf32, #tpu.memory_space<vmem_shared>> -> memref<10016x128xf32, #tpu.memory_space<vmem_shared>>
      tpu.wait_indirect_dma semaphore(%arg16 : memref<!tpu.dma_semaphore, #tpu.memory_space<semaphore_mem>>) src(%dma_wait3A_252 : memref<72x128xf32, #tpu.memory_space<vmem>>) dst(%dma_wait3A_258 : memref<10016x128xf32, #tpu.memory_space<vmem_shared>>)
      %add3A_259 = arith.constant 3 : i32
      %add3A_260 = arith.addi %add3A_149, %add3A_259 : i32
      %add3A_261 = arith.constant 1 : i32
      %add3A_262 = arith.addi %add3A_260, %add3A_261 : i32
      %min3A_263 = arith.constant 140 : i32
      %min3A_264 = arith.minsi %add3A_262, %min3A_263 : i32
      %mul3A_265 = arith.constant 72 : i32
      %mul3A_266 = arith.muli %min3A_264, %mul3A_265 : i32
      %dma_start3A_267 = arith.constant 1 : i32
      %dma_start3A_268 = arith.constant 0 : i32
      %dma_start3A_269 = arith.constant 0 : i32
      %dma_start3A_270 = tpu.memref_slice %arg8[%dma_start3A_267, %dma_start3A_268, %dma_start3A_269] : memref<3x72x128xf32, #tpu.memory_space<vmem>> -> memref<1x72x128xf32, #tpu.memory_space<vmem>>
      %dma_start3A_271 = tpu.memref_squeeze %dma_start3A_270 : memref<1x72x128xf32, #tpu.memory_space<vmem>> -> memref<72x128xf32, #tpu.memory_space<vmem>>
      %dma_start3A_272 = tpu.memref_slice %arg6[%mul3A_266] : memref<10152xi32, #tpu.memory_space<vmem>> -> memref<72xi32, #tpu.memory_space<vmem>>
      %dma_start3A_273 = arith.constant 0 : i32
      %dma_start3A_274 = arith.constant 0 : i32
      %dma_start3A_275 = tpu.memref_slice %arg2[%dma_start3A_273, %dma_start3A_274] : memref<10000x128xf32, #tpu.memory_space<hbm>> -> memref<10000x128xf32, #tpu.memory_space<hbm>>
      tpu.enqueue_indirect_dma source(%dma_start3A_275 : memref<10000x128xf32, #tpu.memory_space<hbm>>) target(%dma_start3A_271 : memref<72x128xf32, #tpu.memory_space<vmem>>) offsets(%dma_start3A_272 : memref<72xi32, #tpu.memory_space<vmem>>) semaphore(%arg13 : memref<!tpu.dma_semaphore, #tpu.memory_space<semaphore_mem>>)
      %dma_wait3A_276 = arith.constant 2 : i32
      %dma_wait3A_277 = arith.constant 0 : i32
      %dma_wait3A_278 = arith.constant 0 : i32
      %dma_wait3A_279 = arith.constant 0 : i32
      %dma_wait3A_280 = tpu.memref_slice %arg8[%dma_wait3A_276, %dma_wait3A_278, %dma_wait3A_279] : memref<3x72x128xf32, #tpu.memory_space<vmem>> -> memref<1x72x128xf32, #tpu.memory_space<vmem>>
      %dma_wait3A_281 = tpu.memref_squeeze %dma_wait3A_280 : memref<1x72x128xf32, #tpu.memory_space<vmem>> -> memref<72x128xf32, #tpu.memory_space<vmem>>
      %dma_wait3A_282 = arith.constant 0 : i32
      %dma_wait3A_283 = tpu.memref_slice %arg7[%dma_wait3A_277, %dma_wait3A_282] : memref<141x72xi32, #tpu.memory_space<vmem>> -> memref<1x72xi32, #tpu.memory_space<vmem>>
      %dma_wait3A_284 = tpu.memref_squeeze %dma_wait3A_283 : memref<1x72xi32, #tpu.memory_space<vmem>> -> memref<72xi32, #tpu.memory_space<vmem>>
      %dma_wait3A_285 = arith.constant 0 : i32
      %dma_wait3A_286 = arith.constant 0 : i32
      %dma_wait3A_287 = tpu.memref_slice %arg9[%dma_wait3A_285, %dma_wait3A_286] : memref<10016x128xf32, #tpu.memory_space<vmem_shared>> -> memref<10016x128xf32, #tpu.memory_space<vmem_shared>>
      tpu.wait_indirect_dma semaphore(%arg17 : memref<!tpu.dma_semaphore, #tpu.memory_space<semaphore_mem>>) src(%dma_wait3A_281 : memref<72x128xf32, #tpu.memory_space<vmem>>) dst(%dma_wait3A_287 : memref<10016x128xf32, #tpu.memory_space<vmem_shared>>)
      %add3A_288 = arith.constant 3 : i32
      %add3A_289 = arith.addi %add3A_149, %add3A_288 : i32
      %add3A_290 = arith.constant 2 : i32
      %add3A_291 = arith.addi %add3A_289, %add3A_290 : i32
      %min3A_292 = arith.constant 140 : i32
      %min3A_293 = arith.minsi %add3A_291, %min3A_292 : i32
      %mul3A_294 = arith.constant 72 : i32
      %mul3A_295 = arith.muli %min3A_293, %mul3A_294 : i32
      %dma_start3A_296 = arith.constant 2 : i32
      %dma_start3A_297 = arith.constant 0 : i32
      %dma_start3A_298 = arith.constant 0 : i32
      %dma_start3A_299 = tpu.memref_slice %arg8[%dma_start3A_296, %dma_start3A_297, %dma_start3A_298] : memref<3x72x128xf32, #tpu.memory_space<vmem>> -> memref<1x72x128xf32, #tpu.memory_space<vmem>>
      %dma_start3A_300 = tpu.memref_squeeze %dma_start3A_299 : memref<1x72x128xf32, #tpu.memory_space<vmem>> -> memref<72x128xf32, #tpu.memory_space<vmem>>
      %dma_start3A_301 = tpu.memref_slice %arg6[%mul3A_295] : memref<10152xi32, #tpu.memory_space<vmem>> -> memref<72xi32, #tpu.memory_space<vmem>>
      %dma_start3A_302 = arith.constant 0 : i32
      %dma_start3A_303 = arith.constant 0 : i32
      %dma_start3A_304 = tpu.memref_slice %arg2[%dma_start3A_302, %dma_start3A_303] : memref<10000x128xf32, #tpu.memory_space<hbm>> -> memref<10000x128xf32, #tpu.memory_space<hbm>>
      tpu.enqueue_indirect_dma source(%dma_start3A_304 : memref<10000x128xf32, #tpu.memory_space<hbm>>) target(%dma_start3A_300 : memref<72x128xf32, #tpu.memory_space<vmem>>) offsets(%dma_start3A_301 : memref<72xi32, #tpu.memory_space<vmem>>) semaphore(%arg14 : memref<!tpu.dma_semaphore, #tpu.memory_space<semaphore_mem>>)
    }
    %scan3A_109 = arith.constant 47 : i32
    %dma_wait3A_110 = arith.constant 0 : i32
    %dma_wait3A_111 = arith.constant 0 : i32
    %dma_wait3A_112 = arith.constant 0 : i32
    %dma_wait3A_113 = tpu.memref_slice %arg8[%dma_wait3A_110, %dma_wait3A_111, %dma_wait3A_112] : memref<3x72x128xf32, #tpu.memory_space<vmem>> -> memref<1x72x128xf32, #tpu.memory_space<vmem>>
    %dma_wait3A_114 = tpu.memref_squeeze %dma_wait3A_113 : memref<1x72x128xf32, #tpu.memory_space<vmem>> -> memref<72x128xf32, #tpu.memory_space<vmem>>
    %dma_wait3A_115 = arith.constant 0 : i32
    %dma_wait3A_116 = tpu.memref_slice %arg6[%dma_wait3A_115] : memref<10152xi32, #tpu.memory_space<vmem>> -> memref<72xi32, #tpu.memory_space<vmem>>
    %dma_wait3A_117 = arith.constant 0 : i32
    %dma_wait3A_118 = arith.constant 0 : i32
    %dma_wait3A_119 = tpu.memref_slice %arg2[%dma_wait3A_117, %dma_wait3A_118] : memref<10000x128xf32, #tpu.memory_space<hbm>> -> memref<10000x128xf32, #tpu.memory_space<hbm>>
    tpu.wait_indirect_dma semaphore(%arg12 : memref<!tpu.dma_semaphore, #tpu.memory_space<semaphore_mem>>) src(%dma_wait3A_119 : memref<10000x128xf32, #tpu.memory_space<hbm>>) dst(%dma_wait3A_114 : memref<72x128xf32, #tpu.memory_space<vmem>>)
    %dma_wait3A_120 = arith.constant 1 : i32
    %dma_wait3A_121 = arith.constant 0 : i32
    %dma_wait3A_122 = arith.constant 0 : i32
    %dma_wait3A_123 = tpu.memref_slice %arg8[%dma_wait3A_120, %dma_wait3A_121, %dma_wait3A_122] : memref<3x72x128xf32, #tpu.memory_space<vmem>> -> memref<1x72x128xf32, #tpu.memory_space<vmem>>
    %dma_wait3A_124 = tpu.memref_squeeze %dma_wait3A_123 : memref<1x72x128xf32, #tpu.memory_space<vmem>> -> memref<72x128xf32, #tpu.memory_space<vmem>>
    %dma_wait3A_125 = arith.constant 0 : i32
    %dma_wait3A_126 = tpu.memref_slice %arg6[%dma_wait3A_125] : memref<10152xi32, #tpu.memory_space<vmem>> -> memref<72xi32, #tpu.memory_space<vmem>>
    %dma_wait3A_127 = arith.constant 0 : i32
    %dma_wait3A_128 = arith.constant 0 : i32
    %dma_wait3A_129 = tpu.memref_slice %arg2[%dma_wait3A_127, %dma_wait3A_128] : memref<10000x128xf32, #tpu.memory_space<hbm>> -> memref<10000x128xf32, #tpu.memory_space<hbm>>
    tpu.wait_indirect_dma semaphore(%arg13 : memref<!tpu.dma_semaphore, #tpu.memory_space<semaphore_mem>>) src(%dma_wait3A_129 : memref<10000x128xf32, #tpu.memory_space<hbm>>) dst(%dma_wait3A_124 : memref<72x128xf32, #tpu.memory_space<vmem>>)
    %dma_wait3A_130 = arith.constant 2 : i32
    %dma_wait3A_131 = arith.constant 0 : i32
    %dma_wait3A_132 = arith.constant 0 : i32
    %dma_wait3A_133 = tpu.memref_slice %arg8[%dma_wait3A_130, %dma_wait3A_131, %dma_wait3A_132] : memref<3x72x128xf32, #tpu.memory_space<vmem>> -> memref<1x72x128xf32, #tpu.memory_space<vmem>>
    %dma_wait3A_134 = tpu.memref_squeeze %dma_wait3A_133 : memref<1x72x128xf32, #tpu.memory_space<vmem>> -> memref<72x128xf32, #tpu.memory_space<vmem>>
    %dma_wait3A_135 = arith.constant 0 : i32
    %dma_wait3A_136 = tpu.memref_slice %arg6[%dma_wait3A_135] : memref<10152xi32, #tpu.memory_space<vmem>> -> memref<72xi32, #tpu.memory_space<vmem>>
    %dma_wait3A_137 = arith.constant 0 : i32
    %dma_wait3A_138 = arith.constant 0 : i32
    %dma_wait3A_139 = tpu.memref_slice %arg2[%dma_wait3A_137, %dma_wait3A_138] : memref<10000x128xf32, #tpu.memory_space<hbm>> -> memref<10000x128xf32, #tpu.memory_space<hbm>>
    tpu.wait_indirect_dma semaphore(%arg14 : memref<!tpu.dma_semaphore, #tpu.memory_space<semaphore_mem>>) src(%dma_wait3A_139 : memref<10000x128xf32, #tpu.memory_space<hbm>>) dst(%dma_wait3A_134 : memref<72x128xf32, #tpu.memory_space<vmem>>)
    %barrier3A_140 = arith.constant 0 : index
    tpu.barrier barrier_id(%barrier3A_140)
    %mul3A_141 = arith.constant 626 : i32
    %mul3A_142 = arith.muli %arg1, %mul3A_141 : i32
    %mul3A_143 = arith.constant 626 : i32
    %mul3A_144 = arith.muli %arg1, %mul3A_143 : i32
    "tpu.region"() ({
      %run_scoped3A_145 = tpu.sem_alloc : memref<!tpu.dma_semaphore, #tpu.memory_space<semaphore_mem>>
      %dma_start3A_146 = arith.constant 0 : i32
      %dma_start3A_147 = tpu.memref_slice %arg5[%arg0, %mul3A_144, %dma_start3A_146] : memref<2x10016x128xf32, #tpu.memory_space<hbm>> -> memref<1x626x128xf32, #tpu.memory_space<hbm>>
      %dma_start3A_148 = tpu.memref_squeeze %dma_start3A_147 : memref<1x626x128xf32, #tpu.memory_space<hbm>> -> memref<626x128xf32, #tpu.memory_space<hbm>>
      %dma_start3A_149 = arith.constant 0 : i32
      %dma_start3A_150 = tpu.memref_slice %arg9[%mul3A_142, %dma_start3A_149] : memref<10016x128xf32, #tpu.memory_space<vmem_shared>> -> memref<626x128xf32, #tpu.memory_space<vmem_shared>>
      tpu.enqueue_dma source(%dma_start3A_150 : memref<626x128xf32, #tpu.memory_space<vmem_shared>>) target(%dma_start3A_148 : memref<626x128xf32, #tpu.memory_space<hbm>>) target_semaphore(%run_scoped3A_145 : memref<!tpu.dma_semaphore, #tpu.memory_space<semaphore_mem>>)
      %dma_wait3A_151 = arith.constant 0 : i32
      %dma_wait3A_152 = tpu.memref_slice %arg5[%arg0, %mul3A_144, %dma_wait3A_151] : memref<2x10016x128xf32, #tpu.memory_space<hbm>> -> memref<1x626x128xf32, #tpu.memory_space<hbm>>
      %dma_wait3A_153 = tpu.memref_squeeze %dma_wait3A_152 : memref<1x626x128xf32, #tpu.memory_space<hbm>> -> memref<626x128xf32, #tpu.memory_space<hbm>>
      %dma_wait3A_154 = arith.constant 0 : i32
      %dma_wait3A_155 = tpu.memref_slice %arg9[%mul3A_142, %dma_wait3A_154] : memref<10016x128xf32, #tpu.memory_space<vmem_shared>> -> memref<626x128xf32, #tpu.memory_space<vmem_shared>>
      tpu.wait_dma2 semaphore(%run_scoped3A_145 : memref<!tpu.dma_semaphore, #tpu.memory_space<semaphore_mem>>) src(%dma_wait3A_155 : memref<626x128xf32, #tpu.memory_space<vmem_shared>>) dst(%dma_wait3A_153 : memref<626x128xf32, #tpu.memory_space<hbm>>)
      tpu.yield
    }) : () -> ()
    return
  }
}

module attributes {stable_mosaic.version = 14 : i64} {
  func.func @body(%arg0: i32, %arg1: memref<1000x128xf32, #tpu.memory_space<vmem>>, %arg2: memref<128x128xf32, #tpu.memory_space<vmem>>, %arg3: memref<2x1000x16xf32, #tpu.memory_space<vmem>>, %arg4: memref<1000x128xf32, #tpu.memory_space<vmem>>, %arg5: memref<1000x128xf32, #tpu.memory_space<vmem>>) attributes {dimension_semantics = [#tpu.dimension_semantics<arbitrary>], iteration_bounds = array<i64: 10>, scalar_prefetch = 0 : i64, scratch_operands = 0 : i64, tpu.core_type = #tpu.core_type<tc>, window_params = [{transform_indices = @transform_0, window_bounds = array<i64: 1000, 128>}, {pipeline_mode = #tpu.pipeline_mode<synchronous>, transform_indices = @transform_1, window_bounds = array<i64: 128, 128>}, {transform_indices = @transform_2, window_bounds = array<i64: 2, 1000, 16>}, {transform_indices = @transform_3, window_bounds = array<i64: 1000, 128>}, {transform_indices = @transform_4, window_bounds = array<i64: 1000, 128>}]} {
    %get3A = arith.constant 0 : index
    %get3A_0 = arith.constant 0 : index
    %get3A_1 = arith.constant 0 : index
    %get3A_2 = vector.load %arg3[%get3A, %get3A_0, %get3A_1] : memref<2x1000x16xf32, #tpu.memory_space<vmem>>, vector<1x1000x1xf32>
    %get3A_3 = vector.shape_cast %get3A_2 : vector<1x1000x1xf32> to vector<1000x1xf32>
    %get3A_4 = arith.constant 1 : index
    %get3A_5 = arith.constant 0 : index
    %get3A_6 = arith.constant 0 : index
    %get3A_7 = vector.load %arg3[%get3A_4, %get3A_5, %get3A_6] : memref<2x1000x16xf32, #tpu.memory_space<vmem>>, vector<1x1000x1xf32>
    %get3A_8 = vector.shape_cast %get3A_7 : vector<1x1000x1xf32> to vector<1000x1xf32>
    %add3A = arith.addf %get3A_3, %get3A_8 : vector<1000x1xf32>
    %gt3A = arith.constant 0.000000e+00 : f32
    %gt3A_9 = vector.broadcast %gt3A : f32 to vector<1000x1xf32>
    %gt3A_10 = arith.cmpf ogt, %add3A, %gt3A_9 : vector<1000x1xf32>
    %max3A = arith.constant 9.99999996E-13 : f32
    %max3A_11 = vector.broadcast %max3A : f32 to vector<1000x1xf32>
    %max3A_12 = arith.maximumf %add3A, %max3A_11 : vector<1000x1xf32>
    %rsqrt3A = math.rsqrt %max3A_12 : vector<1000x1xf32>
    %jit3A = arith.constant 0.000000e+00 : f32
    %broadcast_in_dim3A = vector.broadcast %jit3A : f32 to vector<1000x1xf32>
    %select_n3A = arith.select %gt3A_10, %rsqrt3A, %broadcast_in_dim3A : vector<1000x1xi1>, vector<1000x1xf32>
    %broadcast_in_dim3A_13 = vector.shape_cast %select_n3A : vector<1000x1xf32> to vector<1000x1xf32>
    %broadcast_in_dim3A_14 = vector.broadcast %broadcast_in_dim3A_13 : vector<1000x1xf32> to vector<1000x128xf32>
    %get3A_15 = arith.constant 0 : index
    %get3A_16 = arith.constant 0 : index
    %get3A_17 = vector.load %arg1[%get3A_15, %get3A_16] : memref<1000x128xf32, #tpu.memory_space<vmem>>, vector<1000x128xf32>
    %get3A_18 = arith.constant 0 : index
    %get3A_19 = arith.constant 0 : index
    %get3A_20 = vector.load %arg2[%get3A_18, %get3A_19] : memref<128x128xf32, #tpu.memory_space<vmem>>, vector<128x128xf32>
    %dot_general3A = arith.constant dense<0.000000e+00> : vector<1000x128xf32>
    %dot_general3A_21 = tpu.matmul %get3A_17, %get3A_20, %dot_general3A {dimension_numbers = #tpu.dot_dimension_numbers<[1], [0], [0], [1], [0, 0, 1, 1], [], []>, transpose_lhs_hint = false} : vector<1000x128xf32>, vector<128x128xf32>, vector<1000x128xf32> -> vector<1000x128xf32>
    %mul3A = arith.mulf %dot_general3A_21, %broadcast_in_dim3A_14 : vector<1000x128xf32>
    %swap3A = arith.constant 0 : index
    %swap3A_22 = arith.constant 0 : index
    %swap3A_23 = vector.load %arg4[%swap3A, %swap3A_22] : memref<1000x128xf32, #tpu.memory_space<vmem>>, vector<1000x128xf32>
    tpu.vector_store %arg4[%swap3A, %swap3A_22], %mul3A {strides = array<i32>} : memref<1000x128xf32, #tpu.memory_space<vmem>>, vector<1000x128xf32>,
    %swap3A_24 = arith.constant 0 : index
    %swap3A_25 = arith.constant 0 : index
    %swap3A_26 = vector.load %arg5[%swap3A_24, %swap3A_25] : memref<1000x128xf32, #tpu.memory_space<vmem>>, vector<1000x128xf32>
    tpu.vector_store %arg5[%swap3A_24, %swap3A_25], %broadcast_in_dim3A_14 {strides = array<i32>} : memref<1000x128xf32, #tpu.memory_space<vmem>>, vector<1000x128xf32>,
    return
  }
  func.func @transform_0(%arg0: i32) -> (i32, i32) {
    %c0_i32 = arith.constant 0 : i32
    %c0_i32_0 = arith.constant 0 : i32
    return %arg0, %c0_i32 : i32, i32
  }
  func.func @transform_1(%arg0: i32) -> (i32, i32) {
    %c0_i32 = arith.constant 0 : i32
    %c0_i32_0 = arith.constant 0 : i32
    %c0_i32_1 = arith.constant 0 : i32
    return %c0_i32, %c0_i32_0 : i32, i32
  }
  func.func @transform_2(%arg0: i32) -> (i32, i32, i32) {
    %c0_i32 = arith.constant 0 : i32
    %c0_i32_0 = arith.constant 0 : i32
    %c0_i32_1 = arith.constant 0 : i32
    return %c0_i32, %arg0, %c0_i32_0 : i32, i32, i32
  }
  func.func @transform_3(%arg0: i32) -> (i32, i32) {
    %c0_i32 = arith.constant 0 : i32
    %c0_i32_0 = arith.constant 0 : i32
    return %arg0, %c0_i32 : i32, i32
  }
  func.func @transform_4(%arg0: i32) -> (i32, i32) {
    %c0_i32 = arith.constant 0 : i32
    %c0_i32_0 = arith.constant 0 : i32
    return %arg0, %c0_i32 : i32, i32
  }
}

module attributes {stable_mosaic.version = 14 : i64} {
  func.func @body(%arg0: i32, %arg1: memref<2x1000x128xf32, #tpu.memory_space<vmem>>, %arg2: memref<1000x128xf32, #tpu.memory_space<vmem>>, %arg3: memref<1x128xf32, #tpu.memory_space<vmem>>, %arg4: memref<128x128xf32, #tpu.memory_space<vmem>>, %arg5: memref<1000x128xf32, #tpu.memory_space<vmem>>) attributes {dimension_semantics = [#tpu.dimension_semantics<arbitrary>], iteration_bounds = array<i64: 10>, scalar_prefetch = 0 : i64, scratch_operands = 0 : i64, tpu.core_type = #tpu.core_type<tc>, window_params = [{transform_indices = @transform_0, window_bounds = array<i64: 2, 1000, 128>}, {transform_indices = @transform_1, window_bounds = array<i64: 1000, 128>}, {pipeline_mode = #tpu.pipeline_mode<synchronous>, transform_indices = @transform_2, window_bounds = array<i64: 1, 128>}, {pipeline_mode = #tpu.pipeline_mode<synchronous>, transform_indices = @transform_3, window_bounds = array<i64: 128, 128>}, {transform_indices = @transform_4, window_bounds = array<i64: 1000, 128>}]} {
    %get3A = arith.constant 0 : index
    %get3A_0 = arith.constant 0 : index
    %get3A_1 = arith.constant 0 : index
    %get3A_2 = vector.load %arg1[%get3A, %get3A_0, %get3A_1] : memref<2x1000x128xf32, #tpu.memory_space<vmem>>, vector<1x1000x128xf32>
    %get3A_3 = vector.shape_cast %get3A_2 : vector<1x1000x128xf32> to vector<1000x128xf32>
    %get3A_4 = arith.constant 1 : index
    %get3A_5 = arith.constant 0 : index
    %get3A_6 = arith.constant 0 : index
    %get3A_7 = vector.load %arg1[%get3A_4, %get3A_5, %get3A_6] : memref<2x1000x128xf32, #tpu.memory_space<vmem>>, vector<1x1000x128xf32>
    %get3A_8 = vector.shape_cast %get3A_7 : vector<1x1000x128xf32> to vector<1000x128xf32>
    %add3A = arith.addf %get3A_3, %get3A_8 : vector<1000x128xf32>
    %get3A_9 = arith.constant 0 : index
    %get3A_10 = arith.constant 0 : index
    %get3A_11 = vector.load %arg2[%get3A_9, %get3A_10] : memref<1000x128xf32, #tpu.memory_space<vmem>>, vector<1000x128xf32>
    %mul3A = arith.mulf %add3A, %get3A_11 : vector<1000x128xf32>
    %get3A_12 = arith.constant 0 : index
    %get3A_13 = arith.constant 0 : index
    %get3A_14 = vector.load %arg3[%get3A_12, %get3A_13] : memref<1x128xf32, #tpu.memory_space<vmem>>, vector<1x128xf32>
    %add3A_15 = vector.broadcast %get3A_14 : vector<1x128xf32> to vector<1000x128xf32>
    %add3A_16 = arith.addf %mul3A, %add3A_15 : vector<1000x128xf32>
    %max3A = arith.constant 0.000000e+00 : f32
    %max3A_17 = vector.broadcast %max3A : f32 to vector<1000x128xf32>
    %max3A_18 = arith.maximumf %add3A_16, %max3A_17 : vector<1000x128xf32>
    %get3A_19 = arith.constant 0 : index
    %get3A_20 = arith.constant 0 : index
    %get3A_21 = vector.load %arg4[%get3A_19, %get3A_20] : memref<128x128xf32, #tpu.memory_space<vmem>>, vector<128x128xf32>
    %dot_general3A = arith.constant dense<0.000000e+00> : vector<1000x128xf32>
    %dot_general3A_22 = tpu.matmul %max3A_18, %get3A_21, %dot_general3A {dimension_numbers = #tpu.dot_dimension_numbers<[1], [0], [0], [1], [0, 0, 1, 1], [], []>, transpose_lhs_hint = false} : vector<1000x128xf32>, vector<128x128xf32>, vector<1000x128xf32> -> vector<1000x128xf32>
    %get3A_23 = arith.constant 0 : index
    %get3A_24 = arith.constant 0 : index
    %get3A_25 = vector.load %arg2[%get3A_23, %get3A_24] : memref<1000x128xf32, #tpu.memory_space<vmem>>, vector<1000x128xf32>
    %mul3A_26 = arith.mulf %dot_general3A_22, %get3A_25 : vector<1000x128xf32>
    %swap3A = arith.constant 0 : index
    %swap3A_27 = arith.constant 0 : index
    %swap3A_28 = vector.load %arg5[%swap3A, %swap3A_27] : memref<1000x128xf32, #tpu.memory_space<vmem>>, vector<1000x128xf32>
    tpu.vector_store %arg5[%swap3A, %swap3A_27], %mul3A_26 {strides = array<i32>} : memref<1000x128xf32, #tpu.memory_space<vmem>>, vector<1000x128xf32>,
    return
  }
  func.func @transform_0(%arg0: i32) -> (i32, i32, i32) {
    %c0_i32 = arith.constant 0 : i32
    %c0_i32_0 = arith.constant 0 : i32
    %c0_i32_1 = arith.constant 0 : i32
    return %c0_i32, %arg0, %c0_i32_0 : i32, i32, i32
  }
  func.func @transform_1(%arg0: i32) -> (i32, i32) {
    %c0_i32 = arith.constant 0 : i32
    %c0_i32_0 = arith.constant 0 : i32
    return %arg0, %c0_i32 : i32, i32
  }
  func.func @transform_2(%arg0: i32) -> (i32, i32) {
    %c0_i32 = arith.constant 0 : i32
    %c0_i32_0 = arith.constant 0 : i32
    %c0_i32_1 = arith.constant 0 : i32
    return %c0_i32, %c0_i32_0 : i32, i32
  }
  func.func @transform_3(%arg0: i32) -> (i32, i32) {
    %c0_i32 = arith.constant 0 : i32
    %c0_i32_0 = arith.constant 0 : i32
    %c0_i32_1 = arith.constant 0 : i32
    return %c0_i32, %c0_i32_0 : i32, i32
  }
  func.func @transform_4(%arg0: i32) -> (i32, i32) {
    %c0_i32 = arith.constant 0 : i32
    %c0_i32_0 = arith.constant 0 : i32
    return %arg0, %c0_i32 : i32, i32
  }
}

module attributes {stable_mosaic.version = 14 : i64} {
  func.func @body(%arg0: i32, %arg1: memref<2x1000x128xf32, #tpu.memory_space<vmem>>, %arg2: memref<1000x128xf32, #tpu.memory_space<vmem>>, %arg3: memref<1x128xf32, #tpu.memory_space<vmem>>, %arg4: memref<128x384xf32, #tpu.memory_space<vmem>>, %arg5: memref<1x384xf32, #tpu.memory_space<vmem>>, %arg6: memref<1x384xf32, #tpu.memory_space<vmem>>, %arg7: memref<128x384xf32, #tpu.memory_space<vmem>>, %arg8: memref<1x384xf32, #tpu.memory_space<vmem>>, %arg9: memref<1x384xf32, #tpu.memory_space<vmem>>, %arg10: memref<128x128xf32, #tpu.memory_space<vmem>>, %arg11: memref<1x128xf32, #tpu.memory_space<vmem>>, %arg12: memref<1000x128xf32, #tpu.memory_space<vmem>>, %arg13: memref<1000x128xf32, #tpu.memory_space<vmem>>, %arg14: memref<1000x128xf32, #tpu.memory_space<vmem>>, %arg15: memref<1000x128xf32, #tpu.memory_space<vmem>>, %arg16: memref<1000x128xf32, #tpu.memory_space<vmem>>) attributes {dimension_semantics = [#tpu.dimension_semantics<arbitrary>], iteration_bounds = array<i64: 10>, scalar_prefetch = 0 : i64, scratch_operands = 0 : i64, tpu.core_type = #tpu.core_type<tc>, window_params = [{transform_indices = @transform_0, window_bounds = array<i64: 2, 1000, 128>}, {transform_indices = @transform_1, window_bounds = array<i64: 1000, 128>}, {pipeline_mode = #tpu.pipeline_mode<synchronous>, transform_indices = @transform_2, window_bounds = array<i64: 1, 128>}, {pipeline_mode = #tpu.pipeline_mode<synchronous>, transform_indices = @transform_3, window_bounds = array<i64: 128, 384>}, {pipeline_mode = #tpu.pipeline_mode<synchronous>, transform_indices = @transform_4, window_bounds = array<i64: 1, 384>}, {pipeline_mode = #tpu.pipeline_mode<synchronous>, transform_indices = @transform_5, window_bounds = array<i64: 1, 384>}, {pipeline_mode = #tpu.pipeline_mode<synchronous>, transform_indices = @transform_6, window_bounds = array<i64: 128, 384>}, {pipeline_mode = #tpu.pipeline_mode<synchronous>, transform_indices = @transform_7, window_bounds = array<i64: 1, 384>}, {pipeline_mode = #tpu.pipeline_mode<synchronous>, transform_indices = @transform_8, window_bounds = array<i64: 1, 384>}, {pipeline_mode = #tpu.pipeline_mode<synchronous>, transform_indices = @transform_9, window_bounds = array<i64: 128, 128>}, {pipeline_mode = #tpu.pipeline_mode<synchronous>, transform_indices = @transform_10, window_bounds = array<i64: 1, 128>}, {transform_indices = @transform_11, window_bounds = array<i64: 1000, 128>}, {transform_indices = @transform_12, window_bounds = array<i64: 1000, 128>}, {transform_indices = @transform_13, window_bounds = array<i64: 1000, 128>}, {transform_indices = @transform_14, window_bounds = array<i64: 1000, 128>}, {transform_indices = @transform_15, window_bounds = array<i64: 1000, 128>}]} {
    %get3A = arith.constant 0 : index
    %get3A_0 = arith.constant 0 : index
    %get3A_1 = arith.constant 0 : index
    %get3A_2 = vector.load %arg1[%get3A, %get3A_0, %get3A_1] : memref<2x1000x128xf32, #tpu.memory_space<vmem>>, vector<1x1000x128xf32>
    %get3A_3 = vector.shape_cast %get3A_2 : vector<1x1000x128xf32> to vector<1000x128xf32>
    %get3A_4 = arith.constant 1 : index
    %get3A_5 = arith.constant 0 : index
    %get3A_6 = arith.constant 0 : index
    %get3A_7 = vector.load %arg1[%get3A_4, %get3A_5, %get3A_6] : memref<2x1000x128xf32, #tpu.memory_space<vmem>>, vector<1x1000x128xf32>
    %get3A_8 = vector.shape_cast %get3A_7 : vector<1x1000x128xf32> to vector<1000x128xf32>
    %add3A = arith.addf %get3A_3, %get3A_8 : vector<1000x128xf32>
    %get3A_9 = arith.constant 0 : index
    %get3A_10 = arith.constant 0 : index
    %get3A_11 = vector.load %arg2[%get3A_9, %get3A_10] : memref<1000x128xf32, #tpu.memory_space<vmem>>, vector<1000x128xf32>
    %mul3A = arith.mulf %add3A, %get3A_11 : vector<1000x128xf32>
    %get3A_12 = arith.constant 0 : index
    %get3A_13 = arith.constant 0 : index
    %get3A_14 = vector.load %arg3[%get3A_12, %get3A_13] : memref<1x128xf32, #tpu.memory_space<vmem>>, vector<1x128xf32>
    %add3A_15 = vector.broadcast %get3A_14 : vector<1x128xf32> to vector<1000x128xf32>
    %add3A_16 = arith.addf %mul3A, %add3A_15 : vector<1000x128xf32>
    %max3A = arith.constant 0.000000e+00 : f32
    %max3A_17 = vector.broadcast %max3A : f32 to vector<1000x128xf32>
    %max3A_18 = arith.maximumf %add3A_16, %max3A_17 : vector<1000x128xf32>
    %get3A_19 = arith.constant 0 : index
    %get3A_20 = arith.constant 0 : index
    %get3A_21 = vector.load %arg4[%get3A_19, %get3A_20] : memref<128x384xf32, #tpu.memory_space<vmem>>, vector<128x384xf32>
    %dot_general3A = arith.constant dense<0.000000e+00> : vector<1000x384xf32>
    %dot_general3A_22 = tpu.matmul %max3A_18, %get3A_21, %dot_general3A {dimension_numbers = #tpu.dot_dimension_numbers<[1], [0], [0], [1], [0, 0, 1, 1], [], []>, transpose_lhs_hint = false} : vector<1000x128xf32>, vector<128x384xf32>, vector<1000x384xf32> -> vector<1000x384xf32>
    %get3A_23 = arith.constant 0 : index
    %get3A_24 = arith.constant 0 : index
    %get3A_25 = vector.load %arg5[%get3A_23, %get3A_24] : memref<1x384xf32, #tpu.memory_space<vmem>>, vector<1x384xf32>
    %add3A_26 = vector.broadcast %get3A_25 : vector<1x384xf32> to vector<1000x384xf32>
    %add3A_27 = arith.addf %dot_general3A_22, %add3A_26 : vector<1000x384xf32>
    %get3A_28 = arith.constant 0 : index
    %get3A_29 = arith.constant 0 : index
    %get3A_30 = vector.load %arg6[%get3A_28, %get3A_29] : memref<1x384xf32, #tpu.memory_space<vmem>>, vector<1x384xf32>
    %add3A_31 = vector.broadcast %get3A_30 : vector<1x384xf32> to vector<1000x384xf32>
    %add3A_32 = arith.addf %add3A_27, %add3A_31 : vector<1000x384xf32>
    %slice3A = vector.extract_strided_slice %add3A_32 {offsets = [0, 0], sizes = [1000, 128], strides = [1, 1]} : vector<1000x384xf32> to vector<1000x128xf32>
    %logistic3A = arith.negf %slice3A : vector<1000x128xf32>
    %logistic3A_33 = math.exp %logistic3A : vector<1000x128xf32>
    %logistic3A_34 = arith.constant 1.000000e+00 : f32
    %logistic3A_35 = vector.broadcast %logistic3A_34 : f32 to vector<1000x128xf32>
    %logistic3A_36 = arith.addf %logistic3A_35, %logistic3A_33 : vector<1000x128xf32>
    %logistic3A_37 = arith.divf %logistic3A_35, %logistic3A_36 : vector<1000x128xf32>
    %slice3A_38 = vector.extract_strided_slice %add3A_32 {offsets = [0, 128], sizes = [1000, 128], strides = [1, 1]} : vector<1000x384xf32> to vector<1000x128xf32>
    %tanh3A = math.tanh %slice3A_38 : vector<1000x128xf32>
    %slice3A_39 = vector.extract_strided_slice %add3A_32 {offsets = [0, 256], sizes = [1000, 128], strides = [1, 1]} : vector<1000x384xf32> to vector<1000x128xf32>
    %logistic3A_40 = arith.negf %slice3A_39 : vector<1000x128xf32>
    %logistic3A_41 = math.exp %logistic3A_40 : vector<1000x128xf32>
    %logistic3A_42 = arith.constant 1.000000e+00 : f32
    %logistic3A_43 = vector.broadcast %logistic3A_42 : f32 to vector<1000x128xf32>
    %logistic3A_44 = arith.addf %logistic3A_43, %logistic3A_41 : vector<1000x128xf32>
    %logistic3A_45 = arith.divf %logistic3A_43, %logistic3A_44 : vector<1000x128xf32>
    %mul3A_46 = arith.mulf %logistic3A_37, %tanh3A : vector<1000x128xf32>
    %tanh3A_47 = math.tanh %mul3A_46 : vector<1000x128xf32>
    %mul3A_48 = arith.mulf %logistic3A_45, %tanh3A_47 : vector<1000x128xf32>
    %get3A_49 = arith.constant 0 : index
    %get3A_50 = arith.constant 0 : index
    %get3A_51 = vector.load %arg7[%get3A_49, %get3A_50] : memref<128x384xf32, #tpu.memory_space<vmem>>, vector<128x384xf32>
    %dot_general3A_52 = arith.constant dense<0.000000e+00> : vector<1000x384xf32>
    %dot_general3A_53 = tpu.matmul %mul3A_48, %get3A_51, %dot_general3A_52 {dimension_numbers = #tpu.dot_dimension_numbers<[1], [0], [0], [1], [0, 0, 1, 1], [], []>, transpose_lhs_hint = false} : vector<1000x128xf32>, vector<128x384xf32>, vector<1000x384xf32> -> vector<1000x384xf32>
    %get3A_54 = arith.constant 0 : index
    %get3A_55 = arith.constant 0 : index
    %get3A_56 = vector.load %arg8[%get3A_54, %get3A_55] : memref<1x384xf32, #tpu.memory_space<vmem>>, vector<1x384xf32>
    %add3A_57 = vector.broadcast %get3A_56 : vector<1x384xf32> to vector<1000x384xf32>
    %add3A_58 = arith.addf %dot_general3A_53, %add3A_57 : vector<1000x384xf32>
    %get3A_59 = arith.constant 0 : index
    %get3A_60 = arith.constant 0 : index
    %get3A_61 = vector.load %arg9[%get3A_59, %get3A_60] : memref<1x384xf32, #tpu.memory_space<vmem>>, vector<1x384xf32>
    %add3A_62 = vector.broadcast %get3A_61 : vector<1x384xf32> to vector<1000x384xf32>
    %add3A_63 = arith.addf %add3A_58, %add3A_62 : vector<1000x384xf32>
    %slice3A_64 = vector.extract_strided_slice %add3A_63 {offsets = [0, 0], sizes = [1000, 128], strides = [1, 1]} : vector<1000x384xf32> to vector<1000x128xf32>
    %logistic3A_65 = arith.negf %slice3A_64 : vector<1000x128xf32>
    %logistic3A_66 = math.exp %logistic3A_65 : vector<1000x128xf32>
    %logistic3A_67 = arith.constant 1.000000e+00 : f32
    %logistic3A_68 = vector.broadcast %logistic3A_67 : f32 to vector<1000x128xf32>
    %logistic3A_69 = arith.addf %logistic3A_68, %logistic3A_66 : vector<1000x128xf32>
    %logistic3A_70 = arith.divf %logistic3A_68, %logistic3A_69 : vector<1000x128xf32>
    %slice3A_71 = vector.extract_strided_slice %add3A_63 {offsets = [0, 128], sizes = [1000, 128], strides = [1, 1]} : vector<1000x384xf32> to vector<1000x128xf32>
    %tanh3A_72 = math.tanh %slice3A_71 : vector<1000x128xf32>
    %slice3A_73 = vector.extract_strided_slice %add3A_63 {offsets = [0, 256], sizes = [1000, 128], strides = [1, 1]} : vector<1000x384xf32> to vector<1000x128xf32>
    %logistic3A_74 = arith.negf %slice3A_73 : vector<1000x128xf32>
    %logistic3A_75 = math.exp %logistic3A_74 : vector<1000x128xf32>
    %logistic3A_76 = arith.constant 1.000000e+00 : f32
    %logistic3A_77 = vector.broadcast %logistic3A_76 : f32 to vector<1000x128xf32>
    %logistic3A_78 = arith.addf %logistic3A_77, %logistic3A_75 : vector<1000x128xf32>
    %logistic3A_79 = arith.divf %logistic3A_77, %logistic3A_78 : vector<1000x128xf32>
    %mul3A_80 = arith.mulf %logistic3A_70, %tanh3A_72 : vector<1000x128xf32>
    %tanh3A_81 = math.tanh %mul3A_80 : vector<1000x128xf32>
    %mul3A_82 = arith.mulf %logistic3A_79, %tanh3A_81 : vector<1000x128xf32>
    %get3A_83 = arith.constant 0 : index
    %get3A_84 = arith.constant 0 : index
    %get3A_85 = vector.load %arg10[%get3A_83, %get3A_84] : memref<128x128xf32, #tpu.memory_space<vmem>>, vector<128x128xf32>
    %dot_general3A_86 = arith.constant dense<0.000000e+00> : vector<1000x128xf32>
    %dot_general3A_87 = tpu.matmul %mul3A_82, %get3A_85, %dot_general3A_86 {dimension_numbers = #tpu.dot_dimension_numbers<[1], [0], [0], [1], [0, 0, 1, 1], [], []>, transpose_lhs_hint = false} : vector<1000x128xf32>, vector<128x128xf32>, vector<1000x128xf32> -> vector<1000x128xf32>
    %get3A_88 = arith.constant 0 : index
    %get3A_89 = arith.constant 0 : index
    %get3A_90 = vector.load %arg11[%get3A_88, %get3A_89] : memref<1x128xf32, #tpu.memory_space<vmem>>, vector<1x128xf32>
    %add3A_91 = vector.broadcast %get3A_90 : vector<1x128xf32> to vector<1000x128xf32>
    %add3A_92 = arith.addf %dot_general3A_87, %add3A_91 : vector<1000x128xf32>
    %swap3A = arith.constant 0 : index
    %swap3A_93 = arith.constant 0 : index
    %swap3A_94 = vector.load %arg12[%swap3A, %swap3A_93] : memref<1000x128xf32, #tpu.memory_space<vmem>>, vector<1000x128xf32>
    tpu.vector_store %arg12[%swap3A, %swap3A_93], %add3A_92 {strides = array<i32>} : memref<1000x128xf32, #tpu.memory_space<vmem>>, vector<1000x128xf32>,
    %swap3A_95 = arith.constant 0 : index
    %swap3A_96 = arith.constant 0 : index
    %swap3A_97 = vector.load %arg13[%swap3A_95, %swap3A_96] : memref<1000x128xf32, #tpu.memory_space<vmem>>, vector<1000x128xf32>
    tpu.vector_store %arg13[%swap3A_95, %swap3A_96], %mul3A_48 {strides = array<i32>} : memref<1000x128xf32, #tpu.memory_space<vmem>>, vector<1000x128xf32>,
    %swap3A_98 = arith.constant 0 : index
    %swap3A_99 = arith.constant 0 : index
    %swap3A_100 = vector.load %arg14[%swap3A_98, %swap3A_99] : memref<1000x128xf32, #tpu.memory_space<vmem>>, vector<1000x128xf32>
    tpu.vector_store %arg14[%swap3A_98, %swap3A_99], %mul3A_46 {strides = array<i32>} : memref<1000x128xf32, #tpu.memory_space<vmem>>, vector<1000x128xf32>,
    %swap3A_101 = arith.constant 0 : index
    %swap3A_102 = arith.constant 0 : index
    %swap3A_103 = vector.load %arg15[%swap3A_101, %swap3A_102] : memref<1000x128xf32, #tpu.memory_space<vmem>>, vector<1000x128xf32>
    tpu.vector_store %arg15[%swap3A_101, %swap3A_102], %mul3A_82 {strides = array<i32>} : memref<1000x128xf32, #tpu.memory_space<vmem>>, vector<1000x128xf32>,
    %swap3A_104 = arith.constant 0 : index
    %swap3A_105 = arith.constant 0 : index
    %swap3A_106 = vector.load %arg16[%swap3A_104, %swap3A_105] : memref<1000x128xf32, #tpu.memory_space<vmem>>, vector<1000x128xf32>
    tpu.vector_store %arg16[%swap3A_104, %swap3A_105], %mul3A_80 {strides = array<i32>} : memref<1000x128xf32, #tpu.memory_space<vmem>>, vector<1000x128xf32>,
    return
  }
  func.func @transform_0(%arg0: i32) -> (i32, i32, i32) {
    %c0_i32 = arith.constant 0 : i32
    %c0_i32_0 = arith.constant 0 : i32
    %c0_i32_1 = arith.constant 0 : i32
    return %c0_i32, %arg0, %c0_i32_0 : i32, i32, i32
  }
  func.func @transform_1(%arg0: i32) -> (i32, i32) {
    %c0_i32 = arith.constant 0 : i32
    %c0_i32_0 = arith.constant 0 : i32
    return %arg0, %c0_i32 : i32, i32
  }
  func.func @transform_2(%arg0: i32) -> (i32, i32) {
    %c0_i32 = arith.constant 0 : i32
    %c0_i32_0 = arith.constant 0 : i32
    %c0_i32_1 = arith.constant 0 : i32
    return %c0_i32, %c0_i32_0 : i32, i32
  }
  func.func @transform_3(%arg0: i32) -> (i32, i32) {
    %c0_i32 = arith.constant 0 : i32
    %c0_i32_0 = arith.constant 0 : i32
    %c0_i32_1 = arith.constant 0 : i32
    return %c0_i32, %c0_i32_0 : i32, i32
  }
  func.func @transform_4(%arg0: i32) -> (i32, i32) {
    %c0_i32 = arith.constant 0 : i32
    %c0_i32_0 = arith.constant 0 : i32
    %c0_i32_1 = arith.constant 0 : i32
    return %c0_i32, %c0_i32_0 : i32, i32
  }
  func.func @transform_5(%arg0: i32) -> (i32, i32) {
    %c0_i32 = arith.constant 0 : i32
    %c0_i32_0 = arith.constant 0 : i32
    %c0_i32_1 = arith.constant 0 : i32
    return %c0_i32, %c0_i32_0 : i32, i32
  }
  func.func @transform_6(%arg0: i32) -> (i32, i32) {
    %c0_i32 = arith.constant 0 : i32
    %c0_i32_0 = arith.constant 0 : i32
    %c0_i32_1 = arith.constant 0 : i32
    return %c0_i32, %c0_i32_0 : i32, i32
  }
  func.func @transform_7(%arg0: i32) -> (i32, i32) {
    %c0_i32 = arith.constant 0 : i32
    %c0_i32_0 = arith.constant 0 : i32
    %c0_i32_1 = arith.constant 0 : i32
    return %c0_i32, %c0_i32_0 : i32, i32
  }
  func.func @transform_8(%arg0: i32) -> (i32, i32) {
    %c0_i32 = arith.constant 0 : i32
    %c0_i32_0 = arith.constant 0 : i32
    %c0_i32_1 = arith.constant 0 : i32
    return %c0_i32, %c0_i32_0 : i32, i32
  }
  func.func @transform_9(%arg0: i32) -> (i32, i32) {
    %c0_i32 = arith.constant 0 : i32
    %c0_i32_0 = arith.constant 0 : i32
    %c0_i32_1 = arith.constant 0 : i32
    return %c0_i32, %c0_i32_0 : i32, i32
  }
  func.func @transform_10(%arg0: i32) -> (i32, i32) {
    %c0_i32 = arith.constant 0 : i32
    %c0_i32_0 = arith.constant 0 : i32
    %c0_i32_1 = arith.constant 0 : i32
    return %c0_i32, %c0_i32_0 : i32, i32
  }
  func.func @transform_11(%arg0: i32) -> (i32, i32) {
    %c0_i32 = arith.constant 0 : i32
    %c0_i32_0 = arith.constant 0 : i32
    return %arg0, %c0_i32 : i32, i32
  }
  func.func @transform_12(%arg0: i32) -> (i32, i32) {
    %c0_i32 = arith.constant 0 : i32
    %c0_i32_0 = arith.constant 0 : i32
    return %arg0, %c0_i32 : i32, i32
  }
  func.func @transform_13(%arg0: i32) -> (i32, i32) {
    %c0_i32 = arith.constant 0 : i32
    %c0_i32_0 = arith.constant 0 : i32
    return %arg0, %c0_i32 : i32, i32
  }
  func.func @transform_14(%arg0: i32) -> (i32, i32) {
    %c0_i32 = arith.constant 0 : i32
    %c0_i32_0 = arith.constant 0 : i32
    return %arg0, %c0_i32 : i32, i32
  }
  func.func @transform_15(%arg0: i32) -> (i32, i32) {
    %c0_i32 = arith.constant 0 : i32
    %c0_i32_0 = arith.constant 0 : i32
    return %arg0, %c0_i32 : i32, i32
  }
}

</mosaic_0001>

<sc_bundles>
// kernel: kernel.11.cloned.1.call-start
scs
__scs_entry_jumppad:
0x0: {  	(pc) =	sbr.rel $0x88, $3  }
0x1: {  	(tag) =	ssettag $0x0;
	lr =	simm.s32 $0x1  }
0x2: {  	[smem:$0x3F93] =	sst lr;
	_ =	strace $0xD0000000  }
0x3: {  	_ = 	snop  }
0x4: {  	_ = 	snop  }
0x5: {  	_ = 	snop  }
0x6: {  	_ = 	snop  }
0x7: {  	_ = 	snop  }
__scs_overlays_trampoline_lowered:
0x8: {  	[smem:$0x3FA2] =	sst s0  }
0x9: {  	[smem:$0x3FA3] =	sst s1  }
0xa: {  	[smem:$0x3FA4] =	sst s2  }
0xb: {  	[smem:$0x3FA5] =	sst s3  }
0xc: {  	[smem:$0x3FA6] =	sst s4  }
0xd: {  	[smem:$0x3FA7] =	sst s5  }
0xe: {  	[smem:$0x3FA8] =	sst s6  }
0xf: {  	[smem:$0x3FA9] =	sst s7  }
0x10: {  	[smem:$0x3FAA] =	sst s8  }
0x11: {  	[smem:$0x3FAB] =	sst s9;
	s0 =	simm.s32 @!p0 $0x0  }
0x12: {  	s1 =	sld [smem:$0x3F91];
	s0 =	simm.s32 @p0 $0x1  }
0x13: {  	[smem:$0x3FAC] =	sst s0;
	s0 =	simm.s32 @!p1 $0x0  }
0x14: {  	s2 =	sld [smem:$0x3F90];
	s0 =	simm.s32 @p1 $0x1  }
0x15: {  	[smem:$0x3FAD] =	sst s0;
	s0 =	simm.s32 @!p2 $0x0  }
0x16: {  	s3 =	sld [smem:$0x3FDB];
	s0 =	simm.s32 @p2 $0x1  }
0x17: {  	s4 =	simm.s32 $0x1BF5;
	[smem:$0x3FAF] =	sst s0  }
0x18: {  	s0 =	sld [smem:$0x3F92];
	_ =	swait.ge [sflag:s4], $0x0  }
0x19: {  	s7 =	sld [smem:$0x3F93]  }
0x1a: {  	s8 =	sadd.s32 $0xFFFFE003, lr  }
0x1b: {  	s9 =	sadd.s32 $0xFFFFFEF7, lr;
	s5 =	simm.s32 $0xFFFFFFFF;
	p2 =	slt.u32 s8, $0xFFFFF086  }
0x1c: {  	p1 =	slt.u32 s9, $0xF7A;
	s5 =	simm.s32 @!p2 $0x0  }
0x1d: {  	s5 =	simm.s32 @p1 $0x1;
	p0 =	seq.s32 s7, s2  }
0x1e: {  	s7 =	smul.u32 @!p0 $0xF7A, s2;
	p2 =	seq.s32 @!p0 s5, $0x0  }
0x1f: {  	s9 =	smul.u32 $0xF7A, s1;
	s8 =	simm.s32 @!p0 $0x1BF5;
	p2 =	por !p2, p0  }
0x20: {  	[sflag:s8] =	ssyncset.s32 @!p0 $0xFFFFF086;
	s6 =	sadd.s32 @!p0 s3, s7;
	s7 =	simm.s32 @!p0 $0x108  }
0x21: {  	s3 =	sadd.s32 s3, s9;
	s6 =	sadd.s32 @!p0 $0x88, s6;
	s7 =	simm.s32 @p2 $0x1082  }
0x22: {  	[simem:s7], [sflag:s8] =	dma.local @!p0 [hbm:s6], $0xF7A  }
0x23: {  	s9 =	sor.u32 $0xD0000000, s2;
	s6 =	simm.s32 $0x108;
	_ =	swait.ge @!p0 [sflag:s8], $0x0  }
0x24: {  	s3 =	sadd.s32 $0x88, s3;
	s6 =	simm.s32 @!p1 $0x1082;
	[sflag:s4] =	ssyncset.s32 $0xFFFFF086  }
0x25: {  	[simem:s6], [sflag:s4] =	dma.local [hbm:s3], $0xF7A  }
0x26: {  	[smem:$0x3F93] =	sst s1;
	(tag) =	ssettag s2;
	_ =	strace s9  }
0x27: {  	s1 =	sld [smem:$0x3FA3]  }
0x28: {  	s2 =	sld [smem:$0x3FA4]  }
0x29: {  	s4 =	sld [smem:$0x3FA6]  }
0x2a: {  	p0 =	seq.s32 s5, $0x0;
	s5 =	sld [smem:$0x3FA7]  }
0x2b: {  	s6 =	sld [smem:$0x3FA8]  }
0x2c: {  	s7 =	sld [smem:$0x3FA9]  }
0x2d: {  	s3 =	simm.s32 $0x108;
	s8 =	sld [smem:$0x3FAA]  }
0x2e: {  	s3 =	simm.s32 @!p0 $0x1082;
	s9 =	sld [smem:$0x3FAB]  }
0x2f: {  	lr =	sadd.s32 s0, s3;
	s0 =	sld [smem:$0x3FA2]  }
0x30: {  	s3 =	sld [smem:$0x3FA5]  }
0x31: {  	[smem:$0x3FAE] =	sst s10  }
0x32: {  	s10 =	sld [smem:$0x3FAC];
	_ =	sdelay $0x3  }
0x33: {  	p0 =	seq.s32 s10, $0x1;
	s10 =	sld [smem:$0x3FAE];
	_ =	sdelay $0x3  }
0x34: {  	[smem:$0x3FAE] =	sst s10  }
0x35: {  	s10 =	sld [smem:$0x3FAD];
	_ =	sdelay $0x3  }
0x36: {  	p1 =	seq.s32 s10, $0x1;
	s10 =	sld [smem:$0x3FAE];
	_ =	sdelay $0x3  }
0x37: {  	[smem:$0x3FAE] =	sst s10  }
0x38: {  	s10 =	sld [smem:$0x3FAF]  }
0x39: {  	_ = 	snop;
	(pc) =	sbr.ind lr, $3  }
0x3a: {  	_ = 	snop  }
0x3b: {  	_ = 	snop  }
0x3c: {  	p2 =	seq.s32 s10, $0x1;
	s10 =	sld [smem:$0x3FAE]  }
0x3d: {  	_ =	shalt  }
0x3e: {  	_ =	shalt  }
0x3f: {  	_ =	shalt  }
0x40: {  	_ =	shalt  }
0x41: {  	_ =	shalt  }
0x42: {  	_ =	shalt  }
0x43: {  	_ =	shalt  }
0x44: {  	_ =	shalt  }
0x45: {  	_ =	shalt  }
0x46: {  	_ =	shalt  }
0x47: {  	_ =	shalt  }
0x48: {  	_ =	shalt  }
0x49: {  	_ =	shalt  }
0x4a: {  	_ =	shalt  }
0x4b: {  	_ =	shalt  }
0x4c: {  	_ =	shalt  }
0x4d: {  	_ =	shalt  }
0x4e: {  	_ =	shalt  }
0x4f: {  	_ =	shalt  }
0x50: {  	_ =	shalt  }
0x51: {  	_ =	shalt  }
0x52: {  	_ =	shalt  }
0x53: {  	_ =	shalt  }
0x54: {  	_ =	shalt  }
0x55: {  	_ =	shalt  }
0x56: {  	_ =	shalt  }
0x57: {  	_ =	shalt  }
0x58: {  	_ =	shalt  }
0x59: {  	_ =	shalt  }
0x5a: {  	_ =	shalt  }
0x5b: {  	_ =	shalt  }
0x5c: {  	_ =	shalt  }
0x5d: {  	_ =	shalt  }
0x5e: {  	_ =	shalt  }
0x5f: {  	_ =	shalt  }
0x60: {  	_ =	shalt  }
0x61: {  	_ =	shalt  }
0x62: {  	_ =	shalt  }
0x63: {  	_ =	shalt  }
0x64: {  	_ =	shalt  }
0x65: {  	_ =	shalt  }
0x66: {  	_ =	shalt  }
0x67: {  	_ =	shalt  }
0x68: {  	_ =	shalt  }
0x69: {  	_ =	shalt  }
0x6a: {  	_ =	shalt  }
0x6b: {  	_ =	shalt  }
0x6c: {  	_ =	shalt  }
0x6d: {  	_ =	shalt  }
0x6e: {  	_ =	shalt  }
0x6f: {  	_ =	shalt  }
0x70: {  	_ =	shalt  }
0x71: {  	_ =	shalt  }
0x72: {  	_ =	shalt  }
0x73: {  	_ =	shalt  }
0x74: {  	_ =	shalt  }
0x75: {  	_ =	shalt  }
0x76: {  	_ =	shalt  }
0x77: {  	_ =	shalt  }
0x78: {  	_ =	shalt  }
0x79: {  	_ =	shalt  }
0x7a: {  	_ =	shalt  }
0x7b: {  	_ =	shalt  }
0x7c: {  	_ =	shalt  }
0x7d: {  	_ =	shalt  }
0x7e: {  	_ =	shalt  }
0x7f: {  	_ =	shalt  }
0x80: {  	_ =	shalt  }
0x81: {  	_ =	shalt  }
0x82: {  	_ =	shalt  }
0x83: {  	_ =	shalt  }
0x84: {  	_ =	shalt  }
0x85: {  	_ =	shalt  }
0x86: {  	_ =	shalt  }
0x87: {  	_ =	shalt  }
.Lfunc_end0:
.L_simem_size_0:
called_computation.1_lowered:
.L_overlay_start_0:
0x88: {  	s2 =	sld [smem:$0x3FD9]  }
0x89: {  	s3 =	sld [smem:$0x3FFE];
	_ =	sdelay $0x1  }
0x8a: {  	s1 =	srdreg.scid  }
0x8b: {  	s0 =	sand.u32 $0x1, s1  }
0x8c: {  	s14 =	sshll.u32 s0, $0xA;
	s2 =	sadd.s32 s3, s2  }
0x8d: {  	s2 =	sadd.s32 s2, s14  }
0x8e: {  	[smem:$0x3FBA] =	sst s2  }
0x8f: {  	_ = 	snop  }
0x90: {  	s2 =	sld [smem:$0x3FD0];
	_ =	sdelay $0x2  }
0x91: {  	s15 =	simm.s32 $0xA;
	s4 =	simm.s32 $0x10  }
0x92: {  	[smem:s4], [sflag:s15] =	dma.local [hbm:s2], $0x1  }
0x93: {  	_ =	swait.eq [sflag:s15], $0x1  }
0x94: {  	s16 =	sld [smem:$0x12];
	[sflag:s15] =	ssyncset.done $0x0  }
0x95: {  	s17 =	sld [smem:$0x13];
	[sflag:s15] =	ssyncadd.s32 $0xFFFFFFFF  }
0x96: {  	s18 =	sld [smem:$0x14];
	(tm) =	ssettm $0x1  }
0x97: {  	s5 =	sld [smem:$0x3FFB];
	_ =	sdelay $0x3  }
0x98: {  	_ =	strace s5  }
0x99: {  	s5 =	sld [smem:$0x3FFC];
	_ =	sdelay $0x3  }
0x9a: {  	_ =	strace s5  }
0x9b: {  	s5 =	sld [smem:$0x3FFD];
	_ =	sdelay $0x3  }
0x9c: {  	_ =	strace s5  }
0x9d: {  	_ =	strace $0x8FFFFFFF  }
0x9e: {  	s19 =	sld [smem:$0x3FDB];
	_ =	sdelay $0x1  }
0x9f: {  	s6 =	simm.s32 $_scs_section_size  }
0xa0: {  	s7 =	simm.s32 $_size__tile_overlayer_lowered;
	s8 =	simm.s32 $_tile_overlayer_lowered  }
0xa1: {  	s22 =	simm.s32 $0x1BFF;
	s21 =	sshll.u32 s8, $0x1;
	s5 =	sadd.s32 s6, s19  }
0xa2: {  	s9 =	simm.s32 $0x0;
	s20 =	sshll.u32 s7, $0x1;
	s7 =	sadd.s32 s21, s5  }
0xa3: {  	[timem:s9], [sflag:s22] =	dma.local [hbm:s7], s20  }
0xa4: {  	_ =	swait.ge [sflag:s22], s20  }
0xa5: {  	s6 =	ssub.s32 $0x0, s20;
	[sflag:s22] =	ssyncset.done $0x0  }
0xa6: {  	[sflag:s22] =	ssyncadd.s32 s6;
	_ =	sdelay $0x1  }
0xa7: {  	s23 =	simm.s32 $0x1B8B  }
0xa8: {  	_ =	swait.ge [sflag:s23], $0x1  }
0xa9: {  	[sflag:s23] =	ssyncset.done $0x0  }
0xaa: {  	s25 =	simm.s32 $0x1B8E;
	s24 =	sld [smem:$0x3FFE];
	[sflag:s23] =	ssyncadd.s32 $0xFFFFFFFF  }
0xab: {  	s26 =	simm.s32 $execute0_lowered;
	[smem:$0x3FD2] =	sst s25  }
0xac: {  	s7 =	sshll.u32 s26, $0x1;
	_ =	strace $0x80000049;
	[dreg:$0x1] =	wrdreg $0xFFFFFFFF  }
0xad: {  	s28 =	simm.s32 $_size_execute0_lowered;
	s5 =	sadd.s32 s5, s7;
	[dreg:$0x0] =	wrdreg $0x0  }
0xae: {  	s7 =	sshll.u32 s28, $0x1;
	[dreg:$0x2] =	wrdreg s5  }
0xaf: {  	[dreg:$0x3] =	wrdreg s7  }
0xb0: {  	[dreg:$0x4] =	wrdreg $0xC0  }
0xb1: {  	_ =	task [dreg:s9], $0x5FFFF  }
0xb2: {  	[dreg:$0x1] =	wrdreg $0xFFFFFFFF  }
0xb3: {  	[dreg:$0x0] =	wrdreg $0x60  }
0xb4: {  	[dreg:$0x2] =	wrdreg s18  }
0xb5: {  	[dreg:$0x3] =	wrdreg s16  }
0xb6: {  	[dreg:$0x4] =	wrdreg s17  }
0xb7: {  	[dreg:$0x5] =	wrdreg s24  }
0xb8: {  	[dreg:$0x6] =	wrdreg $0xBB500  }
0xb9: {  	[dreg:$0x7] =	wrdreg $0x9  }
0xba: {  	_ =	task.clear_ibuf [dreg:s9], $0x8FFFF;
	_ =	strace $0x90000049  }
0xbb: {  	s29 =	simm.s32 $0x9;
	_ =	strace $0x8000004B  }
0xbc: {  	_ =	swait.ge [sflag:s29], $0x1  }
0xbd: {  	[sflag:s29] =	ssyncadd.s32 $0xFFFFFFFF  }
0xbe: {  	_ =	strace $0x9000004B  }
0xbf: {  	_ =	sfence  }
0xc0: {  	s30 =	sld [smem:$0x0];
	_ =	sdelay $0x2  }
0xc1: {  	s31 =	sshll.u32 s1, $0xD;
	s1 =	sshrl.u32 s1, $0x2  }
0xc2: {  	s3 =	sand.u32 $0x4000, s31;
	s1 =	sadd.s32 s1, s30  }
0xc3: {  	s0 =	sor.u32 s3, s0;
	s1 =	sshll.u32 s1, $0x11  }
0xc4: {  	s0 =	sor.u32 s1, s0  }
0xc5: {  	s0 =	sadd.s32 $0x8F2B, s0  }
0xc6: {  	[sflag:s0] =	ssyncadd.remote.s32 $0x1  }
0xc7: {  	_ =	sfence.sel $0xFFFF  }
0xc8: {  	[dreg:$0x0] =	wrdreg $0xFFFFFFFF;
	(pc) =	sbr.abs _section_cstart, $3  }
0xc9: {  	[dreg:$0x1] =	wrdreg $0xFFFFFFFF  }
0xca: {  	_ =	task.clear_ibuf [dreg:s9], $0x2FFFF;
	_ =	strace $0x9FFFFFFF  }
0xcb: {  	(tm) =	ssettm $0x7FFFFFFF  }
tec
execute0_lowered:
.L_overlay_start_1:
0x0: {  	(tag) =	ssettag $0x1  }
0x1: {  	s1 =	rddreg [dreg:$0x0]  }
0x2: {  	s0 =	rddreg [dreg:$0x1]  }
0x3: {  	s2 =	rddreg [dreg:$0x2];
	s3 =	srdreg.scid  }
0x4: {  	s9 =	stileid.u32;
	s4 =	rddreg [dreg:$0x3];
	s10 =	simm.s32 $0x0  }
0x5: {  	s18 =	simm.s32 $0x1;
	s20 =	simm.s32 $0x2;
	s21 =	simm.s32 $0x4F50  }
0x6: {  	s22 =	simm.s32 $0x9;
	s23 =	simm.s32 $0x48;
	s24 =	simm.s32 $0x7350  }
0x7: {  	s28 =	simm.s32 $0x3;
	s29 =	simm.s32 $0x4;
	s30 =	simm.s32 $0x5  }
0x8: {  	s31 =	simm.s32 $0x6;
	s5 =	sand.u32 $0x1, s3;
	s3 =	rddreg [dreg:$0x4]  }
0x9: {  	s19 =	simm.s32 $0x0;
	s7 =	smul.u32 $0x13900, s9;
	[smem:$0x7FF] =	sst s10  }
0xa: {  	s6 =	smul.u32 $0x139000, s5;
	s8 =	sshll.u32 s5, $0x4;
	s5 =	ssub.s32 $0x2, s5  }
0xb: {  	_ =	strace $0x8000004A;
	s8 =	sor.u32 s9, s8;
	s9 =	smul.u32 $0x4E400, s9  }
0xc: {  	s25 =	sshrl.u32 s5, $0x1;
	s6 =	sadd.s32 s7, s6;
	s8 =	smul.u32 $0x4F5, s8  }
0xd: {  	s5 =	ssub.s32 s5, s25;
	s7 =	sadd.s32 s7, s3;
	s25 =	simm.s32 $0x2760  }
0xe: {  	s6 =	sshrl.u32 s6, $0x3;
	s26 =	sshrl.u32 s9, $0x2;
	s0 =	sadd.s32 s0, s8  }
0xf: {  	s17 =	smax.u32 s5, $0x1;
	s2 =	sadd.s32 s2, s8;
	[dreg:$0x6] =	wrdreg s0  }
0x10: {  	s4 =	sadd.s32 s6, s4;
	[dreg:$0x7] =	wrdreg s2;
	s0 =	sadd.s32 s26, s3  }
0x11: {  	s16 =	sadd.s32 $0x3A00, s4;
	s26 =	simm.s32 $0x9750;
	s2 =	simm.s32 $0x7  }
0x12: {  	s8 =	sadd.s32 $0x2400, s0;
	s9 =	sadd.s32 $0x4800, s0;
	s10 =	sadd.s32 $0x6C00, s0  }
0x13: {  	s11 =	sadd.s32 $0x9000, s0;
	s12 =	sadd.s32 $0xB400, s0;
	s13 =	sadd.s32 $0xD800, s0  }
0x14: {  	v0 =	vimm.f32 $0.0e+00;
	s14 =	sadd.s32 $0xFC00, s0;
	s15 =	sadd.s32 $0x12000, s0;
	s0 =	simm.s32 $0x8  }
.LBB2_1:
0x15: {  	s4 =	simm.s32 $0x0;
	s5 =	rddreg [dreg:$0x6]  }
0x16: {  	[tilespmem:s4], [sflag:$0x1] =	stream.linear.gather [hbm4b:s5+s4], $0x27A8, $0x38;
	[tilespmem:$0x1F450] =	vst v63  }
0x17: {  	_ =	swait.ge [sflag:s18], $0x27A8  }
0x18: {  	[sflag:s18] =	ssyncset.done $0x0  }
0x19: {  	s6 =	simm.s32 $0x27A8;
	s5 =	rddreg [dreg:$0x7];
	[sflag:s18] =	ssyncadd.s32 $0xFFFFD858  }
0x1a: {  	[tilespmem:s6], [sflag:$0x2] =	stream.linear.gather [hbm4b:s5+s4], $0x27A8, $0x38;
	[tilespmem:$0x1F450] =	vst v63  }
0x1b: {  	_ =	swait.ge [sflag:s20], $0x27A8  }
0x1c: {  	[sflag:s20] =	ssyncset.done $0x0  }
0x1d: {  	s4 =	simm.s32 $0x70;
	s5 =	simm.s32 $0x3C0;
	[sflag:s20] =	ssyncadd.s32 $0xFFFFD858  }
.LBB2_2:
0x1e: {  	p0 =	sne.s32 s5, $0x8FC0;
	[tilespmem:s4+$0x4F50] =	vst v0  }
0x1f: {  	[tilespmem:s4+$0x4EE0] =	vst v0  }
0x20: {  	[tilespmem:s4+$0x4EF0] =	vst v0  }
.Ltmp0:
0x21: {  	[tilespmem:s4+$0x4F00] =	vst v0;
	(pc) =	sbr.rel @p0 .LBB2_2-.Ltmp0, $4  }
0x22: {  	[tilespmem:s4+$0x4F10] =	vst v0  }
0x23: {  	[tilespmem:s4+$0x4F20] =	vst v0  }
0x24: {  	[tilespmem:s4+$0x4F30] =	vst v0  }
0x25: {  	[tilespmem:s4+$0x4F40] =	vst v0;
	s4 =	sshra.s32 s5, $0x2;
	s5 =	sadd.s32 $0x200, s5  }
0x26: {  	[tilespmem:s4+$0x4F50] =	vst v0  }
0x27: {  	[tilespmem:s4+$0x4EE0] =	vst v0  }
0x28: {  	[tilespmem:s4+$0x4EF0] =	vst v0  }
0x29: {  	[tilespmem:s4+$0x4F00] =	vst v0  }
0x2a: {  	[tilespmem:s4+$0x4F10] =	vst v0  }
0x2b: {  	[tilespmem:s4+$0x4F20] =	vst v0  }
0x2c: {  	[tilespmem:s4+$0x4F30] =	vst v0  }
0x2d: {  	[tilespmem:s4+$0x4F40] =	vst v0  }
0x2e: {  	[spmem:s7] =	stream.linear.scatter [tilespmem:s21], [sflag:$0x9], $0x2400, $0x38;
	[tilespmem:$0x1F450] =	vst v63  }
0x2f: {  	_ =	swait.ge [sflag:s22], $0x2400  }
0x30: {  	[sflag:s22] =	ssyncset.done $0x0  }
0x31: {  	[sflag:s22] =	ssyncadd.s32 $0xFFFFDC00  }
0x32: {  	[spmem:s8] =	stream.linear.scatter [tilespmem:s21], [sflag:$0x9], $0x2400, $0x38;
	[tilespmem:$0x1F450] =	vst v63  }
0x33: {  	_ =	swait.ge [sflag:s22], $0x2400  }
0x34: {  	[sflag:s22] =	ssyncset.done $0x0  }
0x35: {  	[sflag:s22] =	ssyncadd.s32 $0xFFFFDC00  }
0x36: {  	[spmem:s9] =	stream.linear.scatter [tilespmem:s21], [sflag:$0x9], $0x2400, $0x38;
	[tilespmem:$0x1F450] =	vst v63  }
0x37: {  	_ =	swait.ge [sflag:s22], $0x2400  }
0x38: {  	[sflag:s22] =	ssyncset.done $0x0  }
0x39: {  	[sflag:s22] =	ssyncadd.s32 $0xFFFFDC00  }
0x3a: {  	[spmem:s10] =	stream.linear.scatter [tilespmem:s21], [sflag:$0x9], $0x2400, $0x38;
	[tilespmem:$0x1F450] =	vst v63  }
0x3b: {  	_ =	swait.ge [sflag:s22], $0x2400  }
0x3c: {  	[sflag:s22] =	ssyncset.done $0x0  }
0x3d: {  	[sflag:s22] =	ssyncadd.s32 $0xFFFFDC00  }
0x3e: {  	[spmem:s11] =	stream.linear.scatter [tilespmem:s21], [sflag:$0x9], $0x2400, $0x38;
	[tilespmem:$0x1F450] =	vst v63  }
0x3f: {  	_ =	swait.ge [sflag:s22], $0x2400  }
0x40: {  	[sflag:s22] =	ssyncset.done $0x0  }
0x41: {  	[sflag:s22] =	ssyncadd.s32 $0xFFFFDC00  }
0x42: {  	[spmem:s12] =	stream.linear.scatter [tilespmem:s21], [sflag:$0x9], $0x2400, $0x38;
	[tilespmem:$0x1F450] =	vst v63  }
0x43: {  	_ =	swait.ge [sflag:s22], $0x2400  }
0x44: {  	[sflag:s22] =	ssyncset.done $0x0  }
0x45: {  	[sflag:s22] =	ssyncadd.s32 $0xFFFFDC00  }
0x46: {  	[spmem:s13] =	stream.linear.scatter [tilespmem:s21], [sflag:$0x9], $0x2400, $0x38;
	[tilespmem:$0x1F450] =	vst v63  }
0x47: {  	_ =	swait.ge [sflag:s22], $0x2400  }
0x48: {  	[sflag:s22] =	ssyncset.done $0x0  }
0x49: {  	[sflag:s22] =	ssyncadd.s32 $0xFFFFDC00  }
0x4a: {  	[spmem:s14] =	stream.linear.scatter [tilespmem:s21], [sflag:$0x9], $0x2400, $0x38;
	[tilespmem:$0x1F450] =	vst v63  }
0x4b: {  	_ =	swait.ge [sflag:s22], $0x2400  }
0x4c: {  	[sflag:s22] =	ssyncset.done $0x0  }
0x4d: {  	[sflag:s22] =	ssyncadd.s32 $0xFFFFDC00  }
0x4e: {  	[spmem:s15] =	stream.linear.scatter [tilespmem:s21], [sflag:$0x9], $0x1900, $0x38;
	[tilespmem:$0x1F450] =	vst v63  }
0x4f: {  	_ =	swait.ge [sflag:s22], $0x1900  }
0x50: {  	[sflag:s22] =	ssyncset.done $0x0  }
0x51: {  	[sflag:s22] =	ssyncadd.s32 $0xFFFFE700  }
0x52: {  	s6 =	simm.s32 $0x0;
	[bflag:$0x0] =	sbarrier.arrive $0xFFFF  }
0x53: {  	[tilespmem:s21], [sflag:$0x3] =	stream.indirect.gather [hbm4b:s1+s23], $0x80, s6, s23, $0xb8;
	[tilespmem:$0x1F450] =	vst v63  }
0x54: {  	_ = 	snop  }
0x55: {  	[tilespmem:s24], [sflag:$0x4] =	stream.indirect.gather [hbm4b:s1+s23], $0x80, s23, s23, $0xb8;
	[tilespmem:$0x1F450] =	vst v63  }
0x56: {  	s5 =	simm.s32 $0x90  }
0x57: {  	[tilespmem:s26], [sflag:$0x5] =	stream.indirect.gather [hbm4b:s1+s23], $0x80, s5, s23, $0xb8;
	[tilespmem:$0x1F450] =	vst v63  }
0x58: {  	_ =	swait.ge [sflag:s28], $0x2400  }
0x59: {  	[sflag:s28] =	ssyncset.done $0x0  }
0x5a: {  	s6 =	simm.s32 $0x27A8;
	[sflag:s28] =	ssyncadd.s32 $0xFFFFDC00  }
0x5b: {  	[spmem:s3] =	stream.indirect.scatter.add.f32 [tilespmem:s21], [sflag:$0x6], $0x80, s6, s23, $0xb8;
	[tilespmem:$0x1F450] =	vst v63  }
0x5c: {  	_ =	swait.ge [sflag:s29], $0x2400  }
0x5d: {  	[sflag:s29] =	ssyncset.done $0x0  }
0x5e: {  	s5 =	simm.s32 $0x27F0;
	[sflag:s29] =	ssyncadd.s32 $0xFFFFDC00  }
0x5f: {  	[spmem:s3] =	stream.indirect.scatter.add.f32 [tilespmem:s24], [sflag:$0x7], $0x80, s5, s23, $0xb8;
	[tilespmem:$0x1F450] =	vst v63  }
0x60: {  	_ =	swait.ge [sflag:s30], $0x2400  }
0x61: {  	[sflag:s30] =	ssyncset.done $0x0  }
0x62: {  	s6 =	simm.s32 $0x2838;
	[sflag:s30] =	ssyncadd.s32 $0xFFFFDC00  }
0x63: {  	[spmem:s3] =	stream.indirect.scatter.add.f32 [tilespmem:s26], [sflag:$0x8], $0x80, s6, s23, $0xb8;
	[tilespmem:$0x1F450] =	vst v63  }
0x64: {  	_ =	swait.ge [sflag:s31], $0x2400  }
0x65: {  	[sflag:s31] =	ssyncset.done $0x0  }
0x66: {  	s5 =	simm.s32 $0xD8;
	[sflag:s31] =	ssyncadd.s32 $0xFFFFDC00  }
0x67: {  	[tilespmem:s21], [sflag:$0x3] =	stream.indirect.gather [hbm4b:s1+s23], $0x80, s5, s23, $0xb8;
	[tilespmem:$0x1F450] =	vst v63  }
0x68: {  	_ =	swait.ge [sflag:s2], $0x2400  }
0x69: {  	[sflag:s2] =	ssyncset.done $0x0  }
0x6a: {  	s6 =	simm.s32 $0x120;
	[sflag:s2] =	ssyncadd.s32 $0xFFFFDC00  }
0x6b: {  	[tilespmem:s24], [sflag:$0x4] =	stream.indirect.gather [hbm4b:s1+s23], $0x80, s6, s23, $0xb8;
	[tilespmem:$0x1F450] =	vst v63  }
0x6c: {  	_ =	swait.ge [sflag:s0], $0x2400  }
0x6d: {  	[sflag:s0] =	ssyncset.done $0x0  }
0x6e: {  	s4 =	simm.s32 $0x360;
	s5 =	simm.s32 $0x168;
	[sflag:s0] =	ssyncadd.s32 $0xFFFFDC00  }
.LBB2_4:
0x6f: {  	[tilespmem:s26], [sflag:$0x5] =	stream.indirect.gather [hbm4b:s1+s23], $0x80, s5, s23, $0xb8;
	[tilespmem:$0x1F450] =	vst v63  }
0x70: {  	s5 =	smov.u32 s4;
	s4 =	sadd.s32 $0x360, s4;
	_ =	swait.ge [sflag:s28], $0x2400  }
0x71: {  	s5 =	sshra.s32 s5, $0x2;
	p0 =	sne.s32 s4, $0x97E0;
	[sflag:s28] =	ssyncset.done $0x0  }
0x72: {  	s6 =	sadd.s32 $0x27A8, s5;
	[sflag:s28] =	ssyncadd.s32 $0xFFFFDC00  }
0x73: {  	[spmem:s3] =	stream.indirect.scatter.add.f32 [tilespmem:s21], [sflag:$0x6], $0x80, s6, s23, $0xb8;
	[tilespmem:$0x1F450] =	vst v63  }
0x74: {  	_ =	swait.ge [sflag:s29], $0x2400  }
0x75: {  	[sflag:s29] =	ssyncset.done $0x0  }
0x76: {  	s6 =	sadd.s32 $0x27F0, s5;
	[sflag:s29] =	ssyncadd.s32 $0xFFFFDC00  }
0x77: {  	[spmem:s3] =	stream.indirect.scatter.add.f32 [tilespmem:s24], [sflag:$0x7], $0x80, s6, s23, $0xb8;
	[tilespmem:$0x1F450] =	vst v63  }
0x78: {  	_ =	swait.ge [sflag:s30], $0x2400  }
0x79: {  	[sflag:s30] =	ssyncset.done $0x0  }
0x7a: {  	s6 =	sadd.s32 $0x2838, s5;
	[sflag:s30] =	ssyncadd.s32 $0xFFFFDC00  }
0x7b: {  	[spmem:s3] =	stream.indirect.scatter.add.f32 [tilespmem:s26], [sflag:$0x8], $0x80, s6, s23, $0xb8;
	[tilespmem:$0x1F450] =	vst v63  }
0x7c: {  	_ =	swait.ge [sflag:s31], $0x2400  }
0x7d: {  	[sflag:s31] =	ssyncset.done $0x0  }
0x7e: {  	s6 =	sadd.s32 $0xD8, s5;
	[sflag:s31] =	ssyncadd.s32 $0xFFFFDC00  }
0x7f: {  	[tilespmem:s21], [sflag:$0x3] =	stream.indirect.gather [hbm4b:s1+s23], $0x80, s6, s23, $0xb8;
	[tilespmem:$0x1F450] =	vst v63  }
0x80: {  	_ =	swait.ge [sflag:s2], $0x2400  }
0x81: {  	[sflag:s2] =	ssyncset.done $0x0  }
.Ltmp1:
0x82: {  	s6 =	sadd.s32 $0x120, s5;
	[sflag:s2] =	ssyncadd.s32 $0xFFFFDC00;
	(pc) =	sbr.rel @p0 .LBB2_4-.Ltmp1, $4  }
0x83: {  	[tilespmem:s24], [sflag:$0x4] =	stream.indirect.gather [hbm4b:s1+s23], $0x80, s6, s23, $0xb8;
	[tilespmem:$0x1F450] =	vst v63  }
0x84: {  	_ =	swait.ge [sflag:s0], $0x2400  }
0x85: {  	[sflag:s0] =	ssyncset.done $0x0  }
0x86: {  	s5 =	sadd.s32 $0x168, s5;
	[sflag:s0] =	ssyncadd.s32 $0xFFFFDC00  }
0x87: {  	[tilespmem:s26], [sflag:$0x5] =	stream.indirect.gather [hbm4b:s1+s23], $0x80, s5, s23, $0xb8;
	[tilespmem:$0x1F450] =	vst v63  }
0x88: {  	_ =	swait.ge [sflag:s28], $0x2400  }
0x89: {  	s4 =	sshra.s32 s4, $0x2;
	[sflag:s28] =	ssyncset.done $0x0  }
0x8a: {  	s6 =	sadd.s32 $0x27A8, s4;
	[sflag:s28] =	ssyncadd.s32 $0xFFFFDC00  }
0x8b: {  	[spmem:s3] =	stream.indirect.scatter.add.f32 [tilespmem:s21], [sflag:$0x6], $0x80, s6, s23, $0xb8;
	[tilespmem:$0x1F450] =	vst v63  }
0x8c: {  	_ =	swait.ge [sflag:s29], $0x2400  }
0x8d: {  	[sflag:s29] =	ssyncset.done $0x0  }
0x8e: {  	s6 =	sadd.s32 $0x27F0, s4;
	[sflag:s29] =	ssyncadd.s32 $0xFFFFDC00  }
0x8f: {  	[spmem:s3] =	stream.indirect.scatter.add.f32 [tilespmem:s24], [sflag:$0x7], $0x80, s6, s23, $0xb8;
	[tilespmem:$0x1F450] =	vst v63  }
0x90: {  	_ =	swait.ge [sflag:s30], $0x2400  }
0x91: {  	[sflag:s30] =	ssyncset.done $0x0  }
0x92: {  	s6 =	sadd.s32 $0x2838, s4;
	[sflag:s30] =	ssyncadd.s32 $0xFFFFDC00  }
0x93: {  	[spmem:s3] =	stream.indirect.scatter.add.f32 [tilespmem:s26], [sflag:$0x8], $0x80, s6, s23, $0xb8;
	[tilespmem:$0x1F450] =	vst v63  }
0x94: {  	_ =	swait.ge [sflag:s31], $0x2400  }
0x95: {  	[sflag:s31] =	ssyncset.done $0x0  }
0x96: {  	s6 =	sadd.s32 $0xD8, s4;
	[sflag:s31] =	ssyncadd.s32 $0xFFFFDC00  }
0x97: {  	[tilespmem:s21], [sflag:$0x3] =	stream.indirect.gather [hbm4b:s1+s23], $0x80, s6, s23, $0xb8;
	[tilespmem:$0x1F450] =	vst v63  }
0x98: {  	_ =	swait.ge [sflag:s2], $0x2400  }
0x99: {  	[sflag:s2] =	ssyncset.done $0x0  }
0x9a: {  	s6 =	sadd.s32 $0x120, s4;
	[sflag:s2] =	ssyncadd.s32 $0xFFFFDC00  }
0x9b: {  	[tilespmem:s24], [sflag:$0x4] =	stream.indirect.gather [hbm4b:s1+s23], $0x80, s6, s23, $0xb8;
	[tilespmem:$0x1F450] =	vst v63  }
0x9c: {  	_ =	swait.ge [sflag:s0], $0x2400  }
0x9d: {  	[sflag:s0] =	ssyncset.done $0x0  }
0x9e: {  	s4 =	sadd.s32 $0x168, s4;
	[sflag:s0] =	ssyncadd.s32 $0xFFFFDC00  }
0x9f: {  	[tilespmem:s26], [sflag:$0x5] =	stream.indirect.gather [hbm4b:s1+s23], $0x80, s4, s23, $0xb8;
	[tilespmem:$0x1F450] =	vst v63  }
0xa0: {  	_ =	swait.ge [sflag:s28], $0x2400  }
0xa1: {  	[sflag:s28] =	ssyncset.done $0x0  }
0xa2: {  	s6 =	simm.s32 $0x4E78;
	[sflag:s28] =	ssyncadd.s32 $0xFFFFDC00  }
0xa3: {  	[spmem:s3] =	stream.indirect.scatter.add.f32 [tilespmem:s21], [sflag:$0x6], $0x80, s6, s23, $0xb8;
	[tilespmem:$0x1F450] =	vst v63  }
0xa4: {  	_ =	swait.ge [sflag:s29], $0x2400  }
0xa5: {  	[sflag:s29] =	ssyncset.done $0x0  }
0xa6: {  	s5 =	simm.s32 $0x4EC0;
	[sflag:s29] =	ssyncadd.s32 $0xFFFFDC00  }
0xa7: {  	[spmem:s3] =	stream.indirect.scatter.add.f32 [tilespmem:s24], [sflag:$0x7], $0x80, s5, s23, $0xb8;
	[tilespmem:$0x1F450] =	vst v63  }
0xa8: {  	_ =	swait.ge [sflag:s30], $0x2400  }
0xa9: {  	[sflag:s30] =	ssyncset.done $0x0  }
0xaa: {  	s6 =	simm.s32 $0x4F08;
	[sflag:s30] =	ssyncadd.s32 $0xFFFFDC00  }
0xab: {  	[spmem:s3] =	stream.indirect.scatter.add.f32 [tilespmem:s26], [sflag:$0x8], $0x80, s6, s23, $0xb8;
	[tilespmem:$0x1F450] =	vst v63  }
0xac: {  	_ =	swait.ge [sflag:s31], $0x2400  }
0xad: {  	[sflag:s31] =	ssyncset.done $0x0  }
0xae: {  	[sflag:s31] =	ssyncadd.s32 $0xFFFFDC00  }
0xaf: {  	[tilespmem:s21], [sflag:$0x3] =	stream.indirect.gather [hbm4b:s1+s23], $0x80, s25, s23, $0xb8;
	[tilespmem:$0x1F450] =	vst v63  }
0xb0: {  	_ =	swait.ge [sflag:s2], $0x2400  }
0xb1: {  	[sflag:s2] =	ssyncset.done $0x0  }
0xb2: {  	[sflag:s2] =	ssyncadd.s32 $0xFFFFDC00  }
0xb3: {  	[tilespmem:s24], [sflag:$0x4] =	stream.indirect.gather [hbm4b:s1+s23], $0x80, s25, s23, $0xb8;
	[tilespmem:$0x1F450] =	vst v63  }
0xb4: {  	_ =	swait.ge [sflag:s0], $0x2400  }
0xb5: {  	[sflag:s0] =	ssyncset.done $0x0  }
0xb6: {  	[sflag:s0] =	ssyncadd.s32 $0xFFFFDC00  }
0xb7: {  	[tilespmem:s26], [sflag:$0x5] =	stream.indirect.gather [hbm4b:s1+s23], $0x80, s25, s23, $0xb8;
	[tilespmem:$0x1F450] =	vst v63  }
0xb8: {  	_ =	swait.ge [sflag:s28], $0x2400  }
0xb9: {  	[sflag:s28] =	ssyncset.done $0x0  }
0xba: {  	[sflag:s28] =	ssyncadd.s32 $0xFFFFDC00  }
0xbb: {  	_ =	swait.ge [sflag:s29], $0x2400  }
0xbc: {  	[sflag:s29] =	ssyncset.done $0x0  }
0xbd: {  	[sflag:s29] =	ssyncadd.s32 $0xFFFFDC00  }
0xbe: {  	s5 =	stileid.u32;
	_ =	swait.ge [sflag:s30], $0x2400  }
0xbf: {  	s19 =	sadd.s32 $0x1, s19;
	s4 =	sshll.u32 s5, $0x6;
	[sflag:s30] =	ssyncset.done $0x0  }
0xc0: {  	p0 =	sne.s32 s19, s17;
	s4 =	sor.u32 $0x1C09, s4;
	[sflag:s30] =	ssyncadd.s32 $0xFFFFDC00  }
.Ltmp2:
0xc1: {  	s6 =	sshrl.u32 s7, $0x3;
	[bflag:$0x0] =	sbarrier.arrive $0xFFFF;
	(pc) =	sbr.rel @p0 .LBB2_1-.Ltmp2, $4  }
0xc2: {  	[hbm:s16], [sflag:s4] =	dma.local [spmem:s6], $0x2720  }
0xc3: {  	_ =	swait.ge [sflag:s22], $0x2720  }
0xc4: {  	[sflag:s22] =	ssyncset.done $0x0  }
0xc5: {  	[sflag:s22] =	ssyncadd.s32 $0xFFFFD8E0  }
0xc6: {  	_ =	sfence.sel $0x180000  }
0xc7: {  	[bflag:$0x0] =	sbarrier.arrive $0xFFFF  }
0xc8: {  	_ =	strace $0x9000004A  }
0xc9: {  	s0 =	stileid.u32;
	[bflag:$0x2] =	sbarrier.arrive $0xFFFF  }
0xca: {  	p0 =	sne.s32 s0, $0x0;
	s0 =	rddreg [dreg:$0x5]  }
0xcb: {  	s0 =	sadd.s32 @!p0 $0x100000, s0  }
0xcc: {  	[sflag:s0] =	ssyncadd.tile.s32 @!p0 $0x1;
	_ =	shalt  }
.Lfunc_end2:
_tile_overlayer_lowered:
.L_overlay_start_2:
0xcd: {  	(tag) =	ssettag $0x2  }
0xce: {  	s0 =	rddreg [dreg:$0x0];
	s2 =	stileid.u32  }
0xcf: {  	s1 =	rddreg [dreg:$0x1];
	p0 =	sne.s32 s2, $0x0  }
0xd0: {  	s3 =	rddreg [dreg:$0x2];
	[bflag:$0x3] =	sbarrier.arrive $0xFFFF;
	s2 =	simm.s32 @!p0 $0x1C09  }
0xd1: {  	[timem:s3], [sflag:s2] =	dma.local @!p0 [hbm:s0], s1  }
0xd2: {  	s0 =	simm.s32 @!p0 $0x9  }
0xd3: {  	_ =	swait.ge @!p0 [sflag:s0], s1  }
0xd4: {  	s1 =	ssub.s32 @!p0 $0x0, s1;
	[sflag:s0] =	ssyncset.done @!p0 $0x0  }
0xd5: {  	[sflag:s0] =	ssyncadd.s32 @!p0 s1  }
0xd6: {  	[bflag:$0x3] =	sbarrier.arrive $0xFFFF  }
0xd7: {  	_ =	shalt  }

// kernel: kernel.14.cloned.1.call-start
scs
__scs_entry_jumppad:
0x0: {  	(pc) =	sbr.rel $0x88, $3  }
0x1: {  	(tag) =	ssettag $0x0;
	lr =	simm.s32 $0x1  }
0x2: {  	[smem:$0x3F93] =	sst lr;
	_ =	strace $0xD0000000  }
0x3: {  	_ = 	snop  }
0x4: {  	_ = 	snop  }
0x5: {  	_ = 	snop  }
0x6: {  	_ = 	snop  }
0x7: {  	_ = 	snop  }
__scs_overlays_trampoline_lowered:
0x8: {  	[smem:$0x3FA2] =	sst s0  }
0x9: {  	[smem:$0x3FA3] =	sst s1  }
0xa: {  	[smem:$0x3FA4] =	sst s2  }
0xb: {  	[smem:$0x3FA5] =	sst s3  }
0xc: {  	[smem:$0x3FA6] =	sst s4  }
0xd: {  	[smem:$0x3FA7] =	sst s5  }
0xe: {  	[smem:$0x3FA8] =	sst s6  }
0xf: {  	[smem:$0x3FA9] =	sst s7  }
0x10: {  	[smem:$0x3FAA] =	sst s8  }
0x11: {  	[smem:$0x3FAB] =	sst s9;
	s0 =	simm.s32 @!p0 $0x0  }
0x12: {  	s1 =	sld [smem:$0x3F91];
	s0 =	simm.s32 @p0 $0x1  }
0x13: {  	[smem:$0x3FAC] =	sst s0;
	s0 =	simm.s32 @!p1 $0x0  }
0x14: {  	s2 =	sld [smem:$0x3F90];
	s0 =	simm.s32 @p1 $0x1  }
0x15: {  	[smem:$0x3FAD] =	sst s0;
	s0 =	simm.s32 @!p2 $0x0  }
0x16: {  	s3 =	sld [smem:$0x3FDB];
	s0 =	simm.s32 @p2 $0x1  }
0x17: {  	s4 =	simm.s32 $0x1BF5;
	[smem:$0x3FAF] =	sst s0  }
0x18: {  	s0 =	sld [smem:$0x3F92];
	_ =	swait.ge [sflag:s4], $0x0  }
0x19: {  	s7 =	sld [smem:$0x3F93]  }
0x1a: {  	s8 =	sadd.s32 $0xFFFFE003, lr  }
0x1b: {  	s9 =	sadd.s32 $0xFFFFFEF7, lr;
	s5 =	simm.s32 $0xFFFFFFFF;
	p2 =	slt.u32 s8, $0xFFFFF086  }
0x1c: {  	p1 =	slt.u32 s9, $0xF7A;
	s5 =	simm.s32 @!p2 $0x0  }
0x1d: {  	s5 =	simm.s32 @p1 $0x1;
	p0 =	seq.s32 s7, s2  }
0x1e: {  	s7 =	smul.u32 @!p0 $0xF7A, s2;
	p2 =	seq.s32 @!p0 s5, $0x0  }
0x1f: {  	s9 =	smul.u32 $0xF7A, s1;
	s8 =	simm.s32 @!p0 $0x1BF5;
	p2 =	por !p2, p0  }
0x20: {  	[sflag:s8] =	ssyncset.s32 @!p0 $0xFFFFF086;
	s6 =	sadd.s32 @!p0 s3, s7;
	s7 =	simm.s32 @!p0 $0x108  }
0x21: {  	s3 =	sadd.s32 s3, s9;
	s6 =	sadd.s32 @!p0 $0x88, s6;
	s7 =	simm.s32 @p2 $0x1082  }
0x22: {  	[simem:s7], [sflag:s8] =	dma.local @!p0 [hbm:s6], $0xF7A  }
0x23: {  	s9 =	sor.u32 $0xD0000000, s2;
	s6 =	simm.s32 $0x108;
	_ =	swait.ge @!p0 [sflag:s8], $0x0  }
0x24: {  	s3 =	sadd.s32 $0x88, s3;
	s6 =	simm.s32 @!p1 $0x1082;
	[sflag:s4] =	ssyncset.s32 $0xFFFFF086  }
0x25: {  	[simem:s6], [sflag:s4] =	dma.local [hbm:s3], $0xF7A  }
0x26: {  	[smem:$0x3F93] =	sst s1;
	(tag) =	ssettag s2;
	_ =	strace s9  }
0x27: {  	s1 =	sld [smem:$0x3FA3]  }
0x28: {  	s2 =	sld [smem:$0x3FA4]  }
0x29: {  	s4 =	sld [smem:$0x3FA6]  }
0x2a: {  	p0 =	seq.s32 s5, $0x0;
	s5 =	sld [smem:$0x3FA7]  }
0x2b: {  	s6 =	sld [smem:$0x3FA8]  }
0x2c: {  	s7 =	sld [smem:$0x3FA9]  }
0x2d: {  	s3 =	simm.s32 $0x108;
	s8 =	sld [smem:$0x3FAA]  }
0x2e: {  	s3 =	simm.s32 @!p0 $0x1082;
	s9 =	sld [smem:$0x3FAB]  }
0x2f: {  	lr =	sadd.s32 s0, s3;
	s0 =	sld [smem:$0x3FA2]  }
0x30: {  	s3 =	sld [smem:$0x3FA5]  }
0x31: {  	[smem:$0x3FAE] =	sst s10  }
0x32: {  	s10 =	sld [smem:$0x3FAC];
	_ =	sdelay $0x3  }
0x33: {  	p0 =	seq.s32 s10, $0x1;
	s10 =	sld [smem:$0x3FAE];
	_ =	sdelay $0x3  }
0x34: {  	[smem:$0x3FAE] =	sst s10  }
0x35: {  	s10 =	sld [smem:$0x3FAD];
	_ =	sdelay $0x3  }
0x36: {  	p1 =	seq.s32 s10, $0x1;
	s10 =	sld [smem:$0x3FAE];
	_ =	sdelay $0x3  }
0x37: {  	[smem:$0x3FAE] =	sst s10  }
0x38: {  	s10 =	sld [smem:$0x3FAF]  }
0x39: {  	_ = 	snop;
	(pc) =	sbr.ind lr, $3  }
0x3a: {  	_ = 	snop  }
0x3b: {  	_ = 	snop  }
0x3c: {  	p2 =	seq.s32 s10, $0x1;
	s10 =	sld [smem:$0x3FAE]  }
0x3d: {  	_ =	shalt  }
0x3e: {  	_ =	shalt  }
0x3f: {  	_ =	shalt  }
0x40: {  	_ =	shalt  }
0x41: {  	_ =	shalt  }
0x42: {  	_ =	shalt  }
0x43: {  	_ =	shalt  }
0x44: {  	_ =	shalt  }
0x45: {  	_ =	shalt  }
0x46: {  	_ =	shalt  }
0x47: {  	_ =	shalt  }
0x48: {  	_ =	shalt  }
0x49: {  	_ =	shalt  }
0x4a: {  	_ =	shalt  }
0x4b: {  	_ =	shalt  }
0x4c: {  	_ =	shalt  }
0x4d: {  	_ =	shalt  }
0x4e: {  	_ =	shalt  }
0x4f: {  	_ =	shalt  }
0x50: {  	_ =	shalt  }
0x51: {  	_ =	shalt  }
0x52: {  	_ =	shalt  }
0x53: {  	_ =	shalt  }
0x54: {  	_ =	shalt  }
0x55: {  	_ =	shalt  }
0x56: {  	_ =	shalt  }
0x57: {  	_ =	shalt  }
0x58: {  	_ =	shalt  }
0x59: {  	_ =	shalt  }
0x5a: {  	_ =	shalt  }
0x5b: {  	_ =	shalt  }
0x5c: {  	_ =	shalt  }
0x5d: {  	_ =	shalt  }
0x5e: {  	_ =	shalt  }
0x5f: {  	_ =	shalt  }
0x60: {  	_ =	shalt  }
0x61: {  	_ =	shalt  }
0x62: {  	_ =	shalt  }
0x63: {  	_ =	shalt  }
0x64: {  	_ =	shalt  }
0x65: {  	_ =	shalt  }
0x66: {  	_ =	shalt  }
0x67: {  	_ =	shalt  }
0x68: {  	_ =	shalt  }
0x69: {  	_ =	shalt  }
0x6a: {  	_ =	shalt  }
0x6b: {  	_ =	shalt  }
0x6c: {  	_ =	shalt  }
0x6d: {  	_ =	shalt  }
0x6e: {  	_ =	shalt  }
0x6f: {  	_ =	shalt  }
0x70: {  	_ =	shalt  }
0x71: {  	_ =	shalt  }
0x72: {  	_ =	shalt  }
0x73: {  	_ =	shalt  }
0x74: {  	_ =	shalt  }
0x75: {  	_ =	shalt  }
0x76: {  	_ =	shalt  }
0x77: {  	_ =	shalt  }
0x78: {  	_ =	shalt  }
0x79: {  	_ =	shalt  }
0x7a: {  	_ =	shalt  }
0x7b: {  	_ =	shalt  }
0x7c: {  	_ =	shalt  }
0x7d: {  	_ =	shalt  }
0x7e: {  	_ =	shalt  }
0x7f: {  	_ =	shalt  }
0x80: {  	_ =	shalt  }
0x81: {  	_ =	shalt  }
0x82: {  	_ =	shalt  }
0x83: {  	_ =	shalt  }
0x84: {  	_ =	shalt  }
0x85: {  	_ =	shalt  }
0x86: {  	_ =	shalt  }
0x87: {  	_ =	shalt  }
.Lfunc_end0:
.L_simem_size_0:
called_computation.2_lowered:
.L_overlay_start_0:
0x88: {  	s2 =	sld [smem:$0x3FD9]  }
0x89: {  	s3 =	sld [smem:$0x3FFE];
	_ =	sdelay $0x1  }
0x8a: {  	s1 =	srdreg.scid  }
0x8b: {  	s0 =	sand.u32 $0x1, s1  }
0x8c: {  	s14 =	sshll.u32 s0, $0xA;
	s2 =	sadd.s32 s3, s2  }
0x8d: {  	s2 =	sadd.s32 s2, s14  }
0x8e: {  	[smem:$0x3FBA] =	sst s2  }
0x8f: {  	_ = 	snop  }
0x90: {  	s2 =	sld [smem:$0x3FD0];
	_ =	sdelay $0x2  }
0x91: {  	s15 =	simm.s32 $0xA;
	s4 =	simm.s32 $0x10  }
0x92: {  	[smem:s4], [sflag:s15] =	dma.local [hbm:s2], $0x1  }
0x93: {  	_ =	swait.eq [sflag:s15], $0x1  }
0x94: {  	s16 =	sld [smem:$0x12];
	[sflag:s15] =	ssyncset.done $0x0  }
0x95: {  	s17 =	sld [smem:$0x13];
	[sflag:s15] =	ssyncadd.s32 $0xFFFFFFFF  }
0x96: {  	s18 =	sld [smem:$0x14];
	(tm) =	ssettm $0x1  }
0x97: {  	s5 =	sld [smem:$0x3FFB];
	_ =	sdelay $0x3  }
0x98: {  	_ =	strace s5  }
0x99: {  	s5 =	sld [smem:$0x3FFC];
	_ =	sdelay $0x3  }
0x9a: {  	_ =	strace s5  }
0x9b: {  	s5 =	sld [smem:$0x3FFD];
	_ =	sdelay $0x3  }
0x9c: {  	_ =	strace s5  }
0x9d: {  	_ =	strace $0x8FFFFFFF  }
0x9e: {  	s19 =	sld [smem:$0x3FDB];
	_ =	sdelay $0x1  }
0x9f: {  	s6 =	simm.s32 $_scs_section_size  }
0xa0: {  	s7 =	simm.s32 $_size__tile_overlayer_lowered;
	s8 =	simm.s32 $_tile_overlayer_lowered  }
0xa1: {  	s22 =	simm.s32 $0x1BFF;
	s21 =	sshll.u32 s8, $0x1;
	s5 =	sadd.s32 s6, s19  }
0xa2: {  	s9 =	simm.s32 $0x0;
	s20 =	sshll.u32 s7, $0x1;
	s7 =	sadd.s32 s21, s5  }
0xa3: {  	[timem:s9], [sflag:s22] =	dma.local [hbm:s7], s20  }
0xa4: {  	_ =	swait.ge [sflag:s22], s20  }
0xa5: {  	s6 =	ssub.s32 $0x0, s20;
	[sflag:s22] =	ssyncset.done $0x0  }
0xa6: {  	[sflag:s22] =	ssyncadd.s32 s6;
	_ =	sdelay $0x1  }
0xa7: {  	s23 =	simm.s32 $0x1B8B  }
0xa8: {  	_ =	swait.ge [sflag:s23], $0x1  }
0xa9: {  	[sflag:s23] =	ssyncset.done $0x0  }
0xaa: {  	s25 =	simm.s32 $0x1B8E;
	s24 =	sld [smem:$0x3FFE];
	[sflag:s23] =	ssyncadd.s32 $0xFFFFFFFF  }
0xab: {  	s26 =	simm.s32 $execute0_lowered;
	[smem:$0x3FD2] =	sst s25  }
0xac: {  	s7 =	sshll.u32 s26, $0x1;
	_ =	strace $0x8000004C;
	[dreg:$0x1] =	wrdreg $0xFFFFFFFF  }
0xad: {  	s28 =	simm.s32 $_size_execute0_lowered;
	s5 =	sadd.s32 s5, s7;
	[dreg:$0x0] =	wrdreg $0x0  }
0xae: {  	s7 =	sshll.u32 s28, $0x1;
	[dreg:$0x2] =	wrdreg s5  }
0xaf: {  	[dreg:$0x3] =	wrdreg s7  }
0xb0: {  	[dreg:$0x4] =	wrdreg $0xC0  }
0xb1: {  	_ =	task [dreg:s9], $0x5FFFF  }
0xb2: {  	[dreg:$0x1] =	wrdreg $0xFFFFFFFF  }
0xb3: {  	[dreg:$0x0] =	wrdreg $0x60  }
0xb4: {  	[dreg:$0x2] =	wrdreg s18  }
0xb5: {  	[dreg:$0x3] =	wrdreg s16  }
0xb6: {  	[dreg:$0x4] =	wrdreg s17  }
0xb7: {  	[dreg:$0x5] =	wrdreg s24  }
0xb8: {  	[dreg:$0x6] =	wrdreg $0xBB500  }
0xb9: {  	[dreg:$0x7] =	wrdreg $0x9  }
0xba: {  	_ =	task.clear_ibuf [dreg:s9], $0x8FFFF;
	_ =	strace $0x9000004C  }
0xbb: {  	s29 =	simm.s32 $0x9;
	_ =	strace $0x8000004E  }
0xbc: {  	_ =	swait.ge [sflag:s29], $0x1  }
0xbd: {  	[sflag:s29] =	ssyncadd.s32 $0xFFFFFFFF  }
0xbe: {  	_ =	strace $0x9000004E  }
0xbf: {  	_ =	sfence  }
0xc0: {  	s30 =	sld [smem:$0x0];
	_ =	sdelay $0x2  }
0xc1: {  	s31 =	sshll.u32 s1, $0xD;
	s1 =	sshrl.u32 s1, $0x2  }
0xc2: {  	s3 =	sand.u32 $0x4000, s31;
	s1 =	sadd.s32 s1, s30  }
0xc3: {  	s0 =	sor.u32 s3, s0;
	s1 =	sshll.u32 s1, $0x11  }
0xc4: {  	s0 =	sor.u32 s1, s0  }
0xc5: {  	s0 =	sadd.s32 $0x8F2B, s0  }
0xc6: {  	[sflag:s0] =	ssyncadd.remote.s32 $0x1  }
0xc7: {  	_ =	sfence.sel $0xFFFF  }
0xc8: {  	[dreg:$0x0] =	wrdreg $0xFFFFFFFF;
	(pc) =	sbr.abs _section_cstart, $3  }
0xc9: {  	[dreg:$0x1] =	wrdreg $0xFFFFFFFF  }
0xca: {  	_ =	task.clear_ibuf [dreg:s9], $0x2FFFF;
	_ =	strace $0x9FFFFFFF  }
0xcb: {  	(tm) =	ssettm $0x7FFFFFFF  }
tec
execute0_lowered:
.L_overlay_start_1:
0x0: {  	(tag) =	ssettag $0x1  }
0x1: {  	s1 =	rddreg [dreg:$0x0]  }
0x2: {  	s0 =	rddreg [dreg:$0x1]  }
0x3: {  	s2 =	rddreg [dreg:$0x2];
	s3 =	srdreg.scid  }
0x4: {  	s9 =	stileid.u32;
	s4 =	rddreg [dreg:$0x3];
	s10 =	simm.s32 $0x0  }
0x5: {  	s18 =	simm.s32 $0x1;
	s20 =	simm.s32 $0x2;
	s21 =	simm.s32 $0x4F50  }
0x6: {  	s22 =	simm.s32 $0x9;
	s23 =	simm.s32 $0x48;
	s24 =	simm.s32 $0x7350  }
0x7: {  	s28 =	simm.s32 $0x3;
	s29 =	simm.s32 $0x4;
	s30 =	simm.s32 $0x5  }
0x8: {  	s31 =	simm.s32 $0x6;
	s5 =	sand.u32 $0x1, s3;
	s3 =	rddreg [dreg:$0x4]  }
0x9: {  	s19 =	simm.s32 $0x0;
	s7 =	smul.u32 $0x13900, s9;
	[smem:$0x7FF] =	sst s10  }
0xa: {  	s6 =	smul.u32 $0x139000, s5;
	s8 =	sshll.u32 s5, $0x4;
	s5 =	ssub.s32 $0x2, s5  }
0xb: {  	_ =	strace $0x8000004D;
	s8 =	sor.u32 s9, s8;
	s9 =	smul.u32 $0x4E400, s9  }
0xc: {  	s25 =	sshrl.u32 s5, $0x1;
	s6 =	sadd.s32 s7, s6;
	s8 =	smul.u32 $0x4F5, s8  }
0xd: {  	s5 =	ssub.s32 s5, s25;
	s7 =	sadd.s32 s7, s3;
	s25 =	simm.s32 $0x2760  }
0xe: {  	s6 =	sshrl.u32 s6, $0x3;
	s26 =	sshrl.u32 s9, $0x2;
	s0 =	sadd.s32 s0, s8  }
0xf: {  	s17 =	smax.u32 s5, $0x1;
	s2 =	sadd.s32 s2, s8;
	[dreg:$0x6] =	wrdreg s0  }
0x10: {  	s4 =	sadd.s32 s6, s4;
	[dreg:$0x7] =	wrdreg s2;
	s0 =	sadd.s32 s26, s3  }
0x11: {  	s16 =	sadd.s32 $0x3A00, s4;
	s26 =	simm.s32 $0x9750;
	s2 =	simm.s32 $0x7  }
0x12: {  	s8 =	sadd.s32 $0x2400, s0;
	s9 =	sadd.s32 $0x4800, s0;
	s10 =	sadd.s32 $0x6C00, s0  }
0x13: {  	s11 =	sadd.s32 $0x9000, s0;
	s12 =	sadd.s32 $0xB400, s0;
	s13 =	sadd.s32 $0xD800, s0  }
0x14: {  	v0 =	vimm.f32 $0.0e+00;
	s14 =	sadd.s32 $0xFC00, s0;
	s15 =	sadd.s32 $0x12000, s0;
	s0 =	simm.s32 $0x8  }
.LBB2_1:
0x15: {  	s4 =	simm.s32 $0x0;
	s5 =	rddreg [dreg:$0x6]  }
0x16: {  	[tilespmem:s4], [sflag:$0x1] =	stream.linear.gather [hbm4b:s5+s4], $0x27A8, $0x38;
	[tilespmem:$0x1F450] =	vst v63  }
0x17: {  	_ =	swait.ge [sflag:s18], $0x27A8  }
0x18: {  	[sflag:s18] =	ssyncset.done $0x0  }
0x19: {  	s6 =	simm.s32 $0x27A8;
	s5 =	rddreg [dreg:$0x7];
	[sflag:s18] =	ssyncadd.s32 $0xFFFFD858  }
0x1a: {  	[tilespmem:s6], [sflag:$0x2] =	stream.linear.gather [hbm4b:s5+s4], $0x27A8, $0x38;
	[tilespmem:$0x1F450] =	vst v63  }
0x1b: {  	_ =	swait.ge [sflag:s20], $0x27A8  }
0x1c: {  	[sflag:s20] =	ssyncset.done $0x0  }
0x1d: {  	s4 =	simm.s32 $0x70;
	s5 =	simm.s32 $0x3C0;
	[sflag:s20] =	ssyncadd.s32 $0xFFFFD858  }
.LBB2_2:
0x1e: {  	p0 =	sne.s32 s5, $0x8FC0;
	[tilespmem:s4+$0x4F50] =	vst v0  }
0x1f: {  	[tilespmem:s4+$0x4EE0] =	vst v0  }
0x20: {  	[tilespmem:s4+$0x4EF0] =	vst v0  }
.Ltmp0:
0x21: {  	[tilespmem:s4+$0x4F00] =	vst v0;
	(pc) =	sbr.rel @p0 .LBB2_2-.Ltmp0, $4  }
0x22: {  	[tilespmem:s4+$0x4F10] =	vst v0  }
0x23: {  	[tilespmem:s4+$0x4F20] =	vst v0  }
0x24: {  	[tilespmem:s4+$0x4F30] =	vst v0  }
0x25: {  	[tilespmem:s4+$0x4F40] =	vst v0;
	s4 =	sshra.s32 s5, $0x2;
	s5 =	sadd.s32 $0x200, s5  }
0x26: {  	[tilespmem:s4+$0x4F50] =	vst v0  }
0x27: {  	[tilespmem:s4+$0x4EE0] =	vst v0  }
0x28: {  	[tilespmem:s4+$0x4EF0] =	vst v0  }
0x29: {  	[tilespmem:s4+$0x4F00] =	vst v0  }
0x2a: {  	[tilespmem:s4+$0x4F10] =	vst v0  }
0x2b: {  	[tilespmem:s4+$0x4F20] =	vst v0  }
0x2c: {  	[tilespmem:s4+$0x4F30] =	vst v0  }
0x2d: {  	[tilespmem:s4+$0x4F40] =	vst v0  }
0x2e: {  	[spmem:s7] =	stream.linear.scatter [tilespmem:s21], [sflag:$0x9], $0x2400, $0x38;
	[tilespmem:$0x1F450] =	vst v63  }
0x2f: {  	_ =	swait.ge [sflag:s22], $0x2400  }
0x30: {  	[sflag:s22] =	ssyncset.done $0x0  }
0x31: {  	[sflag:s22] =	ssyncadd.s32 $0xFFFFDC00  }
0x32: {  	[spmem:s8] =	stream.linear.scatter [tilespmem:s21], [sflag:$0x9], $0x2400, $0x38;
	[tilespmem:$0x1F450] =	vst v63  }
0x33: {  	_ =	swait.ge [sflag:s22], $0x2400  }
0x34: {  	[sflag:s22] =	ssyncset.done $0x0  }
0x35: {  	[sflag:s22] =	ssyncadd.s32 $0xFFFFDC00  }
0x36: {  	[spmem:s9] =	stream.linear.scatter [tilespmem:s21], [sflag:$0x9], $0x2400, $0x38;
	[tilespmem:$0x1F450] =	vst v63  }
0x37: {  	_ =	swait.ge [sflag:s22], $0x2400  }
0x38: {  	[sflag:s22] =	ssyncset.done $0x0  }
0x39: {  	[sflag:s22] =	ssyncadd.s32 $0xFFFFDC00  }
0x3a: {  	[spmem:s10] =	stream.linear.scatter [tilespmem:s21], [sflag:$0x9], $0x2400, $0x38;
	[tilespmem:$0x1F450] =	vst v63  }
0x3b: {  	_ =	swait.ge [sflag:s22], $0x2400  }
0x3c: {  	[sflag:s22] =	ssyncset.done $0x0  }
0x3d: {  	[sflag:s22] =	ssyncadd.s32 $0xFFFFDC00  }
0x3e: {  	[spmem:s11] =	stream.linear.scatter [tilespmem:s21], [sflag:$0x9], $0x2400, $0x38;
	[tilespmem:$0x1F450] =	vst v63  }
0x3f: {  	_ =	swait.ge [sflag:s22], $0x2400  }
0x40: {  	[sflag:s22] =	ssyncset.done $0x0  }
0x41: {  	[sflag:s22] =	ssyncadd.s32 $0xFFFFDC00  }
0x42: {  	[spmem:s12] =	stream.linear.scatter [tilespmem:s21], [sflag:$0x9], $0x2400, $0x38;
	[tilespmem:$0x1F450] =	vst v63  }
0x43: {  	_ =	swait.ge [sflag:s22], $0x2400  }
0x44: {  	[sflag:s22] =	ssyncset.done $0x0  }
0x45: {  	[sflag:s22] =	ssyncadd.s32 $0xFFFFDC00  }
0x46: {  	[spmem:s13] =	stream.linear.scatter [tilespmem:s21], [sflag:$0x9], $0x2400, $0x38;
	[tilespmem:$0x1F450] =	vst v63  }
0x47: {  	_ =	swait.ge [sflag:s22], $0x2400  }
0x48: {  	[sflag:s22] =	ssyncset.done $0x0  }
0x49: {  	[sflag:s22] =	ssyncadd.s32 $0xFFFFDC00  }
0x4a: {  	[spmem:s14] =	stream.linear.scatter [tilespmem:s21], [sflag:$0x9], $0x2400, $0x38;
	[tilespmem:$0x1F450] =	vst v63  }
0x4b: {  	_ =	swait.ge [sflag:s22], $0x2400  }
0x4c: {  	[sflag:s22] =	ssyncset.done $0x0  }
0x4d: {  	[sflag:s22] =	ssyncadd.s32 $0xFFFFDC00  }
0x4e: {  	[spmem:s15] =	stream.linear.scatter [tilespmem:s21], [sflag:$0x9], $0x1900, $0x38;
	[tilespmem:$0x1F450] =	vst v63  }
0x4f: {  	_ =	swait.ge [sflag:s22], $0x1900  }
0x50: {  	[sflag:s22] =	ssyncset.done $0x0  }
0x51: {  	[sflag:s22] =	ssyncadd.s32 $0xFFFFE700  }
0x52: {  	s6 =	simm.s32 $0x0;
	[bflag:$0x0] =	sbarrier.arrive $0xFFFF  }
0x53: {  	[tilespmem:s21], [sflag:$0x3] =	stream.indirect.gather [hbm4b:s1+s23], $0x80, s6, s23, $0xb8;
	[tilespmem:$0x1F450] =	vst v63  }
0x54: {  	_ = 	snop  }
0x55: {  	[tilespmem:s24], [sflag:$0x4] =	stream.indirect.gather [hbm4b:s1+s23], $0x80, s23, s23, $0xb8;
	[tilespmem:$0x1F450] =	vst v63  }
0x56: {  	s5 =	simm.s32 $0x90  }
0x57: {  	[tilespmem:s26], [sflag:$0x5] =	stream.indirect.gather [hbm4b:s1+s23], $0x80, s5, s23, $0xb8;
	[tilespmem:$0x1F450] =	vst v63  }
0x58: {  	_ =	swait.ge [sflag:s28], $0x2400  }
0x59: {  	[sflag:s28] =	ssyncset.done $0x0  }
0x5a: {  	s6 =	simm.s32 $0x27A8;
	[sflag:s28] =	ssyncadd.s32 $0xFFFFDC00  }
0x5b: {  	[spmem:s3] =	stream.indirect.scatter.add.f32 [tilespmem:s21], [sflag:$0x6], $0x80, s6, s23, $0xb8;
	[tilespmem:$0x1F450] =	vst v63  }
0x5c: {  	_ =	swait.ge [sflag:s29], $0x2400  }
0x5d: {  	[sflag:s29] =	ssyncset.done $0x0  }
0x5e: {  	s5 =	simm.s32 $0x27F0;
	[sflag:s29] =	ssyncadd.s32 $0xFFFFDC00  }
0x5f: {  	[spmem:s3] =	stream.indirect.scatter.add.f32 [tilespmem:s24], [sflag:$0x7], $0x80, s5, s23, $0xb8;
	[tilespmem:$0x1F450] =	vst v63  }
0x60: {  	_ =	swait.ge [sflag:s30], $0x2400  }
0x61: {  	[sflag:s30] =	ssyncset.done $0x0  }
0x62: {  	s6 =	simm.s32 $0x2838;
	[sflag:s30] =	ssyncadd.s32 $0xFFFFDC00  }
0x63: {  	[spmem:s3] =	stream.indirect.scatter.add.f32 [tilespmem:s26], [sflag:$0x8], $0x80, s6, s23, $0xb8;
	[tilespmem:$0x1F450] =	vst v63  }
0x64: {  	_ =	swait.ge [sflag:s31], $0x2400  }
0x65: {  	[sflag:s31] =	ssyncset.done $0x0  }
0x66: {  	s5 =	simm.s32 $0xD8;
	[sflag:s31] =	ssyncadd.s32 $0xFFFFDC00  }
0x67: {  	[tilespmem:s21], [sflag:$0x3] =	stream.indirect.gather [hbm4b:s1+s23], $0x80, s5, s23, $0xb8;
	[tilespmem:$0x1F450] =	vst v63  }
0x68: {  	_ =	swait.ge [sflag:s2], $0x2400  }
0x69: {  	[sflag:s2] =	ssyncset.done $0x0  }
0x6a: {  	s6 =	simm.s32 $0x120;
	[sflag:s2] =	ssyncadd.s32 $0xFFFFDC00  }
0x6b: {  	[tilespmem:s24], [sflag:$0x4] =	stream.indirect.gather [hbm4b:s1+s23], $0x80, s6, s23, $0xb8;
	[tilespmem:$0x1F450] =	vst v63  }
0x6c: {  	_ =	swait.ge [sflag:s0], $0x2400  }
0x6d: {  	[sflag:s0] =	ssyncset.done $0x0  }
0x6e: {  	s4 =	simm.s32 $0x360;
	s5 =	simm.s32 $0x168;
	[sflag:s0] =	ssyncadd.s32 $0xFFFFDC00  }
.LBB2_4:
0x6f: {  	[tilespmem:s26], [sflag:$0x5] =	stream.indirect.gather [hbm4b:s1+s23], $0x80, s5, s23, $0xb8;
	[tilespmem:$0x1F450] =	vst v63  }
0x70: {  	s5 =	smov.u32 s4;
	s4 =	sadd.s32 $0x360, s4;
	_ =	swait.ge [sflag:s28], $0x2400  }
0x71: {  	s5 =	sshra.s32 s5, $0x2;
	p0 =	sne.s32 s4, $0x97E0;
	[sflag:s28] =	ssyncset.done $0x0  }
0x72: {  	s6 =	sadd.s32 $0x27A8, s5;
	[sflag:s28] =	ssyncadd.s32 $0xFFFFDC00  }
0x73: {  	[spmem:s3] =	stream.indirect.scatter.add.f32 [tilespmem:s21], [sflag:$0x6], $0x80, s6, s23, $0xb8;
	[tilespmem:$0x1F450] =	vst v63  }
0x74: {  	_ =	swait.ge [sflag:s29], $0x2400  }
0x75: {  	[sflag:s29] =	ssyncset.done $0x0  }
0x76: {  	s6 =	sadd.s32 $0x27F0, s5;
	[sflag:s29] =	ssyncadd.s32 $0xFFFFDC00  }
0x77: {  	[spmem:s3] =	stream.indirect.scatter.add.f32 [tilespmem:s24], [sflag:$0x7], $0x80, s6, s23, $0xb8;
	[tilespmem:$0x1F450] =	vst v63  }
0x78: {  	_ =	swait.ge [sflag:s30], $0x2400  }
0x79: {  	[sflag:s30] =	ssyncset.done $0x0  }
0x7a: {  	s6 =	sadd.s32 $0x2838, s5;
	[sflag:s30] =	ssyncadd.s32 $0xFFFFDC00  }
0x7b: {  	[spmem:s3] =	stream.indirect.scatter.add.f32 [tilespmem:s26], [sflag:$0x8], $0x80, s6, s23, $0xb8;
	[tilespmem:$0x1F450] =	vst v63  }
0x7c: {  	_ =	swait.ge [sflag:s31], $0x2400  }
0x7d: {  	[sflag:s31] =	ssyncset.done $0x0  }
0x7e: {  	s6 =	sadd.s32 $0xD8, s5;
	[sflag:s31] =	ssyncadd.s32 $0xFFFFDC00  }
0x7f: {  	[tilespmem:s21], [sflag:$0x3] =	stream.indirect.gather [hbm4b:s1+s23], $0x80, s6, s23, $0xb8;
	[tilespmem:$0x1F450] =	vst v63  }
0x80: {  	_ =	swait.ge [sflag:s2], $0x2400  }
0x81: {  	[sflag:s2] =	ssyncset.done $0x0  }
.Ltmp1:
0x82: {  	s6 =	sadd.s32 $0x120, s5;
	[sflag:s2] =	ssyncadd.s32 $0xFFFFDC00;
	(pc) =	sbr.rel @p0 .LBB2_4-.Ltmp1, $4  }
0x83: {  	[tilespmem:s24], [sflag:$0x4] =	stream.indirect.gather [hbm4b:s1+s23], $0x80, s6, s23, $0xb8;
	[tilespmem:$0x1F450] =	vst v63  }
0x84: {  	_ =	swait.ge [sflag:s0], $0x2400  }
0x85: {  	[sflag:s0] =	ssyncset.done $0x0  }
0x86: {  	s5 =	sadd.s32 $0x168, s5;
	[sflag:s0] =	ssyncadd.s32 $0xFFFFDC00  }
0x87: {  	[tilespmem:s26], [sflag:$0x5] =	stream.indirect.gather [hbm4b:s1+s23], $0x80, s5, s23, $0xb8;
	[tilespmem:$0x1F450] =	vst v63  }
0x88: {  	_ =	swait.ge [sflag:s28], $0x2400  }
0x89: {  	s4 =	sshra.s32 s4, $0x2;
	[sflag:s28] =	ssyncset.done $0x0  }
0x8a: {  	s6 =	sadd.s32 $0x27A8, s4;
	[sflag:s28] =	ssyncadd.s32 $0xFFFFDC00  }
0x8b: {  	[spmem:s3] =	stream.indirect.scatter.add.f32 [tilespmem:s21], [sflag:$0x6], $0x80, s6, s23, $0xb8;
	[tilespmem:$0x1F450] =	vst v63  }
0x8c: {  	_ =	swait.ge [sflag:s29], $0x2400  }
0x8d: {  	[sflag:s29] =	ssyncset.done $0x0  }
0x8e: {  	s6 =	sadd.s32 $0x27F0, s4;
	[sflag:s29] =	ssyncadd.s32 $0xFFFFDC00  }
0x8f: {  	[spmem:s3] =	stream.indirect.scatter.add.f32 [tilespmem:s24], [sflag:$0x7], $0x80, s6, s23, $0xb8;
	[tilespmem:$0x1F450] =	vst v63  }
0x90: {  	_ =	swait.ge [sflag:s30], $0x2400  }
0x91: {  	[sflag:s30] =	ssyncset.done $0x0  }
0x92: {  	s6 =	sadd.s32 $0x2838, s4;
	[sflag:s30] =	ssyncadd.s32 $0xFFFFDC00  }
0x93: {  	[spmem:s3] =	stream.indirect.scatter.add.f32 [tilespmem:s26], [sflag:$0x8], $0x80, s6, s23, $0xb8;
	[tilespmem:$0x1F450] =	vst v63  }
0x94: {  	_ =	swait.ge [sflag:s31], $0x2400  }
0x95: {  	[sflag:s31] =	ssyncset.done $0x0  }
0x96: {  	s6 =	sadd.s32 $0xD8, s4;
	[sflag:s31] =	ssyncadd.s32 $0xFFFFDC00  }
0x97: {  	[tilespmem:s21], [sflag:$0x3] =	stream.indirect.gather [hbm4b:s1+s23], $0x80, s6, s23, $0xb8;
	[tilespmem:$0x1F450] =	vst v63  }
0x98: {  	_ =	swait.ge [sflag:s2], $0x2400  }
0x99: {  	[sflag:s2] =	ssyncset.done $0x0  }
0x9a: {  	s6 =	sadd.s32 $0x120, s4;
	[sflag:s2] =	ssyncadd.s32 $0xFFFFDC00  }
0x9b: {  	[tilespmem:s24], [sflag:$0x4] =	stream.indirect.gather [hbm4b:s1+s23], $0x80, s6, s23, $0xb8;
	[tilespmem:$0x1F450] =	vst v63  }
0x9c: {  	_ =	swait.ge [sflag:s0], $0x2400  }
0x9d: {  	[sflag:s0] =	ssyncset.done $0x0  }
0x9e: {  	s4 =	sadd.s32 $0x168, s4;
	[sflag:s0] =	ssyncadd.s32 $0xFFFFDC00  }
0x9f: {  	[tilespmem:s26], [sflag:$0x5] =	stream.indirect.gather [hbm4b:s1+s23], $0x80, s4, s23, $0xb8;
	[tilespmem:$0x1F450] =	vst v63  }
0xa0: {  	_ =	swait.ge [sflag:s28], $0x2400  }
0xa1: {  	[sflag:s28] =	ssyncset.done $0x0  }
0xa2: {  	s6 =	simm.s32 $0x4E78;
	[sflag:s28] =	ssyncadd.s32 $0xFFFFDC00  }
0xa3: {  	[spmem:s3] =	stream.indirect.scatter.add.f32 [tilespmem:s21], [sflag:$0x6], $0x80, s6, s23, $0xb8;
	[tilespmem:$0x1F450] =	vst v63  }
0xa4: {  	_ =	swait.ge [sflag:s29], $0x2400  }
0xa5: {  	[sflag:s29] =	ssyncset.done $0x0  }
0xa6: {  	s5 =	simm.s32 $0x4EC0;
	[sflag:s29] =	ssyncadd.s32 $0xFFFFDC00  }
0xa7: {  	[spmem:s3] =	stream.indirect.scatter.add.f32 [tilespmem:s24], [sflag:$0x7], $0x80, s5, s23, $0xb8;
	[tilespmem:$0x1F450] =	vst v63  }
0xa8: {  	_ =	swait.ge [sflag:s30], $0x2400  }
0xa9: {  	[sflag:s30] =	ssyncset.done $0x0  }
0xaa: {  	s6 =	simm.s32 $0x4F08;
	[sflag:s30] =	ssyncadd.s32 $0xFFFFDC00  }
0xab: {  	[spmem:s3] =	stream.indirect.scatter.add.f32 [tilespmem:s26], [sflag:$0x8], $0x80, s6, s23, $0xb8;
	[tilespmem:$0x1F450] =	vst v63  }
0xac: {  	_ =	swait.ge [sflag:s31], $0x2400  }
0xad: {  	[sflag:s31] =	ssyncset.done $0x0  }
0xae: {  	[sflag:s31] =	ssyncadd.s32 $0xFFFFDC00  }
0xaf: {  	[tilespmem:s21], [sflag:$0x3] =	stream.indirect.gather [hbm4b:s1+s23], $0x80, s25, s23, $0xb8;
	[tilespmem:$0x1F450] =	vst v63  }
0xb0: {  	_ =	swait.ge [sflag:s2], $0x2400  }
0xb1: {  	[sflag:s2] =	ssyncset.done $0x0  }
0xb2: {  	[sflag:s2] =	ssyncadd.s32 $0xFFFFDC00  }
0xb3: {  	[tilespmem:s24], [sflag:$0x4] =	stream.indirect.gather [hbm4b:s1+s23], $0x80, s25, s23, $0xb8;
	[tilespmem:$0x1F450] =	vst v63  }
0xb4: {  	_ =	swait.ge [sflag:s0], $0x2400  }
0xb5: {  	[sflag:s0] =	ssyncset.done $0x0  }
0xb6: {  	[sflag:s0] =	ssyncadd.s32 $0xFFFFDC00  }
0xb7: {  	[tilespmem:s26], [sflag:$0x5] =	stream.indirect.gather [hbm4b:s1+s23], $0x80, s25, s23, $0xb8;
	[tilespmem:$0x1F450] =	vst v63  }
0xb8: {  	_ =	swait.ge [sflag:s28], $0x2400  }
0xb9: {  	[sflag:s28] =	ssyncset.done $0x0  }
0xba: {  	[sflag:s28] =	ssyncadd.s32 $0xFFFFDC00  }
0xbb: {  	_ =	swait.ge [sflag:s29], $0x2400  }
0xbc: {  	[sflag:s29] =	ssyncset.done $0x0  }
0xbd: {  	[sflag:s29] =	ssyncadd.s32 $0xFFFFDC00  }
0xbe: {  	s5 =	stileid.u32;
	_ =	swait.ge [sflag:s30], $0x2400  }
0xbf: {  	s19 =	sadd.s32 $0x1, s19;
	s4 =	sshll.u32 s5, $0x6;
	[sflag:s30] =	ssyncset.done $0x0  }
0xc0: {  	p0 =	sne.s32 s19, s17;
	s4 =	sor.u32 $0x1C09, s4;
	[sflag:s30] =	ssyncadd.s32 $0xFFFFDC00  }
.Ltmp2:
0xc1: {  	s6 =	sshrl.u32 s7, $0x3;
	[bflag:$0x0] =	sbarrier.arrive $0xFFFF;
	(pc) =	sbr.rel @p0 .LBB2_1-.Ltmp2, $4  }
0xc2: {  	[hbm:s16], [sflag:s4] =	dma.local [spmem:s6], $0x2720  }
0xc3: {  	_ =	swait.ge [sflag:s22], $0x2720  }
0xc4: {  	[sflag:s22] =	ssyncset.done $0x0  }
0xc5: {  	[sflag:s22] =	ssyncadd.s32 $0xFFFFD8E0  }
0xc6: {  	_ =	sfence.sel $0x180000  }
0xc7: {  	[bflag:$0x0] =	sbarrier.arrive $0xFFFF  }
0xc8: {  	_ =	strace $0x9000004D  }
0xc9: {  	s0 =	stileid.u32;
	[bflag:$0x2] =	sbarrier.arrive $0xFFFF  }
0xca: {  	p0 =	sne.s32 s0, $0x0;
	s0 =	rddreg [dreg:$0x5]  }
0xcb: {  	s0 =	sadd.s32 @!p0 $0x100000, s0  }
0xcc: {  	[sflag:s0] =	ssyncadd.tile.s32 @!p0 $0x1;
	_ =	shalt  }
.Lfunc_end2:
_tile_overlayer_lowered:
.L_overlay_start_2:
0xcd: {  	(tag) =	ssettag $0x2  }
0xce: {  	s0 =	rddreg [dreg:$0x0];
	s2 =	stileid.u32  }
0xcf: {  	s1 =	rddreg [dreg:$0x1];
	p0 =	sne.s32 s2, $0x0  }
0xd0: {  	s3 =	rddreg [dreg:$0x2];
	[bflag:$0x3] =	sbarrier.arrive $0xFFFF;
	s2 =	simm.s32 @!p0 $0x1C09  }
0xd1: {  	[timem:s3], [sflag:s2] =	dma.local @!p0 [hbm:s0], s1  }
0xd2: {  	s0 =	simm.s32 @!p0 $0x9  }
0xd3: {  	_ =	swait.ge @!p0 [sflag:s0], s1  }
0xd4: {  	s1 =	ssub.s32 @!p0 $0x0, s1;
	[sflag:s0] =	ssyncset.done @!p0 $0x0  }
0xd5: {  	[sflag:s0] =	ssyncadd.s32 @!p0 s1  }
0xd6: {  	[bflag:$0x3] =	sbarrier.arrive $0xFFFF  }
0xd7: {  	_ =	shalt  }

// kernel: kernel.8.cloned.1.call-start
scs
__scs_entry_jumppad:
0x0: {  	(pc) =	sbr.rel $0x88, $3  }
0x1: {  	(tag) =	ssettag $0x0;
	lr =	simm.s32 $0x1  }
0x2: {  	[smem:$0x3F93] =	sst lr;
	_ =	strace $0xD0000000  }
0x3: {  	_ = 	snop  }
0x4: {  	_ = 	snop  }
0x5: {  	_ = 	snop  }
0x6: {  	_ = 	snop  }
0x7: {  	_ = 	snop  }
__scs_overlays_trampoline_lowered:
0x8: {  	[smem:$0x3FA2] =	sst s0  }
0x9: {  	[smem:$0x3FA3] =	sst s1  }
0xa: {  	[smem:$0x3FA4] =	sst s2  }
0xb: {  	[smem:$0x3FA5] =	sst s3  }
0xc: {  	[smem:$0x3FA6] =	sst s4  }
0xd: {  	[smem:$0x3FA7] =	sst s5  }
0xe: {  	[smem:$0x3FA8] =	sst s6  }
0xf: {  	[smem:$0x3FA9] =	sst s7  }
0x10: {  	[smem:$0x3FAA] =	sst s8  }
0x11: {  	[smem:$0x3FAB] =	sst s9;
	s0 =	simm.s32 @!p0 $0x0  }
0x12: {  	s1 =	sld [smem:$0x3F91];
	s0 =	simm.s32 @p0 $0x1  }
0x13: {  	[smem:$0x3FAC] =	sst s0;
	s0 =	simm.s32 @!p1 $0x0  }
0x14: {  	s2 =	sld [smem:$0x3F90];
	s0 =	simm.s32 @p1 $0x1  }
0x15: {  	[smem:$0x3FAD] =	sst s0;
	s0 =	simm.s32 @!p2 $0x0  }
0x16: {  	s3 =	sld [smem:$0x3FDB];
	s0 =	simm.s32 @p2 $0x1  }
0x17: {  	s4 =	simm.s32 $0x1BF5;
	[smem:$0x3FAF] =	sst s0  }
0x18: {  	s0 =	sld [smem:$0x3F92];
	_ =	swait.ge [sflag:s4], $0x0  }
0x19: {  	s7 =	sld [smem:$0x3F93]  }
0x1a: {  	s8 =	sadd.s32 $0xFFFFE003, lr  }
0x1b: {  	s9 =	sadd.s32 $0xFFFFFEF7, lr;
	s5 =	simm.s32 $0xFFFFFFFF;
	p2 =	slt.u32 s8, $0xFFFFF086  }
0x1c: {  	p1 =	slt.u32 s9, $0xF7A;
	s5 =	simm.s32 @!p2 $0x0  }
0x1d: {  	s5 =	simm.s32 @p1 $0x1;
	p0 =	seq.s32 s7, s2  }
0x1e: {  	s7 =	smul.u32 @!p0 $0xF7A, s2;
	p2 =	seq.s32 @!p0 s5, $0x0  }
0x1f: {  	s9 =	smul.u32 $0xF7A, s1;
	s8 =	simm.s32 @!p0 $0x1BF5;
	p2 =	por !p2, p0  }
0x20: {  	[sflag:s8] =	ssyncset.s32 @!p0 $0xFFFFF086;
	s6 =	sadd.s32 @!p0 s3, s7;
	s7 =	simm.s32 @!p0 $0x108  }
0x21: {  	s3 =	sadd.s32 s3, s9;
	s6 =	sadd.s32 @!p0 $0x88, s6;
	s7 =	simm.s32 @p2 $0x1082  }
0x22: {  	[simem:s7], [sflag:s8] =	dma.local @!p0 [hbm:s6], $0xF7A  }
0x23: {  	s9 =	sor.u32 $0xD0000000, s2;
	s6 =	simm.s32 $0x108;
	_ =	swait.ge @!p0 [sflag:s8], $0x0  }
0x24: {  	s3 =	sadd.s32 $0x88, s3;
	s6 =	simm.s32 @!p1 $0x1082;
	[sflag:s4] =	ssyncset.s32 $0xFFFFF086  }
0x25: {  	[simem:s6], [sflag:s4] =	dma.local [hbm:s3], $0xF7A  }
0x26: {  	[smem:$0x3F93] =	sst s1;
	(tag) =	ssettag s2;
	_ =	strace s9  }
0x27: {  	s1 =	sld [smem:$0x3FA3]  }
0x28: {  	s2 =	sld [smem:$0x3FA4]  }
0x29: {  	s4 =	sld [smem:$0x3FA6]  }
0x2a: {  	p0 =	seq.s32 s5, $0x0;
	s5 =	sld [smem:$0x3FA7]  }
0x2b: {  	s6 =	sld [smem:$0x3FA8]  }
0x2c: {  	s7 =	sld [smem:$0x3FA9]  }
0x2d: {  	s3 =	simm.s32 $0x108;
	s8 =	sld [smem:$0x3FAA]  }
0x2e: {  	s3 =	simm.s32 @!p0 $0x1082;
	s9 =	sld [smem:$0x3FAB]  }
0x2f: {  	lr =	sadd.s32 s0, s3;
	s0 =	sld [smem:$0x3FA2]  }
0x30: {  	s3 =	sld [smem:$0x3FA5]  }
0x31: {  	[smem:$0x3FAE] =	sst s10  }
0x32: {  	s10 =	sld [smem:$0x3FAC];
	_ =	sdelay $0x3  }
0x33: {  	p0 =	seq.s32 s10, $0x1;
	s10 =	sld [smem:$0x3FAE];
	_ =	sdelay $0x3  }
0x34: {  	[smem:$0x3FAE] =	sst s10  }
0x35: {  	s10 =	sld [smem:$0x3FAD];
	_ =	sdelay $0x3  }
0x36: {  	p1 =	seq.s32 s10, $0x1;
	s10 =	sld [smem:$0x3FAE];
	_ =	sdelay $0x3  }
0x37: {  	[smem:$0x3FAE] =	sst s10  }
0x38: {  	s10 =	sld [smem:$0x3FAF]  }
0x39: {  	_ = 	snop;
	(pc) =	sbr.ind lr, $3  }
0x3a: {  	_ = 	snop  }
0x3b: {  	_ = 	snop  }
0x3c: {  	p2 =	seq.s32 s10, $0x1;
	s10 =	sld [smem:$0x3FAE]  }
0x3d: {  	_ =	shalt  }
0x3e: {  	_ =	shalt  }
0x3f: {  	_ =	shalt  }
0x40: {  	_ =	shalt  }
0x41: {  	_ =	shalt  }
0x42: {  	_ =	shalt  }
0x43: {  	_ =	shalt  }
0x44: {  	_ =	shalt  }
0x45: {  	_ =	shalt  }
0x46: {  	_ =	shalt  }
0x47: {  	_ =	shalt  }
0x48: {  	_ =	shalt  }
0x49: {  	_ =	shalt  }
0x4a: {  	_ =	shalt  }
0x4b: {  	_ =	shalt  }
0x4c: {  	_ =	shalt  }
0x4d: {  	_ =	shalt  }
0x4e: {  	_ =	shalt  }
0x4f: {  	_ =	shalt  }
0x50: {  	_ =	shalt  }
0x51: {  	_ =	shalt  }
0x52: {  	_ =	shalt  }
0x53: {  	_ =	shalt  }
0x54: {  	_ =	shalt  }
0x55: {  	_ =	shalt  }
0x56: {  	_ =	shalt  }
0x57: {  	_ =	shalt  }
0x58: {  	_ =	shalt  }
0x59: {  	_ =	shalt  }
0x5a: {  	_ =	shalt  }
0x5b: {  	_ =	shalt  }
0x5c: {  	_ =	shalt  }
0x5d: {  	_ =	shalt  }
0x5e: {  	_ =	shalt  }
0x5f: {  	_ =	shalt  }
0x60: {  	_ =	shalt  }
0x61: {  	_ =	shalt  }
0x62: {  	_ =	shalt  }
0x63: {  	_ =	shalt  }
0x64: {  	_ =	shalt  }
0x65: {  	_ =	shalt  }
0x66: {  	_ =	shalt  }
0x67: {  	_ =	shalt  }
0x68: {  	_ =	shalt  }
0x69: {  	_ =	shalt  }
0x6a: {  	_ =	shalt  }
0x6b: {  	_ =	shalt  }
0x6c: {  	_ =	shalt  }
0x6d: {  	_ =	shalt  }
0x6e: {  	_ =	shalt  }
0x6f: {  	_ =	shalt  }
0x70: {  	_ =	shalt  }
0x71: {  	_ =	shalt  }
0x72: {  	_ =	shalt  }
0x73: {  	_ =	shalt  }
0x74: {  	_ =	shalt  }
0x75: {  	_ =	shalt  }
0x76: {  	_ =	shalt  }
0x77: {  	_ =	shalt  }
0x78: {  	_ =	shalt  }
0x79: {  	_ =	shalt  }
0x7a: {  	_ =	shalt  }
0x7b: {  	_ =	shalt  }
0x7c: {  	_ =	shalt  }
0x7d: {  	_ =	shalt  }
0x7e: {  	_ =	shalt  }
0x7f: {  	_ =	shalt  }
0x80: {  	_ =	shalt  }
0x81: {  	_ =	shalt  }
0x82: {  	_ =	shalt  }
0x83: {  	_ =	shalt  }
0x84: {  	_ =	shalt  }
0x85: {  	_ =	shalt  }
0x86: {  	_ =	shalt  }
0x87: {  	_ =	shalt  }
.Lfunc_end0:
.L_simem_size_0:
called_computation_lowered:
.L_overlay_start_0:
0x88: {  	s2 =	sld [smem:$0x3FD9]  }
0x89: {  	s3 =	sld [smem:$0x3FFE];
	_ =	sdelay $0x1  }
0x8a: {  	s1 =	srdreg.scid  }
0x8b: {  	s0 =	sand.u32 $0x1, s1  }
0x8c: {  	s15 =	sshll.u32 s0, $0xA;
	s2 =	sadd.s32 s3, s2  }
0x8d: {  	s2 =	sadd.s32 s2, s15  }
0x8e: {  	[smem:$0x3FBA] =	sst s2  }
0x8f: {  	_ = 	snop  }
0x90: {  	s2 =	sld [smem:$0x3FD0];
	_ =	sdelay $0x2  }
0x91: {  	s16 =	simm.s32 $0xA;
	s4 =	simm.s32 $0x10  }
0x92: {  	[smem:s4], [sflag:s16] =	dma.local [hbm:s2], $0x1  }
0x93: {  	_ =	swait.eq [sflag:s16], $0x1  }
0x94: {  	[sflag:s16] =	ssyncset.done $0x0  }
0x95: {  	s17 =	sld [smem:$0x13];
	[sflag:s16] =	ssyncadd.s32 $0xFFFFFFFF  }
0x96: {  	s18 =	sld [smem:$0x14];
	(tm) =	ssettm $0x1  }
0x97: {  	s19 =	sld [smem:$0x3FFB];
	_ =	sdelay $0x3  }
0x98: {  	_ =	strace s19  }
0x99: {  	s4 =	sld [smem:$0x3FFC];
	_ =	sdelay $0x3  }
0x9a: {  	_ =	strace s4  }
0x9b: {  	s4 =	sld [smem:$0x3FFD];
	_ =	sdelay $0x3  }
0x9c: {  	_ =	strace s4  }
0x9d: {  	_ =	strace $0x8FFFFFFF  }
0x9e: {  	s20 =	sld [smem:$0x3FDB];
	_ =	sdelay $0x1  }
0x9f: {  	s5 =	simm.s32 $_scs_section_size  }
0xa0: {  	s6 =	simm.s32 $_size__tile_overlayer_lowered;
	s7 =	simm.s32 $_tile_overlayer_lowered  }
0xa1: {  	s23 =	simm.s32 $0x1BFF;
	s22 =	sshll.u32 s7, $0x1;
	s4 =	sadd.s32 s5, s20  }
0xa2: {  	s8 =	simm.s32 $0x0;
	s21 =	sshll.u32 s6, $0x1;
	s6 =	sadd.s32 s22, s4  }
0xa3: {  	[timem:s8], [sflag:s23] =	dma.local [hbm:s6], s21  }
0xa4: {  	_ =	swait.ge [sflag:s23], s21  }
0xa5: {  	s5 =	ssub.s32 $0x0, s21;
	[sflag:s23] =	ssyncset.done $0x0  }
0xa6: {  	[sflag:s23] =	ssyncadd.s32 s5;
	_ =	sdelay $0x1  }
0xa7: {  	s24 =	simm.s32 $0x1B8B  }
0xa8: {  	_ =	swait.ge [sflag:s24], $0x1  }
0xa9: {  	[sflag:s24] =	ssyncset.done $0x0  }
0xaa: {  	s25 =	simm.s32 $0x1B8E;
	[sflag:s24] =	ssyncadd.s32 $0xFFFFFFFF  }
0xab: {  	s26 =	simm.s32 $execute0_lowered;
	[smem:$0x3FD2] =	sst s25  }
0xac: {  	s5 =	sshll.u32 s26, $0x1;
	_ =	strace $0x80000046;
	[dreg:$0x1] =	wrdreg $0xFFFFFFFF  }
0xad: {  	s28 =	simm.s32 $_size_execute0_lowered;
	s4 =	sadd.s32 s4, s5;
	[dreg:$0x0] =	wrdreg $0x0  }
0xae: {  	s5 =	sshll.u32 s28, $0x1;
	[dreg:$0x2] =	wrdreg s4  }
0xaf: {  	[dreg:$0x3] =	wrdreg s5  }
0xb0: {  	[dreg:$0x4] =	wrdreg $0xC0  }
0xb1: {  	_ =	task [dreg:s8], $0x5FFFF  }
0xb2: {  	[dreg:$0x1] =	wrdreg $0xFFFFFFFF  }
0xb3: {  	[dreg:$0x0] =	wrdreg $0x60  }
0xb4: {  	[dreg:$0x2] =	wrdreg s17  }
0xb5: {  	[dreg:$0x3] =	wrdreg s18  }
0xb6: {  	[dreg:$0x4] =	wrdreg $0x53480  }
0xb7: {  	[dreg:$0x5] =	wrdreg $0x9  }
0xb8: {  	_ =	task.clear_ibuf [dreg:s8], $0x6FFFF;
	_ =	strace $0x90000046  }
0xb9: {  	s29 =	simm.s32 $0x9;
	_ =	strace $0x80000048  }
0xba: {  	_ =	swait.ge [sflag:s29], $0x1  }
0xbb: {  	[sflag:s29] =	ssyncadd.s32 $0xFFFFFFFF  }
0xbc: {  	_ =	strace $0x90000048  }
0xbd: {  	_ =	sfence  }
0xbe: {  	s30 =	sld [smem:$0x0];
	_ =	sdelay $0x2  }
0xbf: {  	s31 =	sshll.u32 s1, $0xD;
	s1 =	sshrl.u32 s1, $0x2  }
0xc0: {  	s3 =	sand.u32 $0x4000, s31;
	s1 =	sadd.s32 s1, s30  }
0xc1: {  	s0 =	sor.u32 s3, s0;
	s1 =	sshll.u32 s1, $0x11  }
0xc2: {  	s0 =	sor.u32 s1, s0  }
0xc3: {  	s0 =	sadd.s32 $0x8F2B, s0  }
0xc4: {  	[sflag:s0] =	ssyncadd.remote.s32 $0x1  }
0xc5: {  	_ =	sfence.sel $0xFFFF  }
0xc6: {  	[dreg:$0x0] =	wrdreg $0xFFFFFFFF;
	(pc) =	sbr.abs _section_cstart, $3  }
0xc7: {  	[dreg:$0x1] =	wrdreg $0xFFFFFFFF  }
0xc8: {  	_ =	task.clear_ibuf [dreg:s8], $0x2FFFF;
	_ =	strace $0x9FFFFFFF  }
0xc9: {  	(tm) =	ssettm $0x7FFFFFFF  }
tec
execute0_lowered:
.L_overlay_start_1:
0x0: {  	(tag) =	ssettag $0x1  }
0x1: {  	s4 =	rddreg [dreg:$0x0]  }
0x2: {  	s6 =	rddreg [dreg:$0x1];
	s0 =	srdreg.scid  }
0x3: {  	s2 =	rddreg [dreg:$0x2];
	s1 =	stileid.u32;
	s3 =	simm.s32 $0x0  }
0x4: {  	s11 =	simm.s32 $0x48;
	s12 =	simm.s32 $0x27A8;
	s15 =	simm.s32 $0x0  }
0x5: {  	s5 =	sand.u32 $0x1, s0;
	s0 =	rddreg [dreg:$0x3];
	s8 =	smul.u32 $0x2720, s1  }
0x6: {  	[smem:$0x7FF] =	sst s3;
	s13 =	sshll.u32 s1, $0x6;
	s7 =	sshll.u32 s5, $0x4  }
0x7: {  	s9 =	smul.u32 $0x27200, s5;
	s5 =	ssub.s32 $0x2, s5;
	_ =	strace $0x80000047  }
0x8: {  	s13 =	sor.u32 $0x1C02, s13;
	s7 =	sor.u32 s1, s7;
	s10 =	sshrl.u32 s5, $0x1  }
0x9: {  	s7 =	smul.u32 $0x4F5, s7;
	s9 =	sadd.s32 s8, s9;
	s10 =	ssub.s32 s5, s10  }
0xa: {  	s5 =	sadd.s32 s8, s2;
	s8 =	simm.s32 $0x1;
	s31 =	sshrl.u32 s9, $0x3  }
0xb: {  	s9 =	simm.s32 $0x2C28;
	s14 =	sshrl.u32 s5, $0x3;
	s4 =	sadd.s32 s4, s7  }
0xc: {  	v0 =	vimm.f32 $1.000000000e+00;
	v1 =	vimm.f32 $0.0e+00;
	s6 =	sadd.s32 s6, s31;
	s7 =	smax.u32 s10, $0x1;
	s10 =	simm.s32 $0x2  }
.LBB2_1:
0xd: {  	[tilespmem:s3], [sflag:$0x1] =	stream.linear.gather [hbm4b:s4+s3], $0x27A8, $0x38;
	[tilespmem:$0x7A68] =	vst v63  }
0xe: {  	_ =	swait.ge [sflag:s8], $0x27A8  }
0xf: {  	[sflag:s8] =	ssyncset.done $0x0  }
0x10: {  	s16 =	simm.s32 $0x0;
	[sflag:s8] =	ssyncadd.s32 $0xFFFFD858  }
.LBB2_2:
0x11: {  	p0 =	sne.s32 s16, $0x11C0  }
.Ltmp0:
0x12: {  	_ = 	snop;
	(pc) =	sbr.rel @p0 .LBB2_2-.Ltmp0, $3  }
0x13: {  	_ =	sdelay $0x1  }
0x14: {  	s17 =	sshra.s32 s16, $0x2  }
0x15: {  	s16 =	sadd.s32 $0x40, s16;
	[tilespmem:s17+$0x27A8] =	vst v0  }
0x16: {  	s16 =	simm.s32 $0x40;
	s17 =	simm.s32 $0x0  }
.LBB2_4:
0x17: {  	p0 =	sne.s32 s16, $0x9C40;
	[tilespmem:s17+$0x2C28] =	vst v1;
	s17 =	smov.u32 s16;
	s16 =	sadd.s32 $0x40, s16  }
.Ltmp1:
0x18: {  	(pc) =	sbr.rel @p0 .LBB2_4-.Ltmp1, $2  }
0x19: {  	_ =	sdelay $0x2  }
0x1a: {  	s17 =	sshra.s32 s17, $0x2  }
0x1b: {  	[tilespmem:s17+$0x2C28] =	vst v1  }
0x1c: {  	[spmem:s5] =	stream.linear.scatter [tilespmem:s9], [sflag:$0x2], $0x2720, $0x38;
	[tilespmem:$0x7A68] =	vst v63  }
0x1d: {  	_ =	swait.ge [sflag:s10], $0x2720  }
0x1e: {  	[sflag:s10] =	ssyncset.done $0x0  }
0x1f: {  	[sflag:s10] =	ssyncadd.s32 $0xFFFFD8E0  }
0x20: {  	s16 =	simm.s32 $0x0;
	[bflag:$0x0] =	sbarrier.arrive $0xFFFF  }
0x21: {  	[spmem:s2] =	stream.indirect.scatter.add.f32 [tilespmem:s12], [sflag:$0x2], $0x10, s16, s11, $0xb8;
	[tilespmem:$0x7A68] =	vst v63  }
0x22: {  	_ =	swait.ge [sflag:s10], $0x480  }
0x23: {  	s16 =	simm.s32 $0x120;
	[sflag:s10] =	ssyncset.done $0x0  }
.LBB2_6:
0x24: {  	s17 =	sshra.s32 s16, $0x2;
	[sflag:s10] =	ssyncadd.s32 $0xFFFFFB80;
	p0 =	sne.s32 s16, $0x9D80  }
0x25: {  	[spmem:s2] =	stream.indirect.scatter.add.f32 [tilespmem:s12], [sflag:$0x2], $0x10, s17, s11, $0xb8;
	[tilespmem:$0x7A68] =	vst v63  }
.Ltmp2:
0x26: {  	_ = 	snop;
	(pc) =	sbr.rel @p0 .LBB2_6-.Ltmp2, $4  }
0x27: {  	_ = 	snop  }
0x28: {  	s16 =	sadd.s32 $0x120, s16  }
0x29: {  	_ =	swait.ge [sflag:s10], $0x480  }
0x2a: {  	[sflag:s10] =	ssyncset.done $0x0  }
0x2b: {  	s15 =	sadd.s32 $0x1, s15  }
0x2c: {  	[sflag:s10] =	ssyncadd.s32 $0xFFFFFB80;
	p0 =	sne.s32 s15, s7  }
.Ltmp3:
0x2d: {  	[bflag:$0x0] =	sbarrier.arrive $0xFFFF;
	(pc) =	sbr.rel @p0 .LBB2_1-.Ltmp3, $4  }
0x2e: {  	[hbm:s6], [sflag:s13] =	dma.local [spmem:s14], $0x4E4  }
0x2f: {  	_ =	swait.ge [sflag:s10], $0x4E4  }
0x30: {  	[sflag:s10] =	ssyncset.done $0x0  }
0x31: {  	[sflag:s10] =	ssyncadd.s32 $0xFFFFFB1C  }
0x32: {  	_ =	sfence.sel $0x180000  }
0x33: {  	[bflag:$0x0] =	sbarrier.arrive $0xFFFF  }
0x34: {  	p0 =	sne.s32 s1, $0x0;
	_ =	strace $0x90000047  }
0x35: {  	s0 =	sadd.s32 @!p0 $0x100000, s0;
	[bflag:$0x2] =	sbarrier.arrive $0xFFFF  }
0x36: {  	[sflag:s0] =	ssyncadd.tile.s32 @!p0 $0x1;
	_ =	shalt  }
.Lfunc_end2:
_tile_overlayer_lowered:
.L_overlay_start_2:
0x37: {  	(tag) =	ssettag $0x2  }
0x38: {  	s0 =	rddreg [dreg:$0x0];
	s2 =	stileid.u32  }
0x39: {  	s1 =	rddreg [dreg:$0x1];
	p0 =	sne.s32 s2, $0x0  }
0x3a: {  	s3 =	rddreg [dreg:$0x2];
	[bflag:$0x3] =	sbarrier.arrive $0xFFFF;
	s2 =	simm.s32 @!p0 $0x1C02  }
0x3b: {  	[timem:s3], [sflag:s2] =	dma.local @!p0 [hbm:s0], s1  }
0x3c: {  	s0 =	simm.s32 @!p0 $0x2  }
0x3d: {  	_ =	swait.ge @!p0 [sflag:s0], s1  }
0x3e: {  	s1 =	ssub.s32 @!p0 $0x0, s1;
	[sflag:s0] =	ssyncset.done @!p0 $0x0  }
0x3f: {  	[sflag:s0] =	ssyncadd.s32 @!p0 s1  }
0x40: {  	[bflag:$0x3] =	sbarrier.arrive $0xFFFF  }
0x41: {  	_ =	shalt  }

</sc_bundles>
